<compile_context>
chip_gen: v7x
topology: tpu7x:2x2x1
jax: 0.10.2.dev20260603
libtpu: 0.0.44.dev20260713+nightly
codegen_flags: <defaults>
</compile_context>

<pallas_src>
import functools

import jax
import jax.numpy as jnp
from jax import lax
from jax.experimental import pallas as pl
from jax.experimental.pallas import tpu as pltpu
from jax.experimental.pallas import tpu_sc as plsc

_L = 16


def _build_sc_call(B: int):
    info = plsc.get_sparse_core_info()
    nc = 1
    nw = nc * info.num_subcores
    chunk = B // nw
    assert chunk % _L == 0 and chunk % 8 == 0

    mesh = plsc.VectorSubcoreMesh(
        core_axis_name="c", subcore_axis_name="s", num_cores=nc)
    out = jax.ShapeDtypeStruct((B,), jnp.float32)
    fscalar = pltpu.VMEM((_L,), jnp.float32)

    @functools.partial(
        pl.kernel,
        out_type=[out, out, out],
        mesh=mesh,
        scratch_types=[
            pltpu.VMEM((chunk,), jnp.int32),
            fscalar, fscalar, fscalar, fscalar, fscalar,
            pltpu.VMEM((chunk,), jnp.float32),
            pltpu.VMEM((chunk,), jnp.float32),
            pltpu.VMEM((chunk,), jnp.float32),
            pltpu.SemaphoreType.DMA,
            pltpu.SemaphoreType.DMA,
        ],
    )
    def sc_fn(x_hbm, e_hbm, w1_hbm, b1_hbm, w2_hbm, b2_hbm,
              emb_hbm, dense_hbm, diff_hbm,
              x_v, e_v, w1_v, b1_v, w2_v, b2_v,
              emb_v, dense_v, diff_v,
              in_sem, out_sem):
        wid = lax.axis_index("s") * nc + lax.axis_index("c")
        base = wid * chunk
        half = chunk // 2
        cp_xa = pltpu.async_copy(
            x_hbm.at[pl.ds(base, half)], x_v.at[pl.ds(0, half)], in_sem)
        cp_xb = pltpu.async_copy(
            x_hbm.at[pl.ds(base + half, half)], x_v.at[pl.ds(half, half)],
            in_sem)
        cps = [
            pltpu.async_copy(e_hbm, e_v.at[pl.ds(0, 1)], in_sem),
            pltpu.async_copy(w1_hbm, w1_v.at[pl.ds(0, 1)], in_sem),
            pltpu.async_copy(b1_hbm, b1_v.at[pl.ds(0, 1)], in_sem),
            pltpu.async_copy(w2_hbm, w2_v.at[pl.ds(0, 1)], in_sem),
            pltpu.async_copy(b2_hbm, b2_v.at[pl.ds(0, 1)], in_sem),
        ]
        for cp in cps:
            cp.wait()
        cp_xa.wait()

        lane0 = jnp.zeros((_L,), jnp.int32)
        bcast = lambda ref: ref[...].at[lane0].get(mode="promise_in_bounds")
        table = bcast(e_v)
        w1 = bcast(w1_v)
        bb1 = bcast(b1_v)
        w2 = bcast(w2_v)
        bb2 = bcast(b2_v)

        nq = 4
        sub = chunk // nq
        outs = []
        for q in range(nq):
            if q == nq // 2:
                cp_xb.wait()
            off = q * sub
            for i in range(sub // _L):
                sl = pl.ds(off + i * _L, _L)
                idx = x_v[sl]
                emb = table.at[idx].get(mode="promise_in_bounds")
                emb_o = emb * w1 + bb1
                dense_o = idx.astype(jnp.float32) * w2 + bb2
                emb_v[sl] = emb_o
                dense_v[sl] = dense_o
                diff_v[sl] = emb_o - dense_o
            hs = pl.ds(base + off, sub)
            vs = pl.ds(off, sub)
            outs.append(pltpu.async_copy(emb_v.at[vs], emb_hbm.at[hs], out_sem))
            outs.append(pltpu.async_copy(dense_v.at[vs], dense_hbm.at[hs], out_sem))
            outs.append(pltpu.async_copy(diff_v.at[vs], diff_hbm.at[hs], out_sem))
        for cp in outs:
            cp.wait()

    return sc_fn


def kernel(x, E, W1, b1, W2, b2):
    B = x.shape[0]
    x_flat = x.reshape(B).astype(jnp.int32)
    args = [a.reshape(-1)[:1].astype(jnp.float32)
            for a in (E, W1, b1, W2, b2)]
    emb_o, dense_o, diff = _build_sc_call(B)(x_flat, *args)
    return (emb_o.reshape(B, 1), dense_o.reshape(B, 1), diff.reshape(B, 1))

# --- scband reference (transcript-rebuilt; emitter-appended) ---
"""Pipeline reference for scband-my-model-87522843560877 (READ-ONLY COPY).

The authoritative reference and input builder live on the scoring server;
editing this copy changes nothing except your own understanding.
"""

import jax, jax.numpy as jnp
import numpy as np


def setup_inputs(seed: int = 0) -> dict:
    key = jax.random.key(seed)
    k1, k2, k3, k4, k5, k6 = jax.random.split(key, 6)
    B = 16384
    # forward input: int indices in [0, 1) since Embedding(input_dim=1)
    x = jax.random.randint(k1, (B, 1), 0, 1, dtype=jnp.int64)
    # learned params per module definition (hardcoded tiny dims)
    E = jax.random.normal(k2, (1, 1), dtype=jnp.float32)   # embedding table [vocab=1, dim=1]
    W1 = jax.random.normal(k3, (1, 1), dtype=jnp.float32)  # dense after flatten: in=1*1, out=1
    b1 = jnp.zeros((1,), dtype=jnp.float32)
    W2 = jax.random.normal(k4, (1, 1), dtype=jnp.float32)  # dense_only: in=1, out=1
    b2 = jnp.zeros((1,), dtype=jnp.float32)
    return {"x": x, "E": E, "W1": W1, "b1": b1, "W2": W2, "b2": b2}


def reference(x, E, W1, b1, W2, b2):
    # embedding lookup: [B, 1] int -> [B, 1, 1]
    emb = jnp.take(E, x, axis=0)
    # flatten: [B, 1]
    B = x.shape[0]
    flat = emb.reshape(B, -1)
    # dense: [B, 1]
    emb_out = flat @ W1 + b1
    # dense_only path on cast input
    x_float = x.reshape(-1, 1).astype(jnp.float32)
    dense_out = x_float @ W2 + b2
    diff = emb_out - dense_out
    return (emb_out, dense_out, diff)

if __name__ == "__main__":
    import jax
    _d = setup_inputs()
    print(jax.jit(kernel)(*tuple(_d.values())))

</pallas_src>

<mosaic_0001>
#map = affine_map<(d0, d1) -> (0)>
module attributes {stable_mosaic.version = 14 : i64} {
  func.func @sc_fn(%arg0: i32, %arg1: i32, %arg2: memref<16384xi32, #tpu.memory_space<hbm>>, %arg3: memref<1xf32, #tpu.memory_space<hbm>>, %arg4: memref<1xf32, #tpu.memory_space<hbm>>, %arg5: memref<1xf32, #tpu.memory_space<hbm>>, %arg6: memref<1xf32, #tpu.memory_space<hbm>>, %arg7: memref<1xf32, #tpu.memory_space<hbm>>, %arg8: memref<16384xf32, #tpu.memory_space<hbm>>, %arg9: memref<16384xf32, #tpu.memory_space<hbm>>, %arg10: memref<16384xf32, #tpu.memory_space<hbm>>, %arg11: memref<1024xi32, #tpu.memory_space<vmem>>, %arg12: memref<16xf32, #tpu.memory_space<vmem>>, %arg13: memref<16xf32, #tpu.memory_space<vmem>>, %arg14: memref<16xf32, #tpu.memory_space<vmem>>, %arg15: memref<16xf32, #tpu.memory_space<vmem>>, %arg16: memref<16xf32, #tpu.memory_space<vmem>>, %arg17: memref<1024xf32, #tpu.memory_space<vmem>>, %arg18: memref<1024xf32, #tpu.memory_space<vmem>>, %arg19: memref<1024xf32, #tpu.memory_space<vmem>>, %arg20: memref<!tpu.dma_semaphore, #tpu.memory_space<semaphore_mem>>, %arg21: memref<!tpu.dma_semaphore, #tpu.memory_space<semaphore_mem>>) attributes {dimension_semantics = [#tpu.dimension_semantics<core_parallel>, #tpu.dimension_semantics<subcore_parallel>], iteration_bounds = array<i64: 1, 16>, scalar_prefetch = 0 : i64, scratch_operands = 11 : i64, tpu.core_type = #tpu.core_type<sc_vector_subcore>, window_params = [{transform_indices = #map}, {transform_indices = #map}, {transform_indices = #map}, {transform_indices = #map}, {transform_indices = #map}, {transform_indices = #map}, {transform_indices = #map}, {transform_indices = #map}, {transform_indices = #map}]} {
    %mul3A = arith.constant 1 : i32
    %mul3A_0 = arith.muli %arg1, %mul3A : i32
    %add3A = arith.addi %mul3A_0, %arg0 : i32
    %mul3A_1 = arith.constant 1024 : i32
    %mul3A_2 = arith.muli %add3A, %mul3A_1 : i32
    %dma_start3A = arith.constant 0 : i32
    %dma_start3A_3 = tpu.memref_slice %arg11[%dma_start3A] : memref<1024xi32, #tpu.memory_space<vmem>> -> memref<512xi32, #tpu.memory_space<vmem>>
    %dma_start3A_4 = tpu.memref_slice %arg2[%mul3A_2] : memref<16384xi32, #tpu.memory_space<hbm>> -> memref<512xi32, #tpu.memory_space<hbm>>
    %dma_start3A_5 = arith.constant 0 : i32
    %dma_start3A_6 = tpu.memref_slice %arg11[%dma_start3A_5] : memref<1024xi32, #tpu.memory_space<vmem>> -> memref<512xi32, #tpu.memory_space<vmem>>
    %dma_start3A_7 = tpu.memref_slice %arg2[%mul3A_2] : memref<16384xi32, #tpu.memory_space<hbm>> -> memref<512xi32, #tpu.memory_space<hbm>>
    tpu.enqueue_dma source(%dma_start3A_7 : memref<512xi32, #tpu.memory_space<hbm>>) target(%dma_start3A_6 : memref<512xi32, #tpu.memory_space<vmem>>) target_semaphore(%arg20 : memref<!tpu.dma_semaphore, #tpu.memory_space<semaphore_mem>>)
    %add3A_8 = arith.constant 512 : i32
    %add3A_9 = arith.addi %mul3A_2, %add3A_8 : i32
    %dma_start3A_10 = arith.constant 512 : i32
    %dma_start3A_11 = tpu.memref_slice %arg11[%dma_start3A_10] : memref<1024xi32, #tpu.memory_space<vmem>> -> memref<512xi32, #tpu.memory_space<vmem>>
    %dma_start3A_12 = tpu.memref_slice %arg2[%add3A_9] : memref<16384xi32, #tpu.memory_space<hbm>> -> memref<512xi32, #tpu.memory_space<hbm>>
    %dma_start3A_13 = arith.constant 512 : i32
    %dma_start3A_14 = tpu.memref_slice %arg11[%dma_start3A_13] : memref<1024xi32, #tpu.memory_space<vmem>> -> memref<512xi32, #tpu.memory_space<vmem>>
    %dma_start3A_15 = tpu.memref_slice %arg2[%add3A_9] : memref<16384xi32, #tpu.memory_space<hbm>> -> memref<512xi32, #tpu.memory_space<hbm>>
    tpu.enqueue_dma source(%dma_start3A_15 : memref<512xi32, #tpu.memory_space<hbm>>) target(%dma_start3A_14 : memref<512xi32, #tpu.memory_space<vmem>>) target_semaphore(%arg20 : memref<!tpu.dma_semaphore, #tpu.memory_space<semaphore_mem>>)
    %dma_start3A_16 = arith.constant 0 : i32
    %dma_start3A_17 = tpu.memref_slice %arg12[%dma_start3A_16] : memref<16xf32, #tpu.memory_space<vmem>> -> memref<1xf32, #tpu.memory_space<vmem>>
    %dma_start3A_18 = arith.constant 0 : i32
    %dma_start3A_19 = tpu.memref_slice %arg12[%dma_start3A_18] : memref<16xf32, #tpu.memory_space<vmem>> -> memref<1xf32, #tpu.memory_space<vmem>>
    tpu.enqueue_dma source(%arg3 : memref<1xf32, #tpu.memory_space<hbm>>) target(%dma_start3A_19 : memref<1xf32, #tpu.memory_space<vmem>>) target_semaphore(%arg20 : memref<!tpu.dma_semaphore, #tpu.memory_space<semaphore_mem>>)
    %dma_start3A_20 = arith.constant 0 : i32
    %dma_start3A_21 = tpu.memref_slice %arg13[%dma_start3A_20] : memref<16xf32, #tpu.memory_space<vmem>> -> memref<1xf32, #tpu.memory_space<vmem>>
    %dma_start3A_22 = arith.constant 0 : i32
    %dma_start3A_23 = tpu.memref_slice %arg13[%dma_start3A_22] : memref<16xf32, #tpu.memory_space<vmem>> -> memref<1xf32, #tpu.memory_space<vmem>>
    tpu.enqueue_dma source(%arg4 : memref<1xf32, #tpu.memory_space<hbm>>) target(%dma_start3A_23 : memref<1xf32, #tpu.memory_space<vmem>>) target_semaphore(%arg20 : memref<!tpu.dma_semaphore, #tpu.memory_space<semaphore_mem>>)
    %dma_start3A_24 = arith.constant 0 : i32
    %dma_start3A_25 = tpu.memref_slice %arg14[%dma_start3A_24] : memref<16xf32, #tpu.memory_space<vmem>> -> memref<1xf32, #tpu.memory_space<vmem>>
    %dma_start3A_26 = arith.constant 0 : i32
    %dma_start3A_27 = tpu.memref_slice %arg14[%dma_start3A_26] : memref<16xf32, #tpu.memory_space<vmem>> -> memref<1xf32, #tpu.memory_space<vmem>>
    tpu.enqueue_dma source(%arg5 : memref<1xf32, #tpu.memory_space<hbm>>) target(%dma_start3A_27 : memref<1xf32, #tpu.memory_space<vmem>>) target_semaphore(%arg20 : memref<!tpu.dma_semaphore, #tpu.memory_space<semaphore_mem>>)
    %dma_start3A_28 = arith.constant 0 : i32
    %dma_start3A_29 = tpu.memref_slice %arg15[%dma_start3A_28] : memref<16xf32, #tpu.memory_space<vmem>> -> memref<1xf32, #tpu.memory_space<vmem>>
    %dma_start3A_30 = arith.constant 0 : i32
    %dma_start3A_31 = tpu.memref_slice %arg15[%dma_start3A_30] : memref<16xf32, #tpu.memory_space<vmem>> -> memref<1xf32, #tpu.memory_space<vmem>>
    tpu.enqueue_dma source(%arg6 : memref<1xf32, #tpu.memory_space<hbm>>) target(%dma_start3A_31 : memref<1xf32, #tpu.memory_space<vmem>>) target_semaphore(%arg20 : memref<!tpu.dma_semaphore, #tpu.memory_space<semaphore_mem>>)
    %dma_start3A_32 = arith.constant 0 : i32
    %dma_start3A_33 = tpu.memref_slice %arg16[%dma_start3A_32] : memref<16xf32, #tpu.memory_space<vmem>> -> memref<1xf32, #tpu.memory_space<vmem>>
    %dma_start3A_34 = arith.constant 0 : i32
    %dma_start3A_35 = tpu.memref_slice %arg16[%dma_start3A_34] : memref<16xf32, #tpu.memory_space<vmem>> -> memref<1xf32, #tpu.memory_space<vmem>>
    tpu.enqueue_dma source(%arg7 : memref<1xf32, #tpu.memory_space<hbm>>) target(%dma_start3A_35 : memref<1xf32, #tpu.memory_space<vmem>>) target_semaphore(%arg20 : memref<!tpu.dma_semaphore, #tpu.memory_space<semaphore_mem>>)
    %dma_wait3A = arith.constant 0 : i32
    %dma_wait3A_36 = tpu.memref_slice %arg12[%dma_wait3A] : memref<16xf32, #tpu.memory_space<vmem>> -> memref<1xf32, #tpu.memory_space<vmem>>
    %dma_wait3A_37 = arith.constant 0 : i32
    %dma_wait3A_38 = tpu.memref_slice %arg12[%dma_wait3A_37] : memref<16xf32, #tpu.memory_space<vmem>> -> memref<1xf32, #tpu.memory_space<vmem>>
    tpu.wait_dma2 semaphore(%arg20 : memref<!tpu.dma_semaphore, #tpu.memory_space<semaphore_mem>>) src(%arg3 : memref<1xf32, #tpu.memory_space<hbm>>) dst(%dma_wait3A_38 : memref<1xf32, #tpu.memory_space<vmem>>)
    %dma_wait3A_39 = arith.constant 0 : i32
    %dma_wait3A_40 = tpu.memref_slice %arg13[%dma_wait3A_39] : memref<16xf32, #tpu.memory_space<vmem>> -> memref<1xf32, #tpu.memory_space<vmem>>
    %dma_wait3A_41 = arith.constant 0 : i32
    %dma_wait3A_42 = tpu.memref_slice %arg13[%dma_wait3A_41] : memref<16xf32, #tpu.memory_space<vmem>> -> memref<1xf32, #tpu.memory_space<vmem>>
    tpu.wait_dma2 semaphore(%arg20 : memref<!tpu.dma_semaphore, #tpu.memory_space<semaphore_mem>>) src(%arg4 : memref<1xf32, #tpu.memory_space<hbm>>) dst(%dma_wait3A_42 : memref<1xf32, #tpu.memory_space<vmem>>)
    %dma_wait3A_43 = arith.constant 0 : i32
    %dma_wait3A_44 = tpu.memref_slice %arg14[%dma_wait3A_43] : memref<16xf32, #tpu.memory_space<vmem>> -> memref<1xf32, #tpu.memory_space<vmem>>
    %dma_wait3A_45 = arith.constant 0 : i32
    %dma_wait3A_46 = tpu.memref_slice %arg14[%dma_wait3A_45] : memref<16xf32, #tpu.memory_space<vmem>> -> memref<1xf32, #tpu.memory_space<vmem>>
    tpu.wait_dma2 semaphore(%arg20 : memref<!tpu.dma_semaphore, #tpu.memory_space<semaphore_mem>>) src(%arg5 : memref<1xf32, #tpu.memory_space<hbm>>) dst(%dma_wait3A_46 : memref<1xf32, #tpu.memory_space<vmem>>)
    %dma_wait3A_47 = arith.constant 0 : i32
    %dma_wait3A_48 = tpu.memref_slice %arg15[%dma_wait3A_47] : memref<16xf32, #tpu.memory_space<vmem>> -> memref<1xf32, #tpu.memory_space<vmem>>
    %dma_wait3A_49 = arith.constant 0 : i32
    %dma_wait3A_50 = tpu.memref_slice %arg15[%dma_wait3A_49] : memref<16xf32, #tpu.memory_space<vmem>> -> memref<1xf32, #tpu.memory_space<vmem>>
    tpu.wait_dma2 semaphore(%arg20 : memref<!tpu.dma_semaphore, #tpu.memory_space<semaphore_mem>>) src(%arg6 : memref<1xf32, #tpu.memory_space<hbm>>) dst(%dma_wait3A_50 : memref<1xf32, #tpu.memory_space<vmem>>)
    %dma_wait3A_51 = arith.constant 0 : i32
    %dma_wait3A_52 = tpu.memref_slice %arg16[%dma_wait3A_51] : memref<16xf32, #tpu.memory_space<vmem>> -> memref<1xf32, #tpu.memory_space<vmem>>
    %dma_wait3A_53 = arith.constant 0 : i32
    %dma_wait3A_54 = tpu.memref_slice %arg16[%dma_wait3A_53] : memref<16xf32, #tpu.memory_space<vmem>> -> memref<1xf32, #tpu.memory_space<vmem>>
    tpu.wait_dma2 semaphore(%arg20 : memref<!tpu.dma_semaphore, #tpu.memory_space<semaphore_mem>>) src(%arg7 : memref<1xf32, #tpu.memory_space<hbm>>) dst(%dma_wait3A_54 : memref<1xf32, #tpu.memory_space<vmem>>)
    %dma_wait3A_55 = arith.constant 0 : i32
    %dma_wait3A_56 = tpu.memref_slice %arg11[%dma_wait3A_55] : memref<1024xi32, #tpu.memory_space<vmem>> -> memref<512xi32, #tpu.memory_space<vmem>>
    %dma_wait3A_57 = tpu.memref_slice %arg2[%mul3A_2] : memref<16384xi32, #tpu.memory_space<hbm>> -> memref<512xi32, #tpu.memory_space<hbm>>
    %dma_wait3A_58 = arith.constant 0 : i32
    %dma_wait3A_59 = tpu.memref_slice %arg11[%dma_wait3A_58] : memref<1024xi32, #tpu.memory_space<vmem>> -> memref<512xi32, #tpu.memory_space<vmem>>
    %dma_wait3A_60 = tpu.memref_slice %arg2[%mul3A_2] : memref<16384xi32, #tpu.memory_space<hbm>> -> memref<512xi32, #tpu.memory_space<hbm>>
    tpu.wait_dma2 semaphore(%arg20 : memref<!tpu.dma_semaphore, #tpu.memory_space<semaphore_mem>>) src(%dma_wait3A_60 : memref<512xi32, #tpu.memory_space<hbm>>) dst(%dma_wait3A_59 : memref<512xi32, #tpu.memory_space<vmem>>)
    %broadcast_in_dim3A = arith.constant 0 : i32
    %broadcast_in_dim3A_61 = vector.broadcast %broadcast_in_dim3A : i32 to vector<16xi32>
    %get3A = arith.constant 0 : index
    %get3A_62 = tpu.vector_load %arg12[%get3A] {strides = array<i32>} : memref<16xf32, #tpu.memory_space<vmem>>, vector<16xf32>,
    %get3A_63 = vector.shape_cast %get3A_62 : vector<16xf32> to vector<16xf32>
    %lt3A = arith.constant 0 : i32
    %lt3A_64 = vector.broadcast %lt3A : i32 to vector<16xi32>
    %lt3A_65 = arith.cmpi slt, %broadcast_in_dim3A_61, %lt3A_64 : vector<16xi32>
    %add3A_66 = arith.constant 16 : i32
    %add3A_67 = vector.broadcast %add3A_66 : i32 to vector<16xi32>
    %add3A_68 = arith.addi %broadcast_in_dim3A_61, %add3A_67 : vector<16xi32>
    %select_n3A = arith.select %lt3A_65, %add3A_68, %broadcast_in_dim3A_61 : vector<16xi1>, vector<16xi32>
    %broadcast_in_dim3A_69 = vector.shape_cast %select_n3A : vector<16xi32> to vector<16x1xi32>
    %gather3A = vector.shape_cast %broadcast_in_dim3A_69 : vector<16x1xi32> to vector<16xi32>
    %gather3A_70 = tpu.dynamic_gather %get3A_63[%gather3A] in [0] : vector<16xf32>, vector<16xi32> -> vector<16xf32>
    %get3A_71 = arith.constant 0 : index
    %get3A_72 = tpu.vector_load %arg13[%get3A_71] {strides = array<i32>} : memref<16xf32, #tpu.memory_space<vmem>>, vector<16xf32>,
    %get3A_73 = vector.shape_cast %get3A_72 : vector<16xf32> to vector<16xf32>
    %lt3A_74 = arith.constant 0 : i32
    %lt3A_75 = vector.broadcast %lt3A_74 : i32 to vector<16xi32>
    %lt3A_76 = arith.cmpi slt, %broadcast_in_dim3A_61, %lt3A_75 : vector<16xi32>
    %add3A_77 = arith.constant 16 : i32
    %add3A_78 = vector.broadcast %add3A_77 : i32 to vector<16xi32>
    %add3A_79 = arith.addi %broadcast_in_dim3A_61, %add3A_78 : vector<16xi32>
    %select_n3A_80 = arith.select %lt3A_76, %add3A_79, %broadcast_in_dim3A_61 : vector<16xi1>, vector<16xi32>
    %broadcast_in_dim3A_81 = vector.shape_cast %select_n3A_80 : vector<16xi32> to vector<16x1xi32>
    %gather3A_82 = vector.shape_cast %broadcast_in_dim3A_81 : vector<16x1xi32> to vector<16xi32>
    %gather3A_83 = tpu.dynamic_gather %get3A_73[%gather3A_82] in [0] : vector<16xf32>, vector<16xi32> -> vector<16xf32>
    %get3A_84 = arith.constant 0 : index
    %get3A_85 = tpu.vector_load %arg14[%get3A_84] {strides = array<i32>} : memref<16xf32, #tpu.memory_space<vmem>>, vector<16xf32>,
    %get3A_86 = vector.shape_cast %get3A_85 : vector<16xf32> to vector<16xf32>
    %lt3A_87 = arith.constant 0 : i32
    %lt3A_88 = vector.broadcast %lt3A_87 : i32 to vector<16xi32>
    %lt3A_89 = arith.cmpi slt, %broadcast_in_dim3A_61, %lt3A_88 : vector<16xi32>
    %add3A_90 = arith.constant 16 : i32
    %add3A_91 = vector.broadcast %add3A_90 : i32 to vector<16xi32>
    %add3A_92 = arith.addi %broadcast_in_dim3A_61, %add3A_91 : vector<16xi32>
    %select_n3A_93 = arith.select %lt3A_89, %add3A_92, %broadcast_in_dim3A_61 : vector<16xi1>, vector<16xi32>
    %broadcast_in_dim3A_94 = vector.shape_cast %select_n3A_93 : vector<16xi32> to vector<16x1xi32>
    %gather3A_95 = vector.shape_cast %broadcast_in_dim3A_94 : vector<16x1xi32> to vector<16xi32>
    %gather3A_96 = tpu.dynamic_gather %get3A_86[%gather3A_95] in [0] : vector<16xf32>, vector<16xi32> -> vector<16xf32>
    %get3A_97 = arith.constant 0 : index
    %get3A_98 = tpu.vector_load %arg15[%get3A_97] {strides = array<i32>} : memref<16xf32, #tpu.memory_space<vmem>>, vector<16xf32>,
    %get3A_99 = vector.shape_cast %get3A_98 : vector<16xf32> to vector<16xf32>
    %lt3A_100 = arith.constant 0 : i32
    %lt3A_101 = vector.broadcast %lt3A_100 : i32 to vector<16xi32>
    %lt3A_102 = arith.cmpi slt, %broadcast_in_dim3A_61, %lt3A_101 : vector<16xi32>
    %add3A_103 = arith.constant 16 : i32
    %add3A_104 = vector.broadcast %add3A_103 : i32 to vector<16xi32>
    %add3A_105 = arith.addi %broadcast_in_dim3A_61, %add3A_104 : vector<16xi32>
    %select_n3A_106 = arith.select %lt3A_102, %add3A_105, %broadcast_in_dim3A_61 : vector<16xi1>, vector<16xi32>
    %broadcast_in_dim3A_107 = vector.shape_cast %select_n3A_106 : vector<16xi32> to vector<16x1xi32>
    %gather3A_108 = vector.shape_cast %broadcast_in_dim3A_107 : vector<16x1xi32> to vector<16xi32>
    %gather3A_109 = tpu.dynamic_gather %get3A_99[%gather3A_108] in [0] : vector<16xf32>, vector<16xi32> -> vector<16xf32>
    %get3A_110 = arith.constant 0 : index
    %get3A_111 = tpu.vector_load %arg16[%get3A_110] {strides = array<i32>} : memref<16xf32, #tpu.memory_space<vmem>>, vector<16xf32>,
    %get3A_112 = vector.shape_cast %get3A_111 : vector<16xf32> to vector<16xf32>
    %lt3A_113 = arith.constant 0 : i32
    %lt3A_114 = vector.broadcast %lt3A_113 : i32 to vector<16xi32>
    %lt3A_115 = arith.cmpi slt, %broadcast_in_dim3A_61, %lt3A_114 : vector<16xi32>
    %add3A_116 = arith.constant 16 : i32
    %add3A_117 = vector.broadcast %add3A_116 : i32 to vector<16xi32>
    %add3A_118 = arith.addi %broadcast_in_dim3A_61, %add3A_117 : vector<16xi32>
    %select_n3A_119 = arith.select %lt3A_115, %add3A_118, %broadcast_in_dim3A_61 : vector<16xi1>, vector<16xi32>
    %broadcast_in_dim3A_120 = vector.shape_cast %select_n3A_119 : vector<16xi32> to vector<16x1xi32>
    %gather3A_121 = vector.shape_cast %broadcast_in_dim3A_120 : vector<16x1xi32> to vector<16xi32>
    %gather3A_122 = tpu.dynamic_gather %get3A_112[%gather3A_121] in [0] : vector<16xf32>, vector<16xi32> -> vector<16xf32>
    %get3A_123 = arith.constant 0 : index
    %get3A_124 = tpu.vector_load %arg11[%get3A_123] {strides = array<i32>} : memref<1024xi32, #tpu.memory_space<vmem>>, vector<16xi32>,
    %get3A_125 = vector.shape_cast %get3A_124 : vector<16xi32> to vector<16xi32>
    %lt3A_126 = arith.constant 0 : i32
    %lt3A_127 = vector.broadcast %lt3A_126 : i32 to vector<16xi32>
    %lt3A_128 = arith.cmpi slt, %get3A_125, %lt3A_127 : vector<16xi32>
    %add3A_129 = arith.constant 16 : i32
    %add3A_130 = vector.broadcast %add3A_129 : i32 to vector<16xi32>
    %add3A_131 = arith.addi %get3A_125, %add3A_130 : vector<16xi32>
    %select_n3A_132 = arith.select %lt3A_128, %add3A_131, %get3A_125 : vector<16xi1>, vector<16xi32>
    %broadcast_in_dim3A_133 = vector.shape_cast %select_n3A_132 : vector<16xi32> to vector<16x1xi32>
    %gather3A_134 = vector.shape_cast %broadcast_in_dim3A_133 : vector<16x1xi32> to vector<16xi32>
    %gather3A_135 = tpu.dynamic_gather %gather3A_70[%gather3A_134] in [0] : vector<16xf32>, vector<16xi32> -> vector<16xf32>
    %mul3A_136 = arith.mulf %gather3A_135, %gather3A_83 : vector<16xf32>
    %add3A_137 = arith.addf %mul3A_136, %gather3A_96 : vector<16xf32>
    %convert_element_type3A = arith.sitofp %get3A_125 : vector<16xi32> to vector<16xf32>
    %mul3A_138 = arith.mulf %convert_element_type3A, %gather3A_109 : vector<16xf32>
    %add3A_139 = arith.addf %mul3A_138, %gather3A_122 : vector<16xf32>
    %swap3A = arith.constant 0 : index
    %swap3A_140 = tpu.vector_load %arg17[%swap3A] {strides = array<i32>} : memref<1024xf32, #tpu.memory_space<vmem>>, vector<16xf32>,
    %swap3A_141 = vector.shape_cast %swap3A_140 : vector<16xf32> to vector<16xf32>
    %swap3A_142 = vector.shape_cast %add3A_137 : vector<16xf32> to vector<16xf32>
    tpu.vector_store %arg17[%swap3A], %swap3A_142 {strides = array<i32>} : memref<1024xf32, #tpu.memory_space<vmem>>, vector<16xf32>,
    %swap3A_143 = arith.constant 0 : index
    %swap3A_144 = tpu.vector_load %arg18[%swap3A_143] {strides = array<i32>} : memref<1024xf32, #tpu.memory_space<vmem>>, vector<16xf32>,
    %swap3A_145 = vector.shape_cast %swap3A_144 : vector<16xf32> to vector<16xf32>
    %swap3A_146 = vector.shape_cast %add3A_139 : vector<16xf32> to vector<16xf32>
    tpu.vector_store %arg18[%swap3A_143], %swap3A_146 {strides = array<i32>} : memref<1024xf32, #tpu.memory_space<vmem>>, vector<16xf32>,
    %sub3A = arith.subf %add3A_137, %add3A_139 : vector<16xf32>
    %swap3A_147 = arith.constant 0 : index
    %swap3A_148 = tpu.vector_load %arg19[%swap3A_147] {strides = array<i32>} : memref<1024xf32, #tpu.memory_space<vmem>>, vector<16xf32>,
    %swap3A_149 = vector.shape_cast %swap3A_148 : vector<16xf32> to vector<16xf32>
    %swap3A_150 = vector.shape_cast %sub3A : vector<16xf32> to vector<16xf32>
    tpu.vector_store %arg19[%swap3A_147], %swap3A_150 {strides = array<i32>} : memref<1024xf32, #tpu.memory_space<vmem>>, vector<16xf32>,
    %get3A_151 = arith.constant 16 : index
    %get3A_152 = tpu.vector_load %arg11[%get3A_151] {strides = array<i32>} : memref<1024xi32, #tpu.memory_space<vmem>>, vector<16xi32>,
    %get3A_153 = vector.shape_cast %get3A_152 : vector<16xi32> to vector<16xi32>
    %lt3A_154 = arith.constant 0 : i32
    %lt3A_155 = vector.broadcast %lt3A_154 : i32 to vector<16xi32>
    %lt3A_156 = arith.cmpi slt, %get3A_153, %lt3A_155 : vector<16xi32>
    %add3A_157 = arith.constant 16 : i32
    %add3A_158 = vector.broadcast %add3A_157 : i32 to vector<16xi32>
    %add3A_159 = arith.addi %get3A_153, %add3A_158 : vector<16xi32>
    %select_n3A_160 = arith.select %lt3A_156, %add3A_159, %get3A_153 : vector<16xi1>, vector<16xi32>
    %broadcast_in_dim3A_161 = vector.shape_cast %select_n3A_160 : vector<16xi32> to vector<16x1xi32>
    %gather3A_162 = vector.shape_cast %broadcast_in_dim3A_161 : vector<16x1xi32> to vector<16xi32>
    %gather3A_163 = tpu.dynamic_gather %gather3A_70[%gather3A_162] in [0] : vector<16xf32>, vector<16xi32> -> vector<16xf32>
    %mul3A_164 = arith.mulf %gather3A_163, %gather3A_83 : vector<16xf32>
    %add3A_165 = arith.addf %mul3A_164, %gather3A_96 : vector<16xf32>
    %convert_element_type3A_166 = arith.sitofp %get3A_153 : vector<16xi32> to vector<16xf32>
    %mul3A_167 = arith.mulf %convert_element_type3A_166, %gather3A_109 : vector<16xf32>
    %add3A_168 = arith.addf %mul3A_167, %gather3A_122 : vector<16xf32>
    %swap3A_169 = arith.constant 16 : index
    %swap3A_170 = tpu.vector_load %arg17[%swap3A_169] {strides = array<i32>} : memref<1024xf32, #tpu.memory_space<vmem>>, vector<16xf32>,
    %swap3A_171 = vector.shape_cast %swap3A_170 : vector<16xf32> to vector<16xf32>
    %swap3A_172 = vector.shape_cast %add3A_165 : vector<16xf32> to vector<16xf32>
    tpu.vector_store %arg17[%swap3A_169], %swap3A_172 {strides = array<i32>} : memref<1024xf32, #tpu.memory_space<vmem>>, vector<16xf32>,
    %swap3A_173 = arith.constant 16 : index
    %swap3A_174 = tpu.vector_load %arg18[%swap3A_173] {strides = array<i32>} : memref<1024xf32, #tpu.memory_space<vmem>>, vector<16xf32>,
    %swap3A_175 = vector.shape_cast %swap3A_174 : vector<16xf32> to vector<16xf32>
    %swap3A_176 = vector.shape_cast %add3A_168 : vector<16xf32> to vector<16xf32>
    tpu.vector_store %arg18[%swap3A_173], %swap3A_176 {strides = array<i32>} : memref<1024xf32, #tpu.memory_space<vmem>>, vector<16xf32>,
    %sub3A_177 = arith.subf %add3A_165, %add3A_168 : vector<16xf32>
    %swap3A_178 = arith.constant 16 : index
    %swap3A_179 = tpu.vector_load %arg19[%swap3A_178] {strides = array<i32>} : memref<1024xf32, #tpu.memory_space<vmem>>, vector<16xf32>,
    %swap3A_180 = vector.shape_cast %swap3A_179 : vector<16xf32> to vector<16xf32>
    %swap3A_181 = vector.shape_cast %sub3A_177 : vector<16xf32> to vector<16xf32>
    tpu.vector_store %arg19[%swap3A_178], %swap3A_181 {strides = array<i32>} : memref<1024xf32, #tpu.memory_space<vmem>>, vector<16xf32>,
    %get3A_182 = arith.constant 32 : index
    %get3A_183 = tpu.vector_load %arg11[%get3A_182] {strides = array<i32>} : memref<1024xi32, #tpu.memory_space<vmem>>, vector<16xi32>,
    %get3A_184 = vector.shape_cast %get3A_183 : vector<16xi32> to vector<16xi32>
    %lt3A_185 = arith.constant 0 : i32
    %lt3A_186 = vector.broadcast %lt3A_185 : i32 to vector<16xi32>
    %lt3A_187 = arith.cmpi slt, %get3A_184, %lt3A_186 : vector<16xi32>
    %add3A_188 = arith.constant 16 : i32
    %add3A_189 = vector.broadcast %add3A_188 : i32 to vector<16xi32>
    %add3A_190 = arith.addi %get3A_184, %add3A_189 : vector<16xi32>
    %select_n3A_191 = arith.select %lt3A_187, %add3A_190, %get3A_184 : vector<16xi1>, vector<16xi32>
    %broadcast_in_dim3A_192 = vector.shape_cast %select_n3A_191 : vector<16xi32> to vector<16x1xi32>
    %gather3A_193 = vector.shape_cast %broadcast_in_dim3A_192 : vector<16x1xi32> to vector<16xi32>
    %gather3A_194 = tpu.dynamic_gather %gather3A_70[%gather3A_193] in [0] : vector<16xf32>, vector<16xi32> -> vector<16xf32>
    %mul3A_195 = arith.mulf %gather3A_194, %gather3A_83 : vector<16xf32>
    %add3A_196 = arith.addf %mul3A_195, %gather3A_96 : vector<16xf32>
    %convert_element_type3A_197 = arith.sitofp %get3A_184 : vector<16xi32> to vector<16xf32>
    %mul3A_198 = arith.mulf %convert_element_type3A_197, %gather3A_109 : vector<16xf32>
    %add3A_199 = arith.addf %mul3A_198, %gather3A_122 : vector<16xf32>
    %swap3A_200 = arith.constant 32 : index
    %swap3A_201 = tpu.vector_load %arg17[%swap3A_200] {strides = array<i32>} : memref<1024xf32, #tpu.memory_space<vmem>>, vector<16xf32>,
    %swap3A_202 = vector.shape_cast %swap3A_201 : vector<16xf32> to vector<16xf32>
    %swap3A_203 = vector.shape_cast %add3A_196 : vector<16xf32> to vector<16xf32>
    tpu.vector_store %arg17[%swap3A_200], %swap3A_203 {strides = array<i32>} : memref<1024xf32, #tpu.memory_space<vmem>>, vector<16xf32>,
    %swap3A_204 = arith.constant 32 : index
    %swap3A_205 = tpu.vector_load %arg18[%swap3A_204] {strides = array<i32>} : memref<1024xf32, #tpu.memory_space<vmem>>, vector<16xf32>,
    %swap3A_206 = vector.shape_cast %swap3A_205 : vector<16xf32> to vector<16xf32>
    %swap3A_207 = vector.shape_cast %add3A_199 : vector<16xf32> to vector<16xf32>
    tpu.vector_store %arg18[%swap3A_204], %swap3A_207 {strides = array<i32>} : memref<1024xf32, #tpu.memory_space<vmem>>, vector<16xf32>,
    %sub3A_208 = arith.subf %add3A_196, %add3A_199 : vector<16xf32>
    %swap3A_209 = arith.constant 32 : index
    %swap3A_210 = tpu.vector_load %arg19[%swap3A_209] {strides = array<i32>} : memref<1024xf32, #tpu.memory_space<vmem>>, vector<16xf32>,
    %swap3A_211 = vector.shape_cast %swap3A_210 : vector<16xf32> to vector<16xf32>
    %swap3A_212 = vector.shape_cast %sub3A_208 : vector<16xf32> to vector<16xf32>
    tpu.vector_store %arg19[%swap3A_209], %swap3A_212 {strides = array<i32>} : memref<1024xf32, #tpu.memory_space<vmem>>, vector<16xf32>,
    %get3A_213 = arith.constant 48 : index
    %get3A_214 = tpu.vector_load %arg11[%get3A_213] {strides = array<i32>} : memref<1024xi32, #tpu.memory_space<vmem>>, vector<16xi32>,
    %get3A_215 = vector.shape_cast %get3A_214 : vector<16xi32> to vector<16xi32>
    %lt3A_216 = arith.constant 0 : i32
    %lt3A_217 = vector.broadcast %lt3A_216 : i32 to vector<16xi32>
    %lt3A_218 = arith.cmpi slt, %get3A_215, %lt3A_217 : vector<16xi32>
    %add3A_219 = arith.constant 16 : i32
    %add3A_220 = vector.broadcast %add3A_219 : i32 to vector<16xi32>
    %add3A_221 = arith.addi %get3A_215, %add3A_220 : vector<16xi32>
    %select_n3A_222 = arith.select %lt3A_218, %add3A_221, %get3A_215 : vector<16xi1>, vector<16xi32>
    %broadcast_in_dim3A_223 = vector.shape_cast %select_n3A_222 : vector<16xi32> to vector<16x1xi32>
    %gather3A_224 = vector.shape_cast %broadcast_in_dim3A_223 : vector<16x1xi32> to vector<16xi32>
    %gather3A_225 = tpu.dynamic_gather %gather3A_70[%gather3A_224] in [0] : vector<16xf32>, vector<16xi32> -> vector<16xf32>
    %mul3A_226 = arith.mulf %gather3A_225, %gather3A_83 : vector<16xf32>
    %add3A_227 = arith.addf %mul3A_226, %gather3A_96 : vector<16xf32>
    %convert_element_type3A_228 = arith.sitofp %get3A_215 : vector<16xi32> to vector<16xf32>
    %mul3A_229 = arith.mulf %convert_element_type3A_228, %gather3A_109 : vector<16xf32>
    %add3A_230 = arith.addf %mul3A_229, %gather3A_122 : vector<16xf32>
    %swap3A_231 = arith.constant 48 : index
    %swap3A_232 = tpu.vector_load %arg17[%swap3A_231] {strides = array<i32>} : memref<1024xf32, #tpu.memory_space<vmem>>, vector<16xf32>,
    %swap3A_233 = vector.shape_cast %swap3A_232 : vector<16xf32> to vector<16xf32>
    %swap3A_234 = vector.shape_cast %add3A_227 : vector<16xf32> to vector<16xf32>
    tpu.vector_store %arg17[%swap3A_231], %swap3A_234 {strides = array<i32>} : memref<1024xf32, #tpu.memory_space<vmem>>, vector<16xf32>,
    %swap3A_235 = arith.constant 48 : index
    %swap3A_236 = tpu.vector_load %arg18[%swap3A_235] {strides = array<i32>} : memref<1024xf32, #tpu.memory_space<vmem>>, vector<16xf32>,
    %swap3A_237 = vector.shape_cast %swap3A_236 : vector<16xf32> to vector<16xf32>
    %swap3A_238 = vector.shape_cast %add3A_230 : vector<16xf32> to vector<16xf32>
    tpu.vector_store %arg18[%swap3A_235], %swap3A_238 {strides = array<i32>} : memref<1024xf32, #tpu.memory_space<vmem>>, vector<16xf32>,
    %sub3A_239 = arith.subf %add3A_227, %add3A_230 : vector<16xf32>
    %swap3A_240 = arith.constant 48 : index
    %swap3A_241 = tpu.vector_load %arg19[%swap3A_240] {strides = array<i32>} : memref<1024xf32, #tpu.memory_space<vmem>>, vector<16xf32>,
    %swap3A_242 = vector.shape_cast %swap3A_241 : vector<16xf32> to vector<16xf32>
    %swap3A_243 = vector.shape_cast %sub3A_239 : vector<16xf32> to vector<16xf32>
    tpu.vector_store %arg19[%swap3A_240], %swap3A_243 {strides = array<i32>} : memref<1024xf32, #tpu.memory_space<vmem>>, vector<16xf32>,
    %get3A_244 = arith.constant 64 : index
    %get3A_245 = tpu.vector_load %arg11[%get3A_244] {strides = array<i32>} : memref<1024xi32, #tpu.memory_space<vmem>>, vector<16xi32>,
    %get3A_246 = vector.shape_cast %get3A_245 : vector<16xi32> to vector<16xi32>
    %lt3A_247 = arith.constant 0 : i32
    %lt3A_248 = vector.broadcast %lt3A_247 : i32 to vector<16xi32>
    %lt3A_249 = arith.cmpi slt, %get3A_246, %lt3A_248 : vector<16xi32>
    %add3A_250 = arith.constant 16 : i32
    %add3A_251 = vector.broadcast %add3A_250 : i32 to vector<16xi32>
    %add3A_252 = arith.addi %get3A_246, %add3A_251 : vector<16xi32>
    %select_n3A_253 = arith.select %lt3A_249, %add3A_252, %get3A_246 : vector<16xi1>, vector<16xi32>
    %broadcast_in_dim3A_254 = vector.shape_cast %select_n3A_253 : vector<16xi32> to vector<16x1xi32>
    %gather3A_255 = vector.shape_cast %broadcast_in_dim3A_254 : vector<16x1xi32> to vector<16xi32>
    %gather3A_256 = tpu.dynamic_gather %gather3A_70[%gather3A_255] in [0] : vector<16xf32>, vector<16xi32> -> vector<16xf32>
    %mul3A_257 = arith.mulf %gather3A_256, %gather3A_83 : vector<16xf32>
    %add3A_258 = arith.addf %mul3A_257, %gather3A_96 : vector<16xf32>
    %convert_element_type3A_259 = arith.sitofp %get3A_246 : vector<16xi32> to vector<16xf32>
    %mul3A_260 = arith.mulf %convert_element_type3A_259, %gather3A_109 : vector<16xf32>
    %add3A_261 = arith.addf %mul3A_260, %gather3A_122 : vector<16xf32>
    %swap3A_262 = arith.constant 64 : index
    %swap3A_263 = tpu.vector_load %arg17[%swap3A_262] {strides = array<i32>} : memref<1024xf32, #tpu.memory_space<vmem>>, vector<16xf32>,
    %swap3A_264 = vector.shape_cast %swap3A_263 : vector<16xf32> to vector<16xf32>
    %swap3A_265 = vector.shape_cast %add3A_258 : vector<16xf32> to vector<16xf32>
    tpu.vector_store %arg17[%swap3A_262], %swap3A_265 {strides = array<i32>} : memref<1024xf32, #tpu.memory_space<vmem>>, vector<16xf32>,
    %swap3A_266 = arith.constant 64 : index
    %swap3A_267 = tpu.vector_load %arg18[%swap3A_266] {strides = array<i32>} : memref<1024xf32, #tpu.memory_space<vmem>>, vector<16xf32>,
    %swap3A_268 = vector.shape_cast %swap3A_267 : vector<16xf32> to vector<16xf32>
    %swap3A_269 = vector.shape_cast %add3A_261 : vector<16xf32> to vector<16xf32>
    tpu.vector_store %arg18[%swap3A_266], %swap3A_269 {strides = array<i32>} : memref<1024xf32, #tpu.memory_space<vmem>>, vector<16xf32>,
    %sub3A_270 = arith.subf %add3A_258, %add3A_261 : vector<16xf32>
    %swap3A_271 = arith.constant 64 : index
    %swap3A_272 = tpu.vector_load %arg19[%swap3A_271] {strides = array<i32>} : memref<1024xf32, #tpu.memory_space<vmem>>, vector<16xf32>,
    %swap3A_273 = vector.shape_cast %swap3A_272 : vector<16xf32> to vector<16xf32>
    %swap3A_274 = vector.shape_cast %sub3A_270 : vector<16xf32> to vector<16xf32>
    tpu.vector_store %arg19[%swap3A_271], %swap3A_274 {strides = array<i32>} : memref<1024xf32, #tpu.memory_space<vmem>>, vector<16xf32>,
    %get3A_275 = arith.constant 80 : index
    %get3A_276 = tpu.vector_load %arg11[%get3A_275] {strides = array<i32>} : memref<1024xi32, #tpu.memory_space<vmem>>, vector<16xi32>,
    %get3A_277 = vector.shape_cast %get3A_276 : vector<16xi32> to vector<16xi32>
    %lt3A_278 = arith.constant 0 : i32
    %lt3A_279 = vector.broadcast %lt3A_278 : i32 to vector<16xi32>
    %lt3A_280 = arith.cmpi slt, %get3A_277, %lt3A_279 : vector<16xi32>
    %add3A_281 = arith.constant 16 : i32
    %add3A_282 = vector.broadcast %add3A_281 : i32 to vector<16xi32>
    %add3A_283 = arith.addi %get3A_277, %add3A_282 : vector<16xi32>
    %select_n3A_284 = arith.select %lt3A_280, %add3A_283, %get3A_277 : vector<16xi1>, vector<16xi32>
    %broadcast_in_dim3A_285 = vector.shape_cast %select_n3A_284 : vector<16xi32> to vector<16x1xi32>
    %gather3A_286 = vector.shape_cast %broadcast_in_dim3A_285 : vector<16x1xi32> to vector<16xi32>
    %gather3A_287 = tpu.dynamic_gather %gather3A_70[%gather3A_286] in [0] : vector<16xf32>, vector<16xi32> -> vector<16xf32>
    %mul3A_288 = arith.mulf %gather3A_287, %gather3A_83 : vector<16xf32>
    %add3A_289 = arith.addf %mul3A_288, %gather3A_96 : vector<16xf32>
    %convert_element_type3A_290 = arith.sitofp %get3A_277 : vector<16xi32> to vector<16xf32>
    %mul3A_291 = arith.mulf %convert_element_type3A_290, %gather3A_109 : vector<16xf32>
    %add3A_292 = arith.addf %mul3A_291, %gather3A_122 : vector<16xf32>
    %swap3A_293 = arith.constant 80 : index
    %swap3A_294 = tpu.vector_load %arg17[%swap3A_293] {strides = array<i32>} : memref<1024xf32, #tpu.memory_space<vmem>>, vector<16xf32>,
    %swap3A_295 = vector.shape_cast %swap3A_294 : vector<16xf32> to vector<16xf32>
    %swap3A_296 = vector.shape_cast %add3A_289 : vector<16xf32> to vector<16xf32>
    tpu.vector_store %arg17[%swap3A_293], %swap3A_296 {strides = array<i32>} : memref<1024xf32, #tpu.memory_space<vmem>>, vector<16xf32>,
    %swap3A_297 = arith.constant 80 : index
    %swap3A_298 = tpu.vector_load %arg18[%swap3A_297] {strides = array<i32>} : memref<1024xf32, #tpu.memory_space<vmem>>, vector<16xf32>,
    %swap3A_299 = vector.shape_cast %swap3A_298 : vector<16xf32> to vector<16xf32>
    %swap3A_300 = vector.shape_cast %add3A_292 : vector<16xf32> to vector<16xf32>
    tpu.vector_store %arg18[%swap3A_297], %swap3A_300 {strides = array<i32>} : memref<1024xf32, #tpu.memory_space<vmem>>, vector<16xf32>,
    %sub3A_301 = arith.subf %add3A_289, %add3A_292 : vector<16xf32>
    %swap3A_302 = arith.constant 80 : index
    %swap3A_303 = tpu.vector_load %arg19[%swap3A_302] {strides = array<i32>} : memref<1024xf32, #tpu.memory_space<vmem>>, vector<16xf32>,
    %swap3A_304 = vector.shape_cast %swap3A_303 : vector<16xf32> to vector<16xf32>
    %swap3A_305 = vector.shape_cast %sub3A_301 : vector<16xf32> to vector<16xf32>
    tpu.vector_store %arg19[%swap3A_302], %swap3A_305 {strides = array<i32>} : memref<1024xf32, #tpu.memory_space<vmem>>, vector<16xf32>,
    %get3A_306 = arith.constant 96 : index
    %get3A_307 = tpu.vector_load %arg11[%get3A_306] {strides = array<i32>} : memref<1024xi32, #tpu.memory_space<vmem>>, vector<16xi32>,
    %get3A_308 = vector.shape_cast %get3A_307 : vector<16xi32> to vector<16xi32>
    %lt3A_309 = arith.constant 0 : i32
    %lt3A_310 = vector.broadcast %lt3A_309 : i32 to vector<16xi32>
    %lt3A_311 = arith.cmpi slt, %get3A_308, %lt3A_310 : vector<16xi32>
    %add3A_312 = arith.constant 16 : i32
    %add3A_313 = vector.broadcast %add3A_312 : i32 to vector<16xi32>
    %add3A_314 = arith.addi %get3A_308, %add3A_313 : vector<16xi32>
    %select_n3A_315 = arith.select %lt3A_311, %add3A_314, %get3A_308 : vector<16xi1>, vector<16xi32>
    %broadcast_in_dim3A_316 = vector.shape_cast %select_n3A_315 : vector<16xi32> to vector<16x1xi32>
    %gather3A_317 = vector.shape_cast %broadcast_in_dim3A_316 : vector<16x1xi32> to vector<16xi32>
    %gather3A_318 = tpu.dynamic_gather %gather3A_70[%gather3A_317] in [0] : vector<16xf32>, vector<16xi32> -> vector<16xf32>
    %mul3A_319 = arith.mulf %gather3A_318, %gather3A_83 : vector<16xf32>
    %add3A_320 = arith.addf %mul3A_319, %gather3A_96 : vector<16xf32>
    %convert_element_type3A_321 = arith.sitofp %get3A_308 : vector<16xi32> to vector<16xf32>
    %mul3A_322 = arith.mulf %convert_element_type3A_321, %gather3A_109 : vector<16xf32>
    %add3A_323 = arith.addf %mul3A_322, %gather3A_122 : vector<16xf32>
    %swap3A_324 = arith.constant 96 : index
    %swap3A_325 = tpu.vector_load %arg17[%swap3A_324] {strides = array<i32>} : memref<1024xf32, #tpu.memory_space<vmem>>, vector<16xf32>,
    %swap3A_326 = vector.shape_cast %swap3A_325 : vector<16xf32> to vector<16xf32>
    %swap3A_327 = vector.shape_cast %add3A_320 : vector<16xf32> to vector<16xf32>
    tpu.vector_store %arg17[%swap3A_324], %swap3A_327 {strides = array<i32>} : memref<1024xf32, #tpu.memory_space<vmem>>, vector<16xf32>,
    %swap3A_328 = arith.constant 96 : index
    %swap3A_329 = tpu.vector_load %arg18[%swap3A_328] {strides = array<i32>} : memref<1024xf32, #tpu.memory_space<vmem>>, vector<16xf32>,
    %swap3A_330 = vector.shape_cast %swap3A_329 : vector<16xf32> to vector<16xf32>
    %swap3A_331 = vector.shape_cast %add3A_323 : vector<16xf32> to vector<16xf32>
    tpu.vector_store %arg18[%swap3A_328], %swap3A_331 {strides = array<i32>} : memref<1024xf32, #tpu.memory_space<vmem>>, vector<16xf32>,
    %sub3A_332 = arith.subf %add3A_320, %add3A_323 : vector<16xf32>
    %swap3A_333 = arith.constant 96 : index
    %swap3A_334 = tpu.vector_load %arg19[%swap3A_333] {strides = array<i32>} : memref<1024xf32, #tpu.memory_space<vmem>>, vector<16xf32>,
    %swap3A_335 = vector.shape_cast %swap3A_334 : vector<16xf32> to vector<16xf32>
    %swap3A_336 = vector.shape_cast %sub3A_332 : vector<16xf32> to vector<16xf32>
    tpu.vector_store %arg19[%swap3A_333], %swap3A_336 {strides = array<i32>} : memref<1024xf32, #tpu.memory_space<vmem>>, vector<16xf32>,
    %get3A_337 = arith.constant 112 : index
    %get3A_338 = tpu.vector_load %arg11[%get3A_337] {strides = array<i32>} : memref<1024xi32, #tpu.memory_space<vmem>>, vector<16xi32>,
    %get3A_339 = vector.shape_cast %get3A_338 : vector<16xi32> to vector<16xi32>
    %lt3A_340 = arith.constant 0 : i32
    %lt3A_341 = vector.broadcast %lt3A_340 : i32 to vector<16xi32>
    %lt3A_342 = arith.cmpi slt, %get3A_339, %lt3A_341 : vector<16xi32>
    %add3A_343 = arith.constant 16 : i32
    %add3A_344 = vector.broadcast %add3A_343 : i32 to vector<16xi32>
    %add3A_345 = arith.addi %get3A_339, %add3A_344 : vector<16xi32>
    %select_n3A_346 = arith.select %lt3A_342, %add3A_345, %get3A_339 : vector<16xi1>, vector<16xi32>
    %broadcast_in_dim3A_347 = vector.shape_cast %select_n3A_346 : vector<16xi32> to vector<16x1xi32>
    %gather3A_348 = vector.shape_cast %broadcast_in_dim3A_347 : vector<16x1xi32> to vector<16xi32>
    %gather3A_349 = tpu.dynamic_gather %gather3A_70[%gather3A_348] in [0] : vector<16xf32>, vector<16xi32> -> vector<16xf32>
    %mul3A_350 = arith.mulf %gather3A_349, %gather3A_83 : vector<16xf32>
    %add3A_351 = arith.addf %mul3A_350, %gather3A_96 : vector<16xf32>
    %convert_element_type3A_352 = arith.sitofp %get3A_339 : vector<16xi32> to vector<16xf32>
    %mul3A_353 = arith.mulf %convert_element_type3A_352, %gather3A_109 : vector<16xf32>
    %add3A_354 = arith.addf %mul3A_353, %gather3A_122 : vector<16xf32>
    %swap3A_355 = arith.constant 112 : index
    %swap3A_356 = tpu.vector_load %arg17[%swap3A_355] {strides = array<i32>} : memref<1024xf32, #tpu.memory_space<vmem>>, vector<16xf32>,
    %swap3A_357 = vector.shape_cast %swap3A_356 : vector<16xf32> to vector<16xf32>
    %swap3A_358 = vector.shape_cast %add3A_351 : vector<16xf32> to vector<16xf32>
    tpu.vector_store %arg17[%swap3A_355], %swap3A_358 {strides = array<i32>} : memref<1024xf32, #tpu.memory_space<vmem>>, vector<16xf32>,
    %swap3A_359 = arith.constant 112 : index
    %swap3A_360 = tpu.vector_load %arg18[%swap3A_359] {strides = array<i32>} : memref<1024xf32, #tpu.memory_space<vmem>>, vector<16xf32>,
    %swap3A_361 = vector.shape_cast %swap3A_360 : vector<16xf32> to vector<16xf32>
    %swap3A_362 = vector.shape_cast %add3A_354 : vector<16xf32> to vector<16xf32>
    tpu.vector_store %arg18[%swap3A_359], %swap3A_362 {strides = array<i32>} : memref<1024xf32, #tpu.memory_space<vmem>>, vector<16xf32>,
    %sub3A_363 = arith.subf %add3A_351, %add3A_354 : vector<16xf32>
    %swap3A_364 = arith.constant 112 : index
    %swap3A_365 = tpu.vector_load %arg19[%swap3A_364] {strides = array<i32>} : memref<1024xf32, #tpu.memory_space<vmem>>, vector<16xf32>,
    %swap3A_366 = vector.shape_cast %swap3A_365 : vector<16xf32> to vector<16xf32>
    %swap3A_367 = vector.shape_cast %sub3A_363 : vector<16xf32> to vector<16xf32>
    tpu.vector_store %arg19[%swap3A_364], %swap3A_367 {strides = array<i32>} : memref<1024xf32, #tpu.memory_space<vmem>>, vector<16xf32>,
    %get3A_368 = arith.constant 128 : index
    %get3A_369 = tpu.vector_load %arg11[%get3A_368] {strides = array<i32>} : memref<1024xi32, #tpu.memory_space<vmem>>, vector<16xi32>,
    %get3A_370 = vector.shape_cast %get3A_369 : vector<16xi32> to vector<16xi32>
    %lt3A_371 = arith.constant 0 : i32
    %lt3A_372 = vector.broadcast %lt3A_371 : i32 to vector<16xi32>
    %lt3A_373 = arith.cmpi slt, %get3A_370, %lt3A_372 : vector<16xi32>
    %add3A_374 = arith.constant 16 : i32
    %add3A_375 = vector.broadcast %add3A_374 : i32 to vector<16xi32>
    %add3A_376 = arith.addi %get3A_370, %add3A_375 : vector<16xi32>
    %select_n3A_377 = arith.select %lt3A_373, %add3A_376, %get3A_370 : vector<16xi1>, vector<16xi32>
    %broadcast_in_dim3A_378 = vector.shape_cast %select_n3A_377 : vector<16xi32> to vector<16x1xi32>
    %gather3A_379 = vector.shape_cast %broadcast_in_dim3A_378 : vector<16x1xi32> to vector<16xi32>
    %gather3A_380 = tpu.dynamic_gather %gather3A_70[%gather3A_379] in [0] : vector<16xf32>, vector<16xi32> -> vector<16xf32>
    %mul3A_381 = arith.mulf %gather3A_380, %gather3A_83 : vector<16xf32>
    %add3A_382 = arith.addf %mul3A_381, %gather3A_96 : vector<16xf32>
    %convert_element_type3A_383 = arith.sitofp %get3A_370 : vector<16xi32> to vector<16xf32>
    %mul3A_384 = arith.mulf %convert_element_type3A_383, %gather3A_109 : vector<16xf32>
    %add3A_385 = arith.addf %mul3A_384, %gather3A_122 : vector<16xf32>
    %swap3A_386 = arith.constant 128 : index
    %swap3A_387 = tpu.vector_load %arg17[%swap3A_386] {strides = array<i32>} : memref<1024xf32, #tpu.memory_space<vmem>>, vector<16xf32>,
    %swap3A_388 = vector.shape_cast %swap3A_387 : vector<16xf32> to vector<16xf32>
    %swap3A_389 = vector.shape_cast %add3A_382 : vector<16xf32> to vector<16xf32>
    tpu.vector_store %arg17[%swap3A_386], %swap3A_389 {strides = array<i32>} : memref<1024xf32, #tpu.memory_space<vmem>>, vector<16xf32>,
    %swap3A_390 = arith.constant 128 : index
    %swap3A_391 = tpu.vector_load %arg18[%swap3A_390] {strides = array<i32>} : memref<1024xf32, #tpu.memory_space<vmem>>, vector<16xf32>,
    %swap3A_392 = vector.shape_cast %swap3A_391 : vector<16xf32> to vector<16xf32>
    %swap3A_393 = vector.shape_cast %add3A_385 : vector<16xf32> to vector<16xf32>
    tpu.vector_store %arg18[%swap3A_390], %swap3A_393 {strides = array<i32>} : memref<1024xf32, #tpu.memory_space<vmem>>, vector<16xf32>,
    %sub3A_394 = arith.subf %add3A_382, %add3A_385 : vector<16xf32>
    %swap3A_395 = arith.constant 128 : index
    %swap3A_396 = tpu.vector_load %arg19[%swap3A_395] {strides = array<i32>} : memref<1024xf32, #tpu.memory_space<vmem>>, vector<16xf32>,
    %swap3A_397 = vector.shape_cast %swap3A_396 : vector<16xf32> to vector<16xf32>
    %swap3A_398 = vector.shape_cast %sub3A_394 : vector<16xf32> to vector<16xf32>
    tpu.vector_store %arg19[%swap3A_395], %swap3A_398 {strides = array<i32>} : memref<1024xf32, #tpu.memory_space<vmem>>, vector<16xf32>,
    %get3A_399 = arith.constant 144 : index
    %get3A_400 = tpu.vector_load %arg11[%get3A_399] {strides = array<i32>} : memref<1024xi32, #tpu.memory_space<vmem>>, vector<16xi32>,
    %get3A_401 = vector.shape_cast %get3A_400 : vector<16xi32> to vector<16xi32>
    %lt3A_402 = arith.constant 0 : i32
    %lt3A_403 = vector.broadcast %lt3A_402 : i32 to vector<16xi32>
    %lt3A_404 = arith.cmpi slt, %get3A_401, %lt3A_403 : vector<16xi32>
    %add3A_405 = arith.constant 16 : i32
    %add3A_406 = vector.broadcast %add3A_405 : i32 to vector<16xi32>
    %add3A_407 = arith.addi %get3A_401, %add3A_406 : vector<16xi32>
    %select_n3A_408 = arith.select %lt3A_404, %add3A_407, %get3A_401 : vector<16xi1>, vector<16xi32>
    %broadcast_in_dim3A_409 = vector.shape_cast %select_n3A_408 : vector<16xi32> to vector<16x1xi32>
    %gather3A_410 = vector.shape_cast %broadcast_in_dim3A_409 : vector<16x1xi32> to vector<16xi32>
    %gather3A_411 = tpu.dynamic_gather %gather3A_70[%gather3A_410] in [0] : vector<16xf32>, vector<16xi32> -> vector<16xf32>
    %mul3A_412 = arith.mulf %gather3A_411, %gather3A_83 : vector<16xf32>
    %add3A_413 = arith.addf %mul3A_412, %gather3A_96 : vector<16xf32>
    %convert_element_type3A_414 = arith.sitofp %get3A_401 : vector<16xi32> to vector<16xf32>
    %mul3A_415 = arith.mulf %convert_element_type3A_414, %gather3A_109 : vector<16xf32>
    %add3A_416 = arith.addf %mul3A_415, %gather3A_122 : vector<16xf32>
    %swap3A_417 = arith.constant 144 : index
    %swap3A_418 = tpu.vector_load %arg17[%swap3A_417] {strides = array<i32>} : memref<1024xf32, #tpu.memory_space<vmem>>, vector<16xf32>,
    %swap3A_419 = vector.shape_cast %swap3A_418 : vector<16xf32> to vector<16xf32>
    %swap3A_420 = vector.shape_cast %add3A_413 : vector<16xf32> to vector<16xf32>
    tpu.vector_store %arg17[%swap3A_417], %swap3A_420 {strides = array<i32>} : memref<1024xf32, #tpu.memory_space<vmem>>, vector<16xf32>,
    %swap3A_421 = arith.constant 144 : index
    %swap3A_422 = tpu.vector_load %arg18[%swap3A_421] {strides = array<i32>} : memref<1024xf32, #tpu.memory_space<vmem>>, vector<16xf32>,
    %swap3A_423 = vector.shape_cast %swap3A_422 : vector<16xf32> to vector<16xf32>
    %swap3A_424 = vector.shape_cast %add3A_416 : vector<16xf32> to vector<16xf32>
    tpu.vector_store %arg18[%swap3A_421], %swap3A_424 {strides = array<i32>} : memref<1024xf32, #tpu.memory_space<vmem>>, vector<16xf32>,
    %sub3A_425 = arith.subf %add3A_413, %add3A_416 : vector<16xf32>
    %swap3A_426 = arith.constant 144 : index
    %swap3A_427 = tpu.vector_load %arg19[%swap3A_426] {strides = array<i32>} : memref<1024xf32, #tpu.memory_space<vmem>>, vector<16xf32>,
    %swap3A_428 = vector.shape_cast %swap3A_427 : vector<16xf32> to vector<16xf32>
    %swap3A_429 = vector.shape_cast %sub3A_425 : vector<16xf32> to vector<16xf32>
    tpu.vector_store %arg19[%swap3A_426], %swap3A_429 {strides = array<i32>} : memref<1024xf32, #tpu.memory_space<vmem>>, vector<16xf32>,
    %get3A_430 = arith.constant 160 : index
    %get3A_431 = tpu.vector_load %arg11[%get3A_430] {strides = array<i32>} : memref<1024xi32, #tpu.memory_space<vmem>>, vector<16xi32>,
    %get3A_432 = vector.shape_cast %get3A_431 : vector<16xi32> to vector<16xi32>
    %lt3A_433 = arith.constant 0 : i32
    %lt3A_434 = vector.broadcast %lt3A_433 : i32 to vector<16xi32>
    %lt3A_435 = arith.cmpi slt, %get3A_432, %lt3A_434 : vector<16xi32>
    %add3A_436 = arith.constant 16 : i32
    %add3A_437 = vector.broadcast %add3A_436 : i32 to vector<16xi32>
    %add3A_438 = arith.addi %get3A_432, %add3A_437 : vector<16xi32>
    %select_n3A_439 = arith.select %lt3A_435, %add3A_438, %get3A_432 : vector<16xi1>, vector<16xi32>
    %broadcast_in_dim3A_440 = vector.shape_cast %select_n3A_439 : vector<16xi32> to vector<16x1xi32>
    %gather3A_441 = vector.shape_cast %broadcast_in_dim3A_440 : vector<16x1xi32> to vector<16xi32>
    %gather3A_442 = tpu.dynamic_gather %gather3A_70[%gather3A_441] in [0] : vector<16xf32>, vector<16xi32> -> vector<16xf32>
    %mul3A_443 = arith.mulf %gather3A_442, %gather3A_83 : vector<16xf32>
    %add3A_444 = arith.addf %mul3A_443, %gather3A_96 : vector<16xf32>
    %convert_element_type3A_445 = arith.sitofp %get3A_432 : vector<16xi32> to vector<16xf32>
    %mul3A_446 = arith.mulf %convert_element_type3A_445, %gather3A_109 : vector<16xf32>
    %add3A_447 = arith.addf %mul3A_446, %gather3A_122 : vector<16xf32>
    %swap3A_448 = arith.constant 160 : index
    %swap3A_449 = tpu.vector_load %arg17[%swap3A_448] {strides = array<i32>} : memref<1024xf32, #tpu.memory_space<vmem>>, vector<16xf32>,
    %swap3A_450 = vector.shape_cast %swap3A_449 : vector<16xf32> to vector<16xf32>
    %swap3A_451 = vector.shape_cast %add3A_444 : vector<16xf32> to vector<16xf32>
    tpu.vector_store %arg17[%swap3A_448], %swap3A_451 {strides = array<i32>} : memref<1024xf32, #tpu.memory_space<vmem>>, vector<16xf32>,
    %swap3A_452 = arith.constant 160 : index
    %swap3A_453 = tpu.vector_load %arg18[%swap3A_452] {strides = array<i32>} : memref<1024xf32, #tpu.memory_space<vmem>>, vector<16xf32>,
    %swap3A_454 = vector.shape_cast %swap3A_453 : vector<16xf32> to vector<16xf32>
    %swap3A_455 = vector.shape_cast %add3A_447 : vector<16xf32> to vector<16xf32>
    tpu.vector_store %arg18[%swap3A_452], %swap3A_455 {strides = array<i32>} : memref<1024xf32, #tpu.memory_space<vmem>>, vector<16xf32>,
    %sub3A_456 = arith.subf %add3A_444, %add3A_447 : vector<16xf32>
    %swap3A_457 = arith.constant 160 : index
    %swap3A_458 = tpu.vector_load %arg19[%swap3A_457] {strides = array<i32>} : memref<1024xf32, #tpu.memory_space<vmem>>, vector<16xf32>,
    %swap3A_459 = vector.shape_cast %swap3A_458 : vector<16xf32> to vector<16xf32>
    %swap3A_460 = vector.shape_cast %sub3A_456 : vector<16xf32> to vector<16xf32>
    tpu.vector_store %arg19[%swap3A_457], %swap3A_460 {strides = array<i32>} : memref<1024xf32, #tpu.memory_space<vmem>>, vector<16xf32>,
    %get3A_461 = arith.constant 176 : index
    %get3A_462 = tpu.vector_load %arg11[%get3A_461] {strides = array<i32>} : memref<1024xi32, #tpu.memory_space<vmem>>, vector<16xi32>,
    %get3A_463 = vector.shape_cast %get3A_462 : vector<16xi32> to vector<16xi32>
    %lt3A_464 = arith.constant 0 : i32
    %lt3A_465 = vector.broadcast %lt3A_464 : i32 to vector<16xi32>
    %lt3A_466 = arith.cmpi slt, %get3A_463, %lt3A_465 : vector<16xi32>
    %add3A_467 = arith.constant 16 : i32
    %add3A_468 = vector.broadcast %add3A_467 : i32 to vector<16xi32>
    %add3A_469 = arith.addi %get3A_463, %add3A_468 : vector<16xi32>
    %select_n3A_470 = arith.select %lt3A_466, %add3A_469, %get3A_463 : vector<16xi1>, vector<16xi32>
    %broadcast_in_dim3A_471 = vector.shape_cast %select_n3A_470 : vector<16xi32> to vector<16x1xi32>
    %gather3A_472 = vector.shape_cast %broadcast_in_dim3A_471 : vector<16x1xi32> to vector<16xi32>
    %gather3A_473 = tpu.dynamic_gather %gather3A_70[%gather3A_472] in [0] : vector<16xf32>, vector<16xi32> -> vector<16xf32>
    %mul3A_474 = arith.mulf %gather3A_473, %gather3A_83 : vector<16xf32>
    %add3A_475 = arith.addf %mul3A_474, %gather3A_96 : vector<16xf32>
    %convert_element_type3A_476 = arith.sitofp %get3A_463 : vector<16xi32> to vector<16xf32>
    %mul3A_477 = arith.mulf %convert_element_type3A_476, %gather3A_109 : vector<16xf32>
    %add3A_478 = arith.addf %mul3A_477, %gather3A_122 : vector<16xf32>
    %swap3A_479 = arith.constant 176 : index
    %swap3A_480 = tpu.vector_load %arg17[%swap3A_479] {strides = array<i32>} : memref<1024xf32, #tpu.memory_space<vmem>>, vector<16xf32>,
    %swap3A_481 = vector.shape_cast %swap3A_480 : vector<16xf32> to vector<16xf32>
    %swap3A_482 = vector.shape_cast %add3A_475 : vector<16xf32> to vector<16xf32>
    tpu.vector_store %arg17[%swap3A_479], %swap3A_482 {strides = array<i32>} : memref<1024xf32, #tpu.memory_space<vmem>>, vector<16xf32>,
    %swap3A_483 = arith.constant 176 : index
    %swap3A_484 = tpu.vector_load %arg18[%swap3A_483] {strides = array<i32>} : memref<1024xf32, #tpu.memory_space<vmem>>, vector<16xf32>,
    %swap3A_485 = vector.shape_cast %swap3A_484 : vector<16xf32> to vector<16xf32>
    %swap3A_486 = vector.shape_cast %add3A_478 : vector<16xf32> to vector<16xf32>
    tpu.vector_store %arg18[%swap3A_483], %swap3A_486 {strides = array<i32>} : memref<1024xf32, #tpu.memory_space<vmem>>, vector<16xf32>,
    %sub3A_487 = arith.subf %add3A_475, %add3A_478 : vector<16xf32>
    %swap3A_488 = arith.constant 176 : index
    %swap3A_489 = tpu.vector_load %arg19[%swap3A_488] {strides = array<i32>} : memref<1024xf32, #tpu.memory_space<vmem>>, vector<16xf32>,
    %swap3A_490 = vector.shape_cast %swap3A_489 : vector<16xf32> to vector<16xf32>
    %swap3A_491 = vector.shape_cast %sub3A_487 : vector<16xf32> to vector<16xf32>
    tpu.vector_store %arg19[%swap3A_488], %swap3A_491 {strides = array<i32>} : memref<1024xf32, #tpu.memory_space<vmem>>, vector<16xf32>,
    %get3A_492 = arith.constant 192 : index
    %get3A_493 = tpu.vector_load %arg11[%get3A_492] {strides = array<i32>} : memref<1024xi32, #tpu.memory_space<vmem>>, vector<16xi32>,
    %get3A_494 = vector.shape_cast %get3A_493 : vector<16xi32> to vector<16xi32>
    %lt3A_495 = arith.constant 0 : i32
    %lt3A_496 = vector.broadcast %lt3A_495 : i32 to vector<16xi32>
    %lt3A_497 = arith.cmpi slt, %get3A_494, %lt3A_496 : vector<16xi32>
    %add3A_498 = arith.constant 16 : i32
    %add3A_499 = vector.broadcast %add3A_498 : i32 to vector<16xi32>
    %add3A_500 = arith.addi %get3A_494, %add3A_499 : vector<16xi32>
    %select_n3A_501 = arith.select %lt3A_497, %add3A_500, %get3A_494 : vector<16xi1>, vector<16xi32>
    %broadcast_in_dim3A_502 = vector.shape_cast %select_n3A_501 : vector<16xi32> to vector<16x1xi32>
    %gather3A_503 = vector.shape_cast %broadcast_in_dim3A_502 : vector<16x1xi32> to vector<16xi32>
    %gather3A_504 = tpu.dynamic_gather %gather3A_70[%gather3A_503] in [0] : vector<16xf32>, vector<16xi32> -> vector<16xf32>
    %mul3A_505 = arith.mulf %gather3A_504, %gather3A_83 : vector<16xf32>
    %add3A_506 = arith.addf %mul3A_505, %gather3A_96 : vector<16xf32>
    %convert_element_type3A_507 = arith.sitofp %get3A_494 : vector<16xi32> to vector<16xf32>
    %mul3A_508 = arith.mulf %convert_element_type3A_507, %gather3A_109 : vector<16xf32>
    %add3A_509 = arith.addf %mul3A_508, %gather3A_122 : vector<16xf32>
    %swap3A_510 = arith.constant 192 : index
    %swap3A_511 = tpu.vector_load %arg17[%swap3A_510] {strides = array<i32>} : memref<1024xf32, #tpu.memory_space<vmem>>, vector<16xf32>,
    %swap3A_512 = vector.shape_cast %swap3A_511 : vector<16xf32> to vector<16xf32>
    %swap3A_513 = vector.shape_cast %add3A_506 : vector<16xf32> to vector<16xf32>
    tpu.vector_store %arg17[%swap3A_510], %swap3A_513 {strides = array<i32>} : memref<1024xf32, #tpu.memory_space<vmem>>, vector<16xf32>,
    %swap3A_514 = arith.constant 192 : index
    %swap3A_515 = tpu.vector_load %arg18[%swap3A_514] {strides = array<i32>} : memref<1024xf32, #tpu.memory_space<vmem>>, vector<16xf32>,
    %swap3A_516 = vector.shape_cast %swap3A_515 : vector<16xf32> to vector<16xf32>
    %swap3A_517 = vector.shape_cast %add3A_509 : vector<16xf32> to vector<16xf32>
    tpu.vector_store %arg18[%swap3A_514], %swap3A_517 {strides = array<i32>} : memref<1024xf32, #tpu.memory_space<vmem>>, vector<16xf32>,
    %sub3A_518 = arith.subf %add3A_506, %add3A_509 : vector<16xf32>
    %swap3A_519 = arith.constant 192 : index
    %swap3A_520 = tpu.vector_load %arg19[%swap3A_519] {strides = array<i32>} : memref<1024xf32, #tpu.memory_space<vmem>>, vector<16xf32>,
    %swap3A_521 = vector.shape_cast %swap3A_520 : vector<16xf32> to vector<16xf32>
    %swap3A_522 = vector.shape_cast %sub3A_518 : vector<16xf32> to vector<16xf32>
    tpu.vector_store %arg19[%swap3A_519], %swap3A_522 {strides = array<i32>} : memref<1024xf32, #tpu.memory_space<vmem>>, vector<16xf32>,
    %get3A_523 = arith.constant 208 : index
    %get3A_524 = tpu.vector_load %arg11[%get3A_523] {strides = array<i32>} : memref<1024xi32, #tpu.memory_space<vmem>>, vector<16xi32>,
    %get3A_525 = vector.shape_cast %get3A_524 : vector<16xi32> to vector<16xi32>
    %lt3A_526 = arith.constant 0 : i32
    %lt3A_527 = vector.broadcast %lt3A_526 : i32 to vector<16xi32>
    %lt3A_528 = arith.cmpi slt, %get3A_525, %lt3A_527 : vector<16xi32>
    %add3A_529 = arith.constant 16 : i32
    %add3A_530 = vector.broadcast %add3A_529 : i32 to vector<16xi32>
    %add3A_531 = arith.addi %get3A_525, %add3A_530 : vector<16xi32>
    %select_n3A_532 = arith.select %lt3A_528, %add3A_531, %get3A_525 : vector<16xi1>, vector<16xi32>
    %broadcast_in_dim3A_533 = vector.shape_cast %select_n3A_532 : vector<16xi32> to vector<16x1xi32>
    %gather3A_534 = vector.shape_cast %broadcast_in_dim3A_533 : vector<16x1xi32> to vector<16xi32>
    %gather3A_535 = tpu.dynamic_gather %gather3A_70[%gather3A_534] in [0] : vector<16xf32>, vector<16xi32> -> vector<16xf32>
    %mul3A_536 = arith.mulf %gather3A_535, %gather3A_83 : vector<16xf32>
    %add3A_537 = arith.addf %mul3A_536, %gather3A_96 : vector<16xf32>
    %convert_element_type3A_538 = arith.sitofp %get3A_525 : vector<16xi32> to vector<16xf32>
    %mul3A_539 = arith.mulf %convert_element_type3A_538, %gather3A_109 : vector<16xf32>
    %add3A_540 = arith.addf %mul3A_539, %gather3A_122 : vector<16xf32>
    %swap3A_541 = arith.constant 208 : index
    %swap3A_542 = tpu.vector_load %arg17[%swap3A_541] {strides = array<i32>} : memref<1024xf32, #tpu.memory_space<vmem>>, vector<16xf32>,
    %swap3A_543 = vector.shape_cast %swap3A_542 : vector<16xf32> to vector<16xf32>
    %swap3A_544 = vector.shape_cast %add3A_537 : vector<16xf32> to vector<16xf32>
    tpu.vector_store %arg17[%swap3A_541], %swap3A_544 {strides = array<i32>} : memref<1024xf32, #tpu.memory_space<vmem>>, vector<16xf32>,
    %swap3A_545 = arith.constant 208 : index
    %swap3A_546 = tpu.vector_load %arg18[%swap3A_545] {strides = array<i32>} : memref<1024xf32, #tpu.memory_space<vmem>>, vector<16xf32>,
    %swap3A_547 = vector.shape_cast %swap3A_546 : vector<16xf32> to vector<16xf32>
    %swap3A_548 = vector.shape_cast %add3A_540 : vector<16xf32> to vector<16xf32>
    tpu.vector_store %arg18[%swap3A_545], %swap3A_548 {strides = array<i32>} : memref<1024xf32, #tpu.memory_space<vmem>>, vector<16xf32>,
    %sub3A_549 = arith.subf %add3A_537, %add3A_540 : vector<16xf32>
    %swap3A_550 = arith.constant 208 : index
    %swap3A_551 = tpu.vector_load %arg19[%swap3A_550] {strides = array<i32>} : memref<1024xf32, #tpu.memory_space<vmem>>, vector<16xf32>,
    %swap3A_552 = vector.shape_cast %swap3A_551 : vector<16xf32> to vector<16xf32>
    %swap3A_553 = vector.shape_cast %sub3A_549 : vector<16xf32> to vector<16xf32>
    tpu.vector_store %arg19[%swap3A_550], %swap3A_553 {strides = array<i32>} : memref<1024xf32, #tpu.memory_space<vmem>>, vector<16xf32>,
    %get3A_554 = arith.constant 224 : index
    %get3A_555 = tpu.vector_load %arg11[%get3A_554] {strides = array<i32>} : memref<1024xi32, #tpu.memory_space<vmem>>, vector<16xi32>,
    %get3A_556 = vector.shape_cast %get3A_555 : vector<16xi32> to vector<16xi32>
    %lt3A_557 = arith.constant 0 : i32
    %lt3A_558 = vector.broadcast %lt3A_557 : i32 to vector<16xi32>
    %lt3A_559 = arith.cmpi slt, %get3A_556, %lt3A_558 : vector<16xi32>
    %add3A_560 = arith.constant 16 : i32
    %add3A_561 = vector.broadcast %add3A_560 : i32 to vector<16xi32>
    %add3A_562 = arith.addi %get3A_556, %add3A_561 : vector<16xi32>
    %select_n3A_563 = arith.select %lt3A_559, %add3A_562, %get3A_556 : vector<16xi1>, vector<16xi32>
    %broadcast_in_dim3A_564 = vector.shape_cast %select_n3A_563 : vector<16xi32> to vector<16x1xi32>
    %gather3A_565 = vector.shape_cast %broadcast_in_dim3A_564 : vector<16x1xi32> to vector<16xi32>
    %gather3A_566 = tpu.dynamic_gather %gather3A_70[%gather3A_565] in [0] : vector<16xf32>, vector<16xi32> -> vector<16xf32>
    %mul3A_567 = arith.mulf %gather3A_566, %gather3A_83 : vector<16xf32>
    %add3A_568 = arith.addf %mul3A_567, %gather3A_96 : vector<16xf32>
    %convert_element_type3A_569 = arith.sitofp %get3A_556 : vector<16xi32> to vector<16xf32>
    %mul3A_570 = arith.mulf %convert_element_type3A_569, %gather3A_109 : vector<16xf32>
    %add3A_571 = arith.addf %mul3A_570, %gather3A_122 : vector<16xf32>
    %swap3A_572 = arith.constant 224 : index
    %swap3A_573 = tpu.vector_load %arg17[%swap3A_572] {strides = array<i32>} : memref<1024xf32, #tpu.memory_space<vmem>>, vector<16xf32>,
    %swap3A_574 = vector.shape_cast %swap3A_573 : vector<16xf32> to vector<16xf32>
    %swap3A_575 = vector.shape_cast %add3A_568 : vector<16xf32> to vector<16xf32>
    tpu.vector_store %arg17[%swap3A_572], %swap3A_575 {strides = array<i32>} : memref<1024xf32, #tpu.memory_space<vmem>>, vector<16xf32>,
    %swap3A_576 = arith.constant 224 : index
    %swap3A_577 = tpu.vector_load %arg18[%swap3A_576] {strides = array<i32>} : memref<1024xf32, #tpu.memory_space<vmem>>, vector<16xf32>,
    %swap3A_578 = vector.shape_cast %swap3A_577 : vector<16xf32> to vector<16xf32>
    %swap3A_579 = vector.shape_cast %add3A_571 : vector<16xf32> to vector<16xf32>
    tpu.vector_store %arg18[%swap3A_576], %swap3A_579 {strides = array<i32>} : memref<1024xf32, #tpu.memory_space<vmem>>, vector<16xf32>,
    %sub3A_580 = arith.subf %add3A_568, %add3A_571 : vector<16xf32>
    %swap3A_581 = arith.constant 224 : index
    %swap3A_582 = tpu.vector_load %arg19[%swap3A_581] {strides = array<i32>} : memref<1024xf32, #tpu.memory_space<vmem>>, vector<16xf32>,
    %swap3A_583 = vector.shape_cast %swap3A_582 : vector<16xf32> to vector<16xf32>
    %swap3A_584 = vector.shape_cast %sub3A_580 : vector<16xf32> to vector<16xf32>
    tpu.vector_store %arg19[%swap3A_581], %swap3A_584 {strides = array<i32>} : memref<1024xf32, #tpu.memory_space<vmem>>, vector<16xf32>,
    %get3A_585 = arith.constant 240 : index
    %get3A_586 = tpu.vector_load %arg11[%get3A_585] {strides = array<i32>} : memref<1024xi32, #tpu.memory_space<vmem>>, vector<16xi32>,
    %get3A_587 = vector.shape_cast %get3A_586 : vector<16xi32> to vector<16xi32>
    %lt3A_588 = arith.constant 0 : i32
    %lt3A_589 = vector.broadcast %lt3A_588 : i32 to vector<16xi32>
    %lt3A_590 = arith.cmpi slt, %get3A_587, %lt3A_589 : vector<16xi32>
    %add3A_591 = arith.constant 16 : i32
    %add3A_592 = vector.broadcast %add3A_591 : i32 to vector<16xi32>
    %add3A_593 = arith.addi %get3A_587, %add3A_592 : vector<16xi32>
    %select_n3A_594 = arith.select %lt3A_590, %add3A_593, %get3A_587 : vector<16xi1>, vector<16xi32>
    %broadcast_in_dim3A_595 = vector.shape_cast %select_n3A_594 : vector<16xi32> to vector<16x1xi32>
    %gather3A_596 = vector.shape_cast %broadcast_in_dim3A_595 : vector<16x1xi32> to vector<16xi32>
    %gather3A_597 = tpu.dynamic_gather %gather3A_70[%gather3A_596] in [0] : vector<16xf32>, vector<16xi32> -> vector<16xf32>
    %mul3A_598 = arith.mulf %gather3A_597, %gather3A_83 : vector<16xf32>
    %add3A_599 = arith.addf %mul3A_598, %gather3A_96 : vector<16xf32>
    %convert_element_type3A_600 = arith.sitofp %get3A_587 : vector<16xi32> to vector<16xf32>
    %mul3A_601 = arith.mulf %convert_element_type3A_600, %gather3A_109 : vector<16xf32>
    %add3A_602 = arith.addf %mul3A_601, %gather3A_122 : vector<16xf32>
    %swap3A_603 = arith.constant 240 : index
    %swap3A_604 = tpu.vector_load %arg17[%swap3A_603] {strides = array<i32>} : memref<1024xf32, #tpu.memory_space<vmem>>, vector<16xf32>,
    %swap3A_605 = vector.shape_cast %swap3A_604 : vector<16xf32> to vector<16xf32>
    %swap3A_606 = vector.shape_cast %add3A_599 : vector<16xf32> to vector<16xf32>
    tpu.vector_store %arg17[%swap3A_603], %swap3A_606 {strides = array<i32>} : memref<1024xf32, #tpu.memory_space<vmem>>, vector<16xf32>,
    %swap3A_607 = arith.constant 240 : index
    %swap3A_608 = tpu.vector_load %arg18[%swap3A_607] {strides = array<i32>} : memref<1024xf32, #tpu.memory_space<vmem>>, vector<16xf32>,
    %swap3A_609 = vector.shape_cast %swap3A_608 : vector<16xf32> to vector<16xf32>
    %swap3A_610 = vector.shape_cast %add3A_602 : vector<16xf32> to vector<16xf32>
    tpu.vector_store %arg18[%swap3A_607], %swap3A_610 {strides = array<i32>} : memref<1024xf32, #tpu.memory_space<vmem>>, vector<16xf32>,
    %sub3A_611 = arith.subf %add3A_599, %add3A_602 : vector<16xf32>
    %swap3A_612 = arith.constant 240 : index
    %swap3A_613 = tpu.vector_load %arg19[%swap3A_612] {strides = array<i32>} : memref<1024xf32, #tpu.memory_space<vmem>>, vector<16xf32>,
    %swap3A_614 = vector.shape_cast %swap3A_613 : vector<16xf32> to vector<16xf32>
    %swap3A_615 = vector.shape_cast %sub3A_611 : vector<16xf32> to vector<16xf32>
    tpu.vector_store %arg19[%swap3A_612], %swap3A_615 {strides = array<i32>} : memref<1024xf32, #tpu.memory_space<vmem>>, vector<16xf32>,
    %add3A_616 = arith.constant 0 : i32
    %add3A_617 = arith.addi %mul3A_2, %add3A_616 : i32
    %dma_start3A_618 = arith.constant 0 : i32
    %dma_start3A_619 = tpu.memref_slice %arg17[%dma_start3A_618] : memref<1024xf32, #tpu.memory_space<vmem>> -> memref<256xf32, #tpu.memory_space<vmem>>
    %dma_start3A_620 = tpu.memref_slice %arg8[%add3A_617] : memref<16384xf32, #tpu.memory_space<hbm>> -> memref<256xf32, #tpu.memory_space<hbm>>
    %dma_start3A_621 = tpu.memref_slice %arg8[%add3A_617] : memref<16384xf32, #tpu.memory_space<hbm>> -> memref<256xf32, #tpu.memory_space<hbm>>
    %dma_start3A_622 = arith.constant 0 : i32
    %dma_start3A_623 = tpu.memref_slice %arg17[%dma_start3A_622] : memref<1024xf32, #tpu.memory_space<vmem>> -> memref<256xf32, #tpu.memory_space<vmem>>
    tpu.enqueue_dma source(%dma_start3A_623 : memref<256xf32, #tpu.memory_space<vmem>>) target(%dma_start3A_621 : memref<256xf32, #tpu.memory_space<hbm>>) target_semaphore(%arg21 : memref<!tpu.dma_semaphore, #tpu.memory_space<semaphore_mem>>)
    %dma_start3A_624 = arith.constant 0 : i32
    %dma_start3A_625 = tpu.memref_slice %arg18[%dma_start3A_624] : memref<1024xf32, #tpu.memory_space<vmem>> -> memref<256xf32, #tpu.memory_space<vmem>>
    %dma_start3A_626 = tpu.memref_slice %arg9[%add3A_617] : memref<16384xf32, #tpu.memory_space<hbm>> -> memref<256xf32, #tpu.memory_space<hbm>>
    %dma_start3A_627 = tpu.memref_slice %arg9[%add3A_617] : memref<16384xf32, #tpu.memory_space<hbm>> -> memref<256xf32, #tpu.memory_space<hbm>>
    %dma_start3A_628 = arith.constant 0 : i32
    %dma_start3A_629 = tpu.memref_slice %arg18[%dma_start3A_628] : memref<1024xf32, #tpu.memory_space<vmem>> -> memref<256xf32, #tpu.memory_space<vmem>>
    tpu.enqueue_dma source(%dma_start3A_629 : memref<256xf32, #tpu.memory_space<vmem>>) target(%dma_start3A_627 : memref<256xf32, #tpu.memory_space<hbm>>) target_semaphore(%arg21 : memref<!tpu.dma_semaphore, #tpu.memory_space<semaphore_mem>>)
    %dma_start3A_630 = arith.constant 0 : i32
    %dma_start3A_631 = tpu.memref_slice %arg19[%dma_start3A_630] : memref<1024xf32, #tpu.memory_space<vmem>> -> memref<256xf32, #tpu.memory_space<vmem>>
    %dma_start3A_632 = tpu.memref_slice %arg10[%add3A_617] : memref<16384xf32, #tpu.memory_space<hbm>> -> memref<256xf32, #tpu.memory_space<hbm>>
    %dma_start3A_633 = tpu.memref_slice %arg10[%add3A_617] : memref<16384xf32, #tpu.memory_space<hbm>> -> memref<256xf32, #tpu.memory_space<hbm>>
    %dma_start3A_634 = arith.constant 0 : i32
    %dma_start3A_635 = tpu.memref_slice %arg19[%dma_start3A_634] : memref<1024xf32, #tpu.memory_space<vmem>> -> memref<256xf32, #tpu.memory_space<vmem>>
    tpu.enqueue_dma source(%dma_start3A_635 : memref<256xf32, #tpu.memory_space<vmem>>) target(%dma_start3A_633 : memref<256xf32, #tpu.memory_space<hbm>>) target_semaphore(%arg21 : memref<!tpu.dma_semaphore, #tpu.memory_space<semaphore_mem>>)
    %get3A_636 = arith.constant 256 : index
    %get3A_637 = tpu.vector_load %arg11[%get3A_636] {strides = array<i32>} : memref<1024xi32, #tpu.memory_space<vmem>>, vector<16xi32>,
    %get3A_638 = vector.shape_cast %get3A_637 : vector<16xi32> to vector<16xi32>
    %lt3A_639 = arith.constant 0 : i32
    %lt3A_640 = vector.broadcast %lt3A_639 : i32 to vector<16xi32>
    %lt3A_641 = arith.cmpi slt, %get3A_638, %lt3A_640 : vector<16xi32>
    %add3A_642 = arith.constant 16 : i32
    %add3A_643 = vector.broadcast %add3A_642 : i32 to vector<16xi32>
    %add3A_644 = arith.addi %get3A_638, %add3A_643 : vector<16xi32>
    %select_n3A_645 = arith.select %lt3A_641, %add3A_644, %get3A_638 : vector<16xi1>, vector<16xi32>
    %broadcast_in_dim3A_646 = vector.shape_cast %select_n3A_645 : vector<16xi32> to vector<16x1xi32>
    %gather3A_647 = vector.shape_cast %broadcast_in_dim3A_646 : vector<16x1xi32> to vector<16xi32>
    %gather3A_648 = tpu.dynamic_gather %gather3A_70[%gather3A_647] in [0] : vector<16xf32>, vector<16xi32> -> vector<16xf32>
    %mul3A_649 = arith.mulf %gather3A_648, %gather3A_83 : vector<16xf32>
    %add3A_650 = arith.addf %mul3A_649, %gather3A_96 : vector<16xf32>
    %convert_element_type3A_651 = arith.sitofp %get3A_638 : vector<16xi32> to vector<16xf32>
    %mul3A_652 = arith.mulf %convert_element_type3A_651, %gather3A_109 : vector<16xf32>
    %add3A_653 = arith.addf %mul3A_652, %gather3A_122 : vector<16xf32>
    %swap3A_654 = arith.constant 256 : index
    %swap3A_655 = tpu.vector_load %arg17[%swap3A_654] {strides = array<i32>} : memref<1024xf32, #tpu.memory_space<vmem>>, vector<16xf32>,
    %swap3A_656 = vector.shape_cast %swap3A_655 : vector<16xf32> to vector<16xf32>
    %swap3A_657 = vector.shape_cast %add3A_650 : vector<16xf32> to vector<16xf32>
    tpu.vector_store %arg17[%swap3A_654], %swap3A_657 {strides = array<i32>} : memref<1024xf32, #tpu.memory_space<vmem>>, vector<16xf32>,
    %swap3A_658 = arith.constant 256 : index
    %swap3A_659 = tpu.vector_load %arg18[%swap3A_658] {strides = array<i32>} : memref<1024xf32, #tpu.memory_space<vmem>>, vector<16xf32>,
    %swap3A_660 = vector.shape_cast %swap3A_659 : vector<16xf32> to vector<16xf32>
    %swap3A_661 = vector.shape_cast %add3A_653 : vector<16xf32> to vector<16xf32>
    tpu.vector_store %arg18[%swap3A_658], %swap3A_661 {strides = array<i32>} : memref<1024xf32, #tpu.memory_space<vmem>>, vector<16xf32>,
    %sub3A_662 = arith.subf %add3A_650, %add3A_653 : vector<16xf32>
    %swap3A_663 = arith.constant 256 : index
    %swap3A_664 = tpu.vector_load %arg19[%swap3A_663] {strides = array<i32>} : memref<1024xf32, #tpu.memory_space<vmem>>, vector<16xf32>,
    %swap3A_665 = vector.shape_cast %swap3A_664 : vector<16xf32> to vector<16xf32>
    %swap3A_666 = vector.shape_cast %sub3A_662 : vector<16xf32> to vector<16xf32>
    tpu.vector_store %arg19[%swap3A_663], %swap3A_666 {strides = array<i32>} : memref<1024xf32, #tpu.memory_space<vmem>>, vector<16xf32>,
    %get3A_667 = arith.constant 272 : index
    %get3A_668 = tpu.vector_load %arg11[%get3A_667] {strides = array<i32>} : memref<1024xi32, #tpu.memory_space<vmem>>, vector<16xi32>,
    %get3A_669 = vector.shape_cast %get3A_668 : vector<16xi32> to vector<16xi32>
    %lt3A_670 = arith.constant 0 : i32
    %lt3A_671 = vector.broadcast %lt3A_670 : i32 to vector<16xi32>
    %lt3A_672 = arith.cmpi slt, %get3A_669, %lt3A_671 : vector<16xi32>
    %add3A_673 = arith.constant 16 : i32
    %add3A_674 = vector.broadcast %add3A_673 : i32 to vector<16xi32>
    %add3A_675 = arith.addi %get3A_669, %add3A_674 : vector<16xi32>
    %select_n3A_676 = arith.select %lt3A_672, %add3A_675, %get3A_669 : vector<16xi1>, vector<16xi32>
    %broadcast_in_dim3A_677 = vector.shape_cast %select_n3A_676 : vector<16xi32> to vector<16x1xi32>
    %gather3A_678 = vector.shape_cast %broadcast_in_dim3A_677 : vector<16x1xi32> to vector<16xi32>
    %gather3A_679 = tpu.dynamic_gather %gather3A_70[%gather3A_678] in [0] : vector<16xf32>, vector<16xi32> -> vector<16xf32>
    %mul3A_680 = arith.mulf %gather3A_679, %gather3A_83 : vector<16xf32>
    %add3A_681 = arith.addf %mul3A_680, %gather3A_96 : vector<16xf32>
    %convert_element_type3A_682 = arith.sitofp %get3A_669 : vector<16xi32> to vector<16xf32>
    %mul3A_683 = arith.mulf %convert_element_type3A_682, %gather3A_109 : vector<16xf32>
    %add3A_684 = arith.addf %mul3A_683, %gather3A_122 : vector<16xf32>
    %swap3A_685 = arith.constant 272 : index
    %swap3A_686 = tpu.vector_load %arg17[%swap3A_685] {strides = array<i32>} : memref<1024xf32, #tpu.memory_space<vmem>>, vector<16xf32>,
    %swap3A_687 = vector.shape_cast %swap3A_686 : vector<16xf32> to vector<16xf32>
    %swap3A_688 = vector.shape_cast %add3A_681 : vector<16xf32> to vector<16xf32>
    tpu.vector_store %arg17[%swap3A_685], %swap3A_688 {strides = array<i32>} : memref<1024xf32, #tpu.memory_space<vmem>>, vector<16xf32>,
    %swap3A_689 = arith.constant 272 : index
    %swap3A_690 = tpu.vector_load %arg18[%swap3A_689] {strides = array<i32>} : memref<1024xf32, #tpu.memory_space<vmem>>, vector<16xf32>,
    %swap3A_691 = vector.shape_cast %swap3A_690 : vector<16xf32> to vector<16xf32>
    %swap3A_692 = vector.shape_cast %add3A_684 : vector<16xf32> to vector<16xf32>
    tpu.vector_store %arg18[%swap3A_689], %swap3A_692 {strides = array<i32>} : memref<1024xf32, #tpu.memory_space<vmem>>, vector<16xf32>,
    %sub3A_693 = arith.subf %add3A_681, %add3A_684 : vector<16xf32>
    %swap3A_694 = arith.constant 272 : index
    %swap3A_695 = tpu.vector_load %arg19[%swap3A_694] {strides = array<i32>} : memref<1024xf32, #tpu.memory_space<vmem>>, vector<16xf32>,
    %swap3A_696 = vector.shape_cast %swap3A_695 : vector<16xf32> to vector<16xf32>
    %swap3A_697 = vector.shape_cast %sub3A_693 : vector<16xf32> to vector<16xf32>
    tpu.vector_store %arg19[%swap3A_694], %swap3A_697 {strides = array<i32>} : memref<1024xf32, #tpu.memory_space<vmem>>, vector<16xf32>,
    %get3A_698 = arith.constant 288 : index
    %get3A_699 = tpu.vector_load %arg11[%get3A_698] {strides = array<i32>} : memref<1024xi32, #tpu.memory_space<vmem>>, vector<16xi32>,
    %get3A_700 = vector.shape_cast %get3A_699 : vector<16xi32> to vector<16xi32>
    %lt3A_701 = arith.constant 0 : i32
    %lt3A_702 = vector.broadcast %lt3A_701 : i32 to vector<16xi32>
    %lt3A_703 = arith.cmpi slt, %get3A_700, %lt3A_702 : vector<16xi32>
    %add3A_704 = arith.constant 16 : i32
    %add3A_705 = vector.broadcast %add3A_704 : i32 to vector<16xi32>
    %add3A_706 = arith.addi %get3A_700, %add3A_705 : vector<16xi32>
    %select_n3A_707 = arith.select %lt3A_703, %add3A_706, %get3A_700 : vector<16xi1>, vector<16xi32>
    %broadcast_in_dim3A_708 = vector.shape_cast %select_n3A_707 : vector<16xi32> to vector<16x1xi32>
    %gather3A_709 = vector.shape_cast %broadcast_in_dim3A_708 : vector<16x1xi32> to vector<16xi32>
    %gather3A_710 = tpu.dynamic_gather %gather3A_70[%gather3A_709] in [0] : vector<16xf32>, vector<16xi32> -> vector<16xf32>
    %mul3A_711 = arith.mulf %gather3A_710, %gather3A_83 : vector<16xf32>
    %add3A_712 = arith.addf %mul3A_711, %gather3A_96 : vector<16xf32>
    %convert_element_type3A_713 = arith.sitofp %get3A_700 : vector<16xi32> to vector<16xf32>
    %mul3A_714 = arith.mulf %convert_element_type3A_713, %gather3A_109 : vector<16xf32>
    %add3A_715 = arith.addf %mul3A_714, %gather3A_122 : vector<16xf32>
    %swap3A_716 = arith.constant 288 : index
    %swap3A_717 = tpu.vector_load %arg17[%swap3A_716] {strides = array<i32>} : memref<1024xf32, #tpu.memory_space<vmem>>, vector<16xf32>,
    %swap3A_718 = vector.shape_cast %swap3A_717 : vector<16xf32> to vector<16xf32>
    %swap3A_719 = vector.shape_cast %add3A_712 : vector<16xf32> to vector<16xf32>
    tpu.vector_store %arg17[%swap3A_716], %swap3A_719 {strides = array<i32>} : memref<1024xf32, #tpu.memory_space<vmem>>, vector<16xf32>,
    %swap3A_720 = arith.constant 288 : index
    %swap3A_721 = tpu.vector_load %arg18[%swap3A_720] {strides = array<i32>} : memref<1024xf32, #tpu.memory_space<vmem>>, vector<16xf32>,
    %swap3A_722 = vector.shape_cast %swap3A_721 : vector<16xf32> to vector<16xf32>
    %swap3A_723 = vector.shape_cast %add3A_715 : vector<16xf32> to vector<16xf32>
    tpu.vector_store %arg18[%swap3A_720], %swap3A_723 {strides = array<i32>} : memref<1024xf32, #tpu.memory_space<vmem>>, vector<16xf32>,
    %sub3A_724 = arith.subf %add3A_712, %add3A_715 : vector<16xf32>
    %swap3A_725 = arith.constant 288 : index
    %swap3A_726 = tpu.vector_load %arg19[%swap3A_725] {strides = array<i32>} : memref<1024xf32, #tpu.memory_space<vmem>>, vector<16xf32>,
    %swap3A_727 = vector.shape_cast %swap3A_726 : vector<16xf32> to vector<16xf32>
    %swap3A_728 = vector.shape_cast %sub3A_724 : vector<16xf32> to vector<16xf32>
    tpu.vector_store %arg19[%swap3A_725], %swap3A_728 {strides = array<i32>} : memref<1024xf32, #tpu.memory_space<vmem>>, vector<16xf32>,
    %get3A_729 = arith.constant 304 : index
    %get3A_730 = tpu.vector_load %arg11[%get3A_729] {strides = array<i32>} : memref<1024xi32, #tpu.memory_space<vmem>>, vector<16xi32>,
    %get3A_731 = vector.shape_cast %get3A_730 : vector<16xi32> to vector<16xi32>
    %lt3A_732 = arith.constant 0 : i32
    %lt3A_733 = vector.broadcast %lt3A_732 : i32 to vector<16xi32>
    %lt3A_734 = arith.cmpi slt, %get3A_731, %lt3A_733 : vector<16xi32>
    %add3A_735 = arith.constant 16 : i32
    %add3A_736 = vector.broadcast %add3A_735 : i32 to vector<16xi32>
    %add3A_737 = arith.addi %get3A_731, %add3A_736 : vector<16xi32>
    %select_n3A_738 = arith.select %lt3A_734, %add3A_737, %get3A_731 : vector<16xi1>, vector<16xi32>
    %broadcast_in_dim3A_739 = vector.shape_cast %select_n3A_738 : vector<16xi32> to vector<16x1xi32>
    %gather3A_740 = vector.shape_cast %broadcast_in_dim3A_739 : vector<16x1xi32> to vector<16xi32>
    %gather3A_741 = tpu.dynamic_gather %gather3A_70[%gather3A_740] in [0] : vector<16xf32>, vector<16xi32> -> vector<16xf32>
    %mul3A_742 = arith.mulf %gather3A_741, %gather3A_83 : vector<16xf32>
    %add3A_743 = arith.addf %mul3A_742, %gather3A_96 : vector<16xf32>
    %convert_element_type3A_744 = arith.sitofp %get3A_731 : vector<16xi32> to vector<16xf32>
    %mul3A_745 = arith.mulf %convert_element_type3A_744, %gather3A_109 : vector<16xf32>
    %add3A_746 = arith.addf %mul3A_745, %gather3A_122 : vector<16xf32>
    %swap3A_747 = arith.constant 304 : index
    %swap3A_748 = tpu.vector_load %arg17[%swap3A_747] {strides = array<i32>} : memref<1024xf32, #tpu.memory_space<vmem>>, vector<16xf32>,
    %swap3A_749 = vector.shape_cast %swap3A_748 : vector<16xf32> to vector<16xf32>
    %swap3A_750 = vector.shape_cast %add3A_743 : vector<16xf32> to vector<16xf32>
    tpu.vector_store %arg17[%swap3A_747], %swap3A_750 {strides = array<i32>} : memref<1024xf32, #tpu.memory_space<vmem>>, vector<16xf32>,
    %swap3A_751 = arith.constant 304 : index
    %swap3A_752 = tpu.vector_load %arg18[%swap3A_751] {strides = array<i32>} : memref<1024xf32, #tpu.memory_space<vmem>>, vector<16xf32>,
    %swap3A_753 = vector.shape_cast %swap3A_752 : vector<16xf32> to vector<16xf32>
    %swap3A_754 = vector.shape_cast %add3A_746 : vector<16xf32> to vector<16xf32>
    tpu.vector_store %arg18[%swap3A_751], %swap3A_754 {strides = array<i32>} : memref<1024xf32, #tpu.memory_space<vmem>>, vector<16xf32>,
    %sub3A_755 = arith.subf %add3A_743, %add3A_746 : vector<16xf32>
    %swap3A_756 = arith.constant 304 : index
    %swap3A_757 = tpu.vector_load %arg19[%swap3A_756] {strides = array<i32>} : memref<1024xf32, #tpu.memory_space<vmem>>, vector<16xf32>,
    %swap3A_758 = vector.shape_cast %swap3A_757 : vector<16xf32> to vector<16xf32>
    %swap3A_759 = vector.shape_cast %sub3A_755 : vector<16xf32> to vector<16xf32>
    tpu.vector_store %arg19[%swap3A_756], %swap3A_759 {strides = array<i32>} : memref<1024xf32, #tpu.memory_space<vmem>>, vector<16xf32>,
    %get3A_760 = arith.constant 320 : index
    %get3A_761 = tpu.vector_load %arg11[%get3A_760] {strides = array<i32>} : memref<1024xi32, #tpu.memory_space<vmem>>, vector<16xi32>,
    %get3A_762 = vector.shape_cast %get3A_761 : vector<16xi32> to vector<16xi32>
    %lt3A_763 = arith.constant 0 : i32
    %lt3A_764 = vector.broadcast %lt3A_763 : i32 to vector<16xi32>
    %lt3A_765 = arith.cmpi slt, %get3A_762, %lt3A_764 : vector<16xi32>
    %add3A_766 = arith.constant 16 : i32
    %add3A_767 = vector.broadcast %add3A_766 : i32 to vector<16xi32>
    %add3A_768 = arith.addi %get3A_762, %add3A_767 : vector<16xi32>
    %select_n3A_769 = arith.select %lt3A_765, %add3A_768, %get3A_762 : vector<16xi1>, vector<16xi32>
    %broadcast_in_dim3A_770 = vector.shape_cast %select_n3A_769 : vector<16xi32> to vector<16x1xi32>
    %gather3A_771 = vector.shape_cast %broadcast_in_dim3A_770 : vector<16x1xi32> to vector<16xi32>
    %gather3A_772 = tpu.dynamic_gather %gather3A_70[%gather3A_771] in [0] : vector<16xf32>, vector<16xi32> -> vector<16xf32>
    %mul3A_773 = arith.mulf %gather3A_772, %gather3A_83 : vector<16xf32>
    %add3A_774 = arith.addf %mul3A_773, %gather3A_96 : vector<16xf32>
    %convert_element_type3A_775 = arith.sitofp %get3A_762 : vector<16xi32> to vector<16xf32>
    %mul3A_776 = arith.mulf %convert_element_type3A_775, %gather3A_109 : vector<16xf32>
    %add3A_777 = arith.addf %mul3A_776, %gather3A_122 : vector<16xf32>
    %swap3A_778 = arith.constant 320 : index
    %swap3A_779 = tpu.vector_load %arg17[%swap3A_778] {strides = array<i32>} : memref<1024xf32, #tpu.memory_space<vmem>>, vector<16xf32>,
    %swap3A_780 = vector.shape_cast %swap3A_779 : vector<16xf32> to vector<16xf32>
    %swap3A_781 = vector.shape_cast %add3A_774 : vector<16xf32> to vector<16xf32>
    tpu.vector_store %arg17[%swap3A_778], %swap3A_781 {strides = array<i32>} : memref<1024xf32, #tpu.memory_space<vmem>>, vector<16xf32>,
    %swap3A_782 = arith.constant 320 : index
    %swap3A_783 = tpu.vector_load %arg18[%swap3A_782] {strides = array<i32>} : memref<1024xf32, #tpu.memory_space<vmem>>, vector<16xf32>,
    %swap3A_784 = vector.shape_cast %swap3A_783 : vector<16xf32> to vector<16xf32>
    %swap3A_785 = vector.shape_cast %add3A_777 : vector<16xf32> to vector<16xf32>
    tpu.vector_store %arg18[%swap3A_782], %swap3A_785 {strides = array<i32>} : memref<1024xf32, #tpu.memory_space<vmem>>, vector<16xf32>,
    %sub3A_786 = arith.subf %add3A_774, %add3A_777 : vector<16xf32>
    %swap3A_787 = arith.constant 320 : index
    %swap3A_788 = tpu.vector_load %arg19[%swap3A_787] {strides = array<i32>} : memref<1024xf32, #tpu.memory_space<vmem>>, vector<16xf32>,
    %swap3A_789 = vector.shape_cast %swap3A_788 : vector<16xf32> to vector<16xf32>
    %swap3A_790 = vector.shape_cast %sub3A_786 : vector<16xf32> to vector<16xf32>
    tpu.vector_store %arg19[%swap3A_787], %swap3A_790 {strides = array<i32>} : memref<1024xf32, #tpu.memory_space<vmem>>, vector<16xf32>,
    %get3A_791 = arith.constant 336 : index
    %get3A_792 = tpu.vector_load %arg11[%get3A_791] {strides = array<i32>} : memref<1024xi32, #tpu.memory_space<vmem>>, vector<16xi32>,
    %get3A_793 = vector.shape_cast %get3A_792 : vector<16xi32> to vector<16xi32>
    %lt3A_794 = arith.constant 0 : i32
    %lt3A_795 = vector.broadcast %lt3A_794 : i32 to vector<16xi32>
    %lt3A_796 = arith.cmpi slt, %get3A_793, %lt3A_795 : vector<16xi32>
    %add3A_797 = arith.constant 16 : i32
    %add3A_798 = vector.broadcast %add3A_797 : i32 to vector<16xi32>
    %add3A_799 = arith.addi %get3A_793, %add3A_798 : vector<16xi32>
    %select_n3A_800 = arith.select %lt3A_796, %add3A_799, %get3A_793 : vector<16xi1>, vector<16xi32>
    %broadcast_in_dim3A_801 = vector.shape_cast %select_n3A_800 : vector<16xi32> to vector<16x1xi32>
    %gather3A_802 = vector.shape_cast %broadcast_in_dim3A_801 : vector<16x1xi32> to vector<16xi32>
    %gather3A_803 = tpu.dynamic_gather %gather3A_70[%gather3A_802] in [0] : vector<16xf32>, vector<16xi32> -> vector<16xf32>
    %mul3A_804 = arith.mulf %gather3A_803, %gather3A_83 : vector<16xf32>
    %add3A_805 = arith.addf %mul3A_804, %gather3A_96 : vector<16xf32>
    %convert_element_type3A_806 = arith.sitofp %get3A_793 : vector<16xi32> to vector<16xf32>
    %mul3A_807 = arith.mulf %convert_element_type3A_806, %gather3A_109 : vector<16xf32>
    %add3A_808 = arith.addf %mul3A_807, %gather3A_122 : vector<16xf32>
    %swap3A_809 = arith.constant 336 : index
    %swap3A_810 = tpu.vector_load %arg17[%swap3A_809] {strides = array<i32>} : memref<1024xf32, #tpu.memory_space<vmem>>, vector<16xf32>,
    %swap3A_811 = vector.shape_cast %swap3A_810 : vector<16xf32> to vector<16xf32>
    %swap3A_812 = vector.shape_cast %add3A_805 : vector<16xf32> to vector<16xf32>
    tpu.vector_store %arg17[%swap3A_809], %swap3A_812 {strides = array<i32>} : memref<1024xf32, #tpu.memory_space<vmem>>, vector<16xf32>,
    %swap3A_813 = arith.constant 336 : index
    %swap3A_814 = tpu.vector_load %arg18[%swap3A_813] {strides = array<i32>} : memref<1024xf32, #tpu.memory_space<vmem>>, vector<16xf32>,
    %swap3A_815 = vector.shape_cast %swap3A_814 : vector<16xf32> to vector<16xf32>
    %swap3A_816 = vector.shape_cast %add3A_808 : vector<16xf32> to vector<16xf32>
    tpu.vector_store %arg18[%swap3A_813], %swap3A_816 {strides = array<i32>} : memref<1024xf32, #tpu.memory_space<vmem>>, vector<16xf32>,
    %sub3A_817 = arith.subf %add3A_805, %add3A_808 : vector<16xf32>
    %swap3A_818 = arith.constant 336 : index
    %swap3A_819 = tpu.vector_load %arg19[%swap3A_818] {strides = array<i32>} : memref<1024xf32, #tpu.memory_space<vmem>>, vector<16xf32>,
    %swap3A_820 = vector.shape_cast %swap3A_819 : vector<16xf32> to vector<16xf32>
    %swap3A_821 = vector.shape_cast %sub3A_817 : vector<16xf32> to vector<16xf32>
    tpu.vector_store %arg19[%swap3A_818], %swap3A_821 {strides = array<i32>} : memref<1024xf32, #tpu.memory_space<vmem>>, vector<16xf32>,
    %get3A_822 = arith.constant 352 : index
    %get3A_823 = tpu.vector_load %arg11[%get3A_822] {strides = array<i32>} : memref<1024xi32, #tpu.memory_space<vmem>>, vector<16xi32>,
    %get3A_824 = vector.shape_cast %get3A_823 : vector<16xi32> to vector<16xi32>
    %lt3A_825 = arith.constant 0 : i32
    %lt3A_826 = vector.broadcast %lt3A_825 : i32 to vector<16xi32>
    %lt3A_827 = arith.cmpi slt, %get3A_824, %lt3A_826 : vector<16xi32>
    %add3A_828 = arith.constant 16 : i32
    %add3A_829 = vector.broadcast %add3A_828 : i32 to vector<16xi32>
    %add3A_830 = arith.addi %get3A_824, %add3A_829 : vector<16xi32>
    %select_n3A_831 = arith.select %lt3A_827, %add3A_830, %get3A_824 : vector<16xi1>, vector<16xi32>
    %broadcast_in_dim3A_832 = vector.shape_cast %select_n3A_831 : vector<16xi32> to vector<16x1xi32>
    %gather3A_833 = vector.shape_cast %broadcast_in_dim3A_832 : vector<16x1xi32> to vector<16xi32>
    %gather3A_834 = tpu.dynamic_gather %gather3A_70[%gather3A_833] in [0] : vector<16xf32>, vector<16xi32> -> vector<16xf32>
    %mul3A_835 = arith.mulf %gather3A_834, %gather3A_83 : vector<16xf32>
    %add3A_836 = arith.addf %mul3A_835, %gather3A_96 : vector<16xf32>
    %convert_element_type3A_837 = arith.sitofp %get3A_824 : vector<16xi32> to vector<16xf32>
    %mul3A_838 = arith.mulf %convert_element_type3A_837, %gather3A_109 : vector<16xf32>
    %add3A_839 = arith.addf %mul3A_838, %gather3A_122 : vector<16xf32>
    %swap3A_840 = arith.constant 352 : index
    %swap3A_841 = tpu.vector_load %arg17[%swap3A_840] {strides = array<i32>} : memref<1024xf32, #tpu.memory_space<vmem>>, vector<16xf32>,
    %swap3A_842 = vector.shape_cast %swap3A_841 : vector<16xf32> to vector<16xf32>
    %swap3A_843 = vector.shape_cast %add3A_836 : vector<16xf32> to vector<16xf32>
    tpu.vector_store %arg17[%swap3A_840], %swap3A_843 {strides = array<i32>} : memref<1024xf32, #tpu.memory_space<vmem>>, vector<16xf32>,
    %swap3A_844 = arith.constant 352 : index
    %swap3A_845 = tpu.vector_load %arg18[%swap3A_844] {strides = array<i32>} : memref<1024xf32, #tpu.memory_space<vmem>>, vector<16xf32>,
    %swap3A_846 = vector.shape_cast %swap3A_845 : vector<16xf32> to vector<16xf32>
    %swap3A_847 = vector.shape_cast %add3A_839 : vector<16xf32> to vector<16xf32>
    tpu.vector_store %arg18[%swap3A_844], %swap3A_847 {strides = array<i32>} : memref<1024xf32, #tpu.memory_space<vmem>>, vector<16xf32>,
    %sub3A_848 = arith.subf %add3A_836, %add3A_839 : vector<16xf32>
    %swap3A_849 = arith.constant 352 : index
    %swap3A_850 = tpu.vector_load %arg19[%swap3A_849] {strides = array<i32>} : memref<1024xf32, #tpu.memory_space<vmem>>, vector<16xf32>,
    %swap3A_851 = vector.shape_cast %swap3A_850 : vector<16xf32> to vector<16xf32>
    %swap3A_852 = vector.shape_cast %sub3A_848 : vector<16xf32> to vector<16xf32>
    tpu.vector_store %arg19[%swap3A_849], %swap3A_852 {strides = array<i32>} : memref<1024xf32, #tpu.memory_space<vmem>>, vector<16xf32>,
    %get3A_853 = arith.constant 368 : index
    %get3A_854 = tpu.vector_load %arg11[%get3A_853] {strides = array<i32>} : memref<1024xi32, #tpu.memory_space<vmem>>, vector<16xi32>,
    %get3A_855 = vector.shape_cast %get3A_854 : vector<16xi32> to vector<16xi32>
    %lt3A_856 = arith.constant 0 : i32
    %lt3A_857 = vector.broadcast %lt3A_856 : i32 to vector<16xi32>
    %lt3A_858 = arith.cmpi slt, %get3A_855, %lt3A_857 : vector<16xi32>
    %add3A_859 = arith.constant 16 : i32
    %add3A_860 = vector.broadcast %add3A_859 : i32 to vector<16xi32>
    %add3A_861 = arith.addi %get3A_855, %add3A_860 : vector<16xi32>
    %select_n3A_862 = arith.select %lt3A_858, %add3A_861, %get3A_855 : vector<16xi1>, vector<16xi32>
    %broadcast_in_dim3A_863 = vector.shape_cast %select_n3A_862 : vector<16xi32> to vector<16x1xi32>
    %gather3A_864 = vector.shape_cast %broadcast_in_dim3A_863 : vector<16x1xi32> to vector<16xi32>
    %gather3A_865 = tpu.dynamic_gather %gather3A_70[%gather3A_864] in [0] : vector<16xf32>, vector<16xi32> -> vector<16xf32>
    %mul3A_866 = arith.mulf %gather3A_865, %gather3A_83 : vector<16xf32>
    %add3A_867 = arith.addf %mul3A_866, %gather3A_96 : vector<16xf32>
    %convert_element_type3A_868 = arith.sitofp %get3A_855 : vector<16xi32> to vector<16xf32>
    %mul3A_869 = arith.mulf %convert_element_type3A_868, %gather3A_109 : vector<16xf32>
    %add3A_870 = arith.addf %mul3A_869, %gather3A_122 : vector<16xf32>
    %swap3A_871 = arith.constant 368 : index
    %swap3A_872 = tpu.vector_load %arg17[%swap3A_871] {strides = array<i32>} : memref<1024xf32, #tpu.memory_space<vmem>>, vector<16xf32>,
    %swap3A_873 = vector.shape_cast %swap3A_872 : vector<16xf32> to vector<16xf32>
    %swap3A_874 = vector.shape_cast %add3A_867 : vector<16xf32> to vector<16xf32>
    tpu.vector_store %arg17[%swap3A_871], %swap3A_874 {strides = array<i32>} : memref<1024xf32, #tpu.memory_space<vmem>>, vector<16xf32>,
    %swap3A_875 = arith.constant 368 : index
    %swap3A_876 = tpu.vector_load %arg18[%swap3A_875] {strides = array<i32>} : memref<1024xf32, #tpu.memory_space<vmem>>, vector<16xf32>,
    %swap3A_877 = vector.shape_cast %swap3A_876 : vector<16xf32> to vector<16xf32>
    %swap3A_878 = vector.shape_cast %add3A_870 : vector<16xf32> to vector<16xf32>
    tpu.vector_store %arg18[%swap3A_875], %swap3A_878 {strides = array<i32>} : memref<1024xf32, #tpu.memory_space<vmem>>, vector<16xf32>,
    %sub3A_879 = arith.subf %add3A_867, %add3A_870 : vector<16xf32>
    %swap3A_880 = arith.constant 368 : index
    %swap3A_881 = tpu.vector_load %arg19[%swap3A_880] {strides = array<i32>} : memref<1024xf32, #tpu.memory_space<vmem>>, vector<16xf32>,
    %swap3A_882 = vector.shape_cast %swap3A_881 : vector<16xf32> to vector<16xf32>
    %swap3A_883 = vector.shape_cast %sub3A_879 : vector<16xf32> to vector<16xf32>
    tpu.vector_store %arg19[%swap3A_880], %swap3A_883 {strides = array<i32>} : memref<1024xf32, #tpu.memory_space<vmem>>, vector<16xf32>,
    %get3A_884 = arith.constant 384 : index
    %get3A_885 = tpu.vector_load %arg11[%get3A_884] {strides = array<i32>} : memref<1024xi32, #tpu.memory_space<vmem>>, vector<16xi32>,
    %get3A_886 = vector.shape_cast %get3A_885 : vector<16xi32> to vector<16xi32>
    %lt3A_887 = arith.constant 0 : i32
    %lt3A_888 = vector.broadcast %lt3A_887 : i32 to vector<16xi32>
    %lt3A_889 = arith.cmpi slt, %get3A_886, %lt3A_888 : vector<16xi32>
    %add3A_890 = arith.constant 16 : i32
    %add3A_891 = vector.broadcast %add3A_890 : i32 to vector<16xi32>
    %add3A_892 = arith.addi %get3A_886, %add3A_891 : vector<16xi32>
    %select_n3A_893 = arith.select %lt3A_889, %add3A_892, %get3A_886 : vector<16xi1>, vector<16xi32>
    %broadcast_in_dim3A_894 = vector.shape_cast %select_n3A_893 : vector<16xi32> to vector<16x1xi32>
    %gather3A_895 = vector.shape_cast %broadcast_in_dim3A_894 : vector<16x1xi32> to vector<16xi32>
    %gather3A_896 = tpu.dynamic_gather %gather3A_70[%gather3A_895] in [0] : vector<16xf32>, vector<16xi32> -> vector<16xf32>
    %mul3A_897 = arith.mulf %gather3A_896, %gather3A_83 : vector<16xf32>
    %add3A_898 = arith.addf %mul3A_897, %gather3A_96 : vector<16xf32>
    %convert_element_type3A_899 = arith.sitofp %get3A_886 : vector<16xi32> to vector<16xf32>
    %mul3A_900 = arith.mulf %convert_element_type3A_899, %gather3A_109 : vector<16xf32>
    %add3A_901 = arith.addf %mul3A_900, %gather3A_122 : vector<16xf32>
    %swap3A_902 = arith.constant 384 : index
    %swap3A_903 = tpu.vector_load %arg17[%swap3A_902] {strides = array<i32>} : memref<1024xf32, #tpu.memory_space<vmem>>, vector<16xf32>,
    %swap3A_904 = vector.shape_cast %swap3A_903 : vector<16xf32> to vector<16xf32>
    %swap3A_905 = vector.shape_cast %add3A_898 : vector<16xf32> to vector<16xf32>
    tpu.vector_store %arg17[%swap3A_902], %swap3A_905 {strides = array<i32>} : memref<1024xf32, #tpu.memory_space<vmem>>, vector<16xf32>,
    %swap3A_906 = arith.constant 384 : index
    %swap3A_907 = tpu.vector_load %arg18[%swap3A_906] {strides = array<i32>} : memref<1024xf32, #tpu.memory_space<vmem>>, vector<16xf32>,
    %swap3A_908 = vector.shape_cast %swap3A_907 : vector<16xf32> to vector<16xf32>
    %swap3A_909 = vector.shape_cast %add3A_901 : vector<16xf32> to vector<16xf32>
    tpu.vector_store %arg18[%swap3A_906], %swap3A_909 {strides = array<i32>} : memref<1024xf32, #tpu.memory_space<vmem>>, vector<16xf32>,
    %sub3A_910 = arith.subf %add3A_898, %add3A_901 : vector<16xf32>
    %swap3A_911 = arith.constant 384 : index
    %swap3A_912 = tpu.vector_load %arg19[%swap3A_911] {strides = array<i32>} : memref<1024xf32, #tpu.memory_space<vmem>>, vector<16xf32>,
    %swap3A_913 = vector.shape_cast %swap3A_912 : vector<16xf32> to vector<16xf32>
    %swap3A_914 = vector.shape_cast %sub3A_910 : vector<16xf32> to vector<16xf32>
    tpu.vector_store %arg19[%swap3A_911], %swap3A_914 {strides = array<i32>} : memref<1024xf32, #tpu.memory_space<vmem>>, vector<16xf32>,
    %get3A_915 = arith.constant 400 : index
    %get3A_916 = tpu.vector_load %arg11[%get3A_915] {strides = array<i32>} : memref<1024xi32, #tpu.memory_space<vmem>>, vector<16xi32>,
    %get3A_917 = vector.shape_cast %get3A_916 : vector<16xi32> to vector<16xi32>
    %lt3A_918 = arith.constant 0 : i32
    %lt3A_919 = vector.broadcast %lt3A_918 : i32 to vector<16xi32>
    %lt3A_920 = arith.cmpi slt, %get3A_917, %lt3A_919 : vector<16xi32>
    %add3A_921 = arith.constant 16 : i32
    %add3A_922 = vector.broadcast %add3A_921 : i32 to vector<16xi32>
    %add3A_923 = arith.addi %get3A_917, %add3A_922 : vector<16xi32>
    %select_n3A_924 = arith.select %lt3A_920, %add3A_923, %get3A_917 : vector<16xi1>, vector<16xi32>
    %broadcast_in_dim3A_925 = vector.shape_cast %select_n3A_924 : vector<16xi32> to vector<16x1xi32>
    %gather3A_926 = vector.shape_cast %broadcast_in_dim3A_925 : vector<16x1xi32> to vector<16xi32>
    %gather3A_927 = tpu.dynamic_gather %gather3A_70[%gather3A_926] in [0] : vector<16xf32>, vector<16xi32> -> vector<16xf32>
    %mul3A_928 = arith.mulf %gather3A_927, %gather3A_83 : vector<16xf32>
    %add3A_929 = arith.addf %mul3A_928, %gather3A_96 : vector<16xf32>
    %convert_element_type3A_930 = arith.sitofp %get3A_917 : vector<16xi32> to vector<16xf32>
    %mul3A_931 = arith.mulf %convert_element_type3A_930, %gather3A_109 : vector<16xf32>
    %add3A_932 = arith.addf %mul3A_931, %gather3A_122 : vector<16xf32>
    %swap3A_933 = arith.constant 400 : index
    %swap3A_934 = tpu.vector_load %arg17[%swap3A_933] {strides = array<i32>} : memref<1024xf32, #tpu.memory_space<vmem>>, vector<16xf32>,
    %swap3A_935 = vector.shape_cast %swap3A_934 : vector<16xf32> to vector<16xf32>
    %swap3A_936 = vector.shape_cast %add3A_929 : vector<16xf32> to vector<16xf32>
    tpu.vector_store %arg17[%swap3A_933], %swap3A_936 {strides = array<i32>} : memref<1024xf32, #tpu.memory_space<vmem>>, vector<16xf32>,
    %swap3A_937 = arith.constant 400 : index
    %swap3A_938 = tpu.vector_load %arg18[%swap3A_937] {strides = array<i32>} : memref<1024xf32, #tpu.memory_space<vmem>>, vector<16xf32>,
    %swap3A_939 = vector.shape_cast %swap3A_938 : vector<16xf32> to vector<16xf32>
    %swap3A_940 = vector.shape_cast %add3A_932 : vector<16xf32> to vector<16xf32>
    tpu.vector_store %arg18[%swap3A_937], %swap3A_940 {strides = array<i32>} : memref<1024xf32, #tpu.memory_space<vmem>>, vector<16xf32>,
    %sub3A_941 = arith.subf %add3A_929, %add3A_932 : vector<16xf32>
    %swap3A_942 = arith.constant 400 : index
    %swap3A_943 = tpu.vector_load %arg19[%swap3A_942] {strides = array<i32>} : memref<1024xf32, #tpu.memory_space<vmem>>, vector<16xf32>,
    %swap3A_944 = vector.shape_cast %swap3A_943 : vector<16xf32> to vector<16xf32>
    %swap3A_945 = vector.shape_cast %sub3A_941 : vector<16xf32> to vector<16xf32>
    tpu.vector_store %arg19[%swap3A_942], %swap3A_945 {strides = array<i32>} : memref<1024xf32, #tpu.memory_space<vmem>>, vector<16xf32>,
    %get3A_946 = arith.constant 416 : index
    %get3A_947 = tpu.vector_load %arg11[%get3A_946] {strides = array<i32>} : memref<1024xi32, #tpu.memory_space<vmem>>, vector<16xi32>,
    %get3A_948 = vector.shape_cast %get3A_947 : vector<16xi32> to vector<16xi32>
    %lt3A_949 = arith.constant 0 : i32
    %lt3A_950 = vector.broadcast %lt3A_949 : i32 to vector<16xi32>
    %lt3A_951 = arith.cmpi slt, %get3A_948, %lt3A_950 : vector<16xi32>
    %add3A_952 = arith.constant 16 : i32
    %add3A_953 = vector.broadcast %add3A_952 : i32 to vector<16xi32>
    %add3A_954 = arith.addi %get3A_948, %add3A_953 : vector<16xi32>
    %select_n3A_955 = arith.select %lt3A_951, %add3A_954, %get3A_948 : vector<16xi1>, vector<16xi32>
    %broadcast_in_dim3A_956 = vector.shape_cast %select_n3A_955 : vector<16xi32> to vector<16x1xi32>
    %gather3A_957 = vector.shape_cast %broadcast_in_dim3A_956 : vector<16x1xi32> to vector<16xi32>
    %gather3A_958 = tpu.dynamic_gather %gather3A_70[%gather3A_957] in [0] : vector<16xf32>, vector<16xi32> -> vector<16xf32>
    %mul3A_959 = arith.mulf %gather3A_958, %gather3A_83 : vector<16xf32>
    %add3A_960 = arith.addf %mul3A_959, %gather3A_96 : vector<16xf32>
    %convert_element_type3A_961 = arith.sitofp %get3A_948 : vector<16xi32> to vector<16xf32>
    %mul3A_962 = arith.mulf %convert_element_type3A_961, %gather3A_109 : vector<16xf32>
    %add3A_963 = arith.addf %mul3A_962, %gather3A_122 : vector<16xf32>
    %swap3A_964 = arith.constant 416 : index
    %swap3A_965 = tpu.vector_load %arg17[%swap3A_964] {strides = array<i32>} : memref<1024xf32, #tpu.memory_space<vmem>>, vector<16xf32>,
    %swap3A_966 = vector.shape_cast %swap3A_965 : vector<16xf32> to vector<16xf32>
    %swap3A_967 = vector.shape_cast %add3A_960 : vector<16xf32> to vector<16xf32>
    tpu.vector_store %arg17[%swap3A_964], %swap3A_967 {strides = array<i32>} : memref<1024xf32, #tpu.memory_space<vmem>>, vector<16xf32>,
    %swap3A_968 = arith.constant 416 : index
    %swap3A_969 = tpu.vector_load %arg18[%swap3A_968] {strides = array<i32>} : memref<1024xf32, #tpu.memory_space<vmem>>, vector<16xf32>,
    %swap3A_970 = vector.shape_cast %swap3A_969 : vector<16xf32> to vector<16xf32>
    %swap3A_971 = vector.shape_cast %add3A_963 : vector<16xf32> to vector<16xf32>
    tpu.vector_store %arg18[%swap3A_968], %swap3A_971 {strides = array<i32>} : memref<1024xf32, #tpu.memory_space<vmem>>, vector<16xf32>,
    %sub3A_972 = arith.subf %add3A_960, %add3A_963 : vector<16xf32>
    %swap3A_973 = arith.constant 416 : index
    %swap3A_974 = tpu.vector_load %arg19[%swap3A_973] {strides = array<i32>} : memref<1024xf32, #tpu.memory_space<vmem>>, vector<16xf32>,
    %swap3A_975 = vector.shape_cast %swap3A_974 : vector<16xf32> to vector<16xf32>
    %swap3A_976 = vector.shape_cast %sub3A_972 : vector<16xf32> to vector<16xf32>
    tpu.vector_store %arg19[%swap3A_973], %swap3A_976 {strides = array<i32>} : memref<1024xf32, #tpu.memory_space<vmem>>, vector<16xf32>,
    %get3A_977 = arith.constant 432 : index
    %get3A_978 = tpu.vector_load %arg11[%get3A_977] {strides = array<i32>} : memref<1024xi32, #tpu.memory_space<vmem>>, vector<16xi32>,
    %get3A_979 = vector.shape_cast %get3A_978 : vector<16xi32> to vector<16xi32>
    %lt3A_980 = arith.constant 0 : i32
    %lt3A_981 = vector.broadcast %lt3A_980 : i32 to vector<16xi32>
    %lt3A_982 = arith.cmpi slt, %get3A_979, %lt3A_981 : vector<16xi32>
    %add3A_983 = arith.constant 16 : i32
    %add3A_984 = vector.broadcast %add3A_983 : i32 to vector<16xi32>
    %add3A_985 = arith.addi %get3A_979, %add3A_984 : vector<16xi32>
    %select_n3A_986 = arith.select %lt3A_982, %add3A_985, %get3A_979 : vector<16xi1>, vector<16xi32>
    %broadcast_in_dim3A_987 = vector.shape_cast %select_n3A_986 : vector<16xi32> to vector<16x1xi32>
    %gather3A_988 = vector.shape_cast %broadcast_in_dim3A_987 : vector<16x1xi32> to vector<16xi32>
    %gather3A_989 = tpu.dynamic_gather %gather3A_70[%gather3A_988] in [0] : vector<16xf32>, vector<16xi32> -> vector<16xf32>
    %mul3A_990 = arith.mulf %gather3A_989, %gather3A_83 : vector<16xf32>
    %add3A_991 = arith.addf %mul3A_990, %gather3A_96 : vector<16xf32>
    %convert_element_type3A_992 = arith.sitofp %get3A_979 : vector<16xi32> to vector<16xf32>
    %mul3A_993 = arith.mulf %convert_element_type3A_992, %gather3A_109 : vector<16xf32>
    %add3A_994 = arith.addf %mul3A_993, %gather3A_122 : vector<16xf32>
    %swap3A_995 = arith.constant 432 : index
    %swap3A_996 = tpu.vector_load %arg17[%swap3A_995] {strides = array<i32>} : memref<1024xf32, #tpu.memory_space<vmem>>, vector<16xf32>,
    %swap3A_997 = vector.shape_cast %swap3A_996 : vector<16xf32> to vector<16xf32>
    %swap3A_998 = vector.shape_cast %add3A_991 : vector<16xf32> to vector<16xf32>
    tpu.vector_store %arg17[%swap3A_995], %swap3A_998 {strides = array<i32>} : memref<1024xf32, #tpu.memory_space<vmem>>, vector<16xf32>,
    %swap3A_999 = arith.constant 432 : index
    %swap3A_1000 = tpu.vector_load %arg18[%swap3A_999] {strides = array<i32>} : memref<1024xf32, #tpu.memory_space<vmem>>, vector<16xf32>,
    %swap3A_1001 = vector.shape_cast %swap3A_1000 : vector<16xf32> to vector<16xf32>
    %swap3A_1002 = vector.shape_cast %add3A_994 : vector<16xf32> to vector<16xf32>
    tpu.vector_store %arg18[%swap3A_999], %swap3A_1002 {strides = array<i32>} : memref<1024xf32, #tpu.memory_space<vmem>>, vector<16xf32>,
    %sub3A_1003 = arith.subf %add3A_991, %add3A_994 : vector<16xf32>
    %swap3A_1004 = arith.constant 432 : index
    %swap3A_1005 = tpu.vector_load %arg19[%swap3A_1004] {strides = array<i32>} : memref<1024xf32, #tpu.memory_space<vmem>>, vector<16xf32>,
    %swap3A_1006 = vector.shape_cast %swap3A_1005 : vector<16xf32> to vector<16xf32>
    %swap3A_1007 = vector.shape_cast %sub3A_1003 : vector<16xf32> to vector<16xf32>
    tpu.vector_store %arg19[%swap3A_1004], %swap3A_1007 {strides = array<i32>} : memref<1024xf32, #tpu.memory_space<vmem>>, vector<16xf32>,
    %get3A_1008 = arith.constant 448 : index
    %get3A_1009 = tpu.vector_load %arg11[%get3A_1008] {strides = array<i32>} : memref<1024xi32, #tpu.memory_space<vmem>>, vector<16xi32>,
    %get3A_1010 = vector.shape_cast %get3A_1009 : vector<16xi32> to vector<16xi32>
    %lt3A_1011 = arith.constant 0 : i32
    %lt3A_1012 = vector.broadcast %lt3A_1011 : i32 to vector<16xi32>
    %lt3A_1013 = arith.cmpi slt, %get3A_1010, %lt3A_1012 : vector<16xi32>
    %add3A_1014 = arith.constant 16 : i32
    %add3A_1015 = vector.broadcast %add3A_1014 : i32 to vector<16xi32>
    %add3A_1016 = arith.addi %get3A_1010, %add3A_1015 : vector<16xi32>
    %select_n3A_1017 = arith.select %lt3A_1013, %add3A_1016, %get3A_1010 : vector<16xi1>, vector<16xi32>
    %broadcast_in_dim3A_1018 = vector.shape_cast %select_n3A_1017 : vector<16xi32> to vector<16x1xi32>
    %gather3A_1019 = vector.shape_cast %broadcast_in_dim3A_1018 : vector<16x1xi32> to vector<16xi32>
    %gather3A_1020 = tpu.dynamic_gather %gather3A_70[%gather3A_1019] in [0] : vector<16xf32>, vector<16xi32> -> vector<16xf32>
    %mul3A_1021 = arith.mulf %gather3A_1020, %gather3A_83 : vector<16xf32>
    %add3A_1022 = arith.addf %mul3A_1021, %gather3A_96 : vector<16xf32>
    %convert_element_type3A_1023 = arith.sitofp %get3A_1010 : vector<16xi32> to vector<16xf32>
    %mul3A_1024 = arith.mulf %convert_element_type3A_1023, %gather3A_109 : vector<16xf32>
    %add3A_1025 = arith.addf %mul3A_1024, %gather3A_122 : vector<16xf32>
    %swap3A_1026 = arith.constant 448 : index
    %swap3A_1027 = tpu.vector_load %arg17[%swap3A_1026] {strides = array<i32>} : memref<1024xf32, #tpu.memory_space<vmem>>, vector<16xf32>,
    %swap3A_1028 = vector.shape_cast %swap3A_1027 : vector<16xf32> to vector<16xf32>
    %swap3A_1029 = vector.shape_cast %add3A_1022 : vector<16xf32> to vector<16xf32>
    tpu.vector_store %arg17[%swap3A_1026], %swap3A_1029 {strides = array<i32>} : memref<1024xf32, #tpu.memory_space<vmem>>, vector<16xf32>,
    %swap3A_1030 = arith.constant 448 : index
    %swap3A_1031 = tpu.vector_load %arg18[%swap3A_1030] {strides = array<i32>} : memref<1024xf32, #tpu.memory_space<vmem>>, vector<16xf32>,
    %swap3A_1032 = vector.shape_cast %swap3A_1031 : vector<16xf32> to vector<16xf32>
    %swap3A_1033 = vector.shape_cast %add3A_1025 : vector<16xf32> to vector<16xf32>
    tpu.vector_store %arg18[%swap3A_1030], %swap3A_1033 {strides = array<i32>} : memref<1024xf32, #tpu.memory_space<vmem>>, vector<16xf32>,
    %sub3A_1034 = arith.subf %add3A_1022, %add3A_1025 : vector<16xf32>
    %swap3A_1035 = arith.constant 448 : index
    %swap3A_1036 = tpu.vector_load %arg19[%swap3A_1035] {strides = array<i32>} : memref<1024xf32, #tpu.memory_space<vmem>>, vector<16xf32>,
    %swap3A_1037 = vector.shape_cast %swap3A_1036 : vector<16xf32> to vector<16xf32>
    %swap3A_1038 = vector.shape_cast %sub3A_1034 : vector<16xf32> to vector<16xf32>
    tpu.vector_store %arg19[%swap3A_1035], %swap3A_1038 {strides = array<i32>} : memref<1024xf32, #tpu.memory_space<vmem>>, vector<16xf32>,
    %get3A_1039 = arith.constant 464 : index
    %get3A_1040 = tpu.vector_load %arg11[%get3A_1039] {strides = array<i32>} : memref<1024xi32, #tpu.memory_space<vmem>>, vector<16xi32>,
    %get3A_1041 = vector.shape_cast %get3A_1040 : vector<16xi32> to vector<16xi32>
    %lt3A_1042 = arith.constant 0 : i32
    %lt3A_1043 = vector.broadcast %lt3A_1042 : i32 to vector<16xi32>
    %lt3A_1044 = arith.cmpi slt, %get3A_1041, %lt3A_1043 : vector<16xi32>
    %add3A_1045 = arith.constant 16 : i32
    %add3A_1046 = vector.broadcast %add3A_1045 : i32 to vector<16xi32>
    %add3A_1047 = arith.addi %get3A_1041, %add3A_1046 : vector<16xi32>
    %select_n3A_1048 = arith.select %lt3A_1044, %add3A_1047, %get3A_1041 : vector<16xi1>, vector<16xi32>
    %broadcast_in_dim3A_1049 = vector.shape_cast %select_n3A_1048 : vector<16xi32> to vector<16x1xi32>
    %gather3A_1050 = vector.shape_cast %broadcast_in_dim3A_1049 : vector<16x1xi32> to vector<16xi32>
    %gather3A_1051 = tpu.dynamic_gather %gather3A_70[%gather3A_1050] in [0] : vector<16xf32>, vector<16xi32> -> vector<16xf32>
    %mul3A_1052 = arith.mulf %gather3A_1051, %gather3A_83 : vector<16xf32>
    %add3A_1053 = arith.addf %mul3A_1052, %gather3A_96 : vector<16xf32>
    %convert_element_type3A_1054 = arith.sitofp %get3A_1041 : vector<16xi32> to vector<16xf32>
    %mul3A_1055 = arith.mulf %convert_element_type3A_1054, %gather3A_109 : vector<16xf32>
    %add3A_1056 = arith.addf %mul3A_1055, %gather3A_122 : vector<16xf32>
    %swap3A_1057 = arith.constant 464 : index
    %swap3A_1058 = tpu.vector_load %arg17[%swap3A_1057] {strides = array<i32>} : memref<1024xf32, #tpu.memory_space<vmem>>, vector<16xf32>,
    %swap3A_1059 = vector.shape_cast %swap3A_1058 : vector<16xf32> to vector<16xf32>
    %swap3A_1060 = vector.shape_cast %add3A_1053 : vector<16xf32> to vector<16xf32>
    tpu.vector_store %arg17[%swap3A_1057], %swap3A_1060 {strides = array<i32>} : memref<1024xf32, #tpu.memory_space<vmem>>, vector<16xf32>,
    %swap3A_1061 = arith.constant 464 : index
    %swap3A_1062 = tpu.vector_load %arg18[%swap3A_1061] {strides = array<i32>} : memref<1024xf32, #tpu.memory_space<vmem>>, vector<16xf32>,
    %swap3A_1063 = vector.shape_cast %swap3A_1062 : vector<16xf32> to vector<16xf32>
    %swap3A_1064 = vector.shape_cast %add3A_1056 : vector<16xf32> to vector<16xf32>
    tpu.vector_store %arg18[%swap3A_1061], %swap3A_1064 {strides = array<i32>} : memref<1024xf32, #tpu.memory_space<vmem>>, vector<16xf32>,
    %sub3A_1065 = arith.subf %add3A_1053, %add3A_1056 : vector<16xf32>
    %swap3A_1066 = arith.constant 464 : index
    %swap3A_1067 = tpu.vector_load %arg19[%swap3A_1066] {strides = array<i32>} : memref<1024xf32, #tpu.memory_space<vmem>>, vector<16xf32>,
    %swap3A_1068 = vector.shape_cast %swap3A_1067 : vector<16xf32> to vector<16xf32>
    %swap3A_1069 = vector.shape_cast %sub3A_1065 : vector<16xf32> to vector<16xf32>
    tpu.vector_store %arg19[%swap3A_1066], %swap3A_1069 {strides = array<i32>} : memref<1024xf32, #tpu.memory_space<vmem>>, vector<16xf32>,
    %get3A_1070 = arith.constant 480 : index
    %get3A_1071 = tpu.vector_load %arg11[%get3A_1070] {strides = array<i32>} : memref<1024xi32, #tpu.memory_space<vmem>>, vector<16xi32>,
    %get3A_1072 = vector.shape_cast %get3A_1071 : vector<16xi32> to vector<16xi32>
    %lt3A_1073 = arith.constant 0 : i32
    %lt3A_1074 = vector.broadcast %lt3A_1073 : i32 to vector<16xi32>
    %lt3A_1075 = arith.cmpi slt, %get3A_1072, %lt3A_1074 : vector<16xi32>
    %add3A_1076 = arith.constant 16 : i32
    %add3A_1077 = vector.broadcast %add3A_1076 : i32 to vector<16xi32>
    %add3A_1078 = arith.addi %get3A_1072, %add3A_1077 : vector<16xi32>
    %select_n3A_1079 = arith.select %lt3A_1075, %add3A_1078, %get3A_1072 : vector<16xi1>, vector<16xi32>
    %broadcast_in_dim3A_1080 = vector.shape_cast %select_n3A_1079 : vector<16xi32> to vector<16x1xi32>
    %gather3A_1081 = vector.shape_cast %broadcast_in_dim3A_1080 : vector<16x1xi32> to vector<16xi32>
    %gather3A_1082 = tpu.dynamic_gather %gather3A_70[%gather3A_1081] in [0] : vector<16xf32>, vector<16xi32> -> vector<16xf32>
    %mul3A_1083 = arith.mulf %gather3A_1082, %gather3A_83 : vector<16xf32>
    %add3A_1084 = arith.addf %mul3A_1083, %gather3A_96 : vector<16xf32>
    %convert_element_type3A_1085 = arith.sitofp %get3A_1072 : vector<16xi32> to vector<16xf32>
    %mul3A_1086 = arith.mulf %convert_element_type3A_1085, %gather3A_109 : vector<16xf32>
    %add3A_1087 = arith.addf %mul3A_1086, %gather3A_122 : vector<16xf32>
    %swap3A_1088 = arith.constant 480 : index
    %swap3A_1089 = tpu.vector_load %arg17[%swap3A_1088] {strides = array<i32>} : memref<1024xf32, #tpu.memory_space<vmem>>, vector<16xf32>,
    %swap3A_1090 = vector.shape_cast %swap3A_1089 : vector<16xf32> to vector<16xf32>
    %swap3A_1091 = vector.shape_cast %add3A_1084 : vector<16xf32> to vector<16xf32>
    tpu.vector_store %arg17[%swap3A_1088], %swap3A_1091 {strides = array<i32>} : memref<1024xf32, #tpu.memory_space<vmem>>, vector<16xf32>,
    %swap3A_1092 = arith.constant 480 : index
    %swap3A_1093 = tpu.vector_load %arg18[%swap3A_1092] {strides = array<i32>} : memref<1024xf32, #tpu.memory_space<vmem>>, vector<16xf32>,
    %swap3A_1094 = vector.shape_cast %swap3A_1093 : vector<16xf32> to vector<16xf32>
    %swap3A_1095 = vector.shape_cast %add3A_1087 : vector<16xf32> to vector<16xf32>
    tpu.vector_store %arg18[%swap3A_1092], %swap3A_1095 {strides = array<i32>} : memref<1024xf32, #tpu.memory_space<vmem>>, vector<16xf32>,
    %sub3A_1096 = arith.subf %add3A_1084, %add3A_1087 : vector<16xf32>
    %swap3A_1097 = arith.constant 480 : index
    %swap3A_1098 = tpu.vector_load %arg19[%swap3A_1097] {strides = array<i32>} : memref<1024xf32, #tpu.memory_space<vmem>>, vector<16xf32>,
    %swap3A_1099 = vector.shape_cast %swap3A_1098 : vector<16xf32> to vector<16xf32>
    %swap3A_1100 = vector.shape_cast %sub3A_1096 : vector<16xf32> to vector<16xf32>
    tpu.vector_store %arg19[%swap3A_1097], %swap3A_1100 {strides = array<i32>} : memref<1024xf32, #tpu.memory_space<vmem>>, vector<16xf32>,
    %get3A_1101 = arith.constant 496 : index
    %get3A_1102 = tpu.vector_load %arg11[%get3A_1101] {strides = array<i32>} : memref<1024xi32, #tpu.memory_space<vmem>>, vector<16xi32>,
    %get3A_1103 = vector.shape_cast %get3A_1102 : vector<16xi32> to vector<16xi32>
    %lt3A_1104 = arith.constant 0 : i32
    %lt3A_1105 = vector.broadcast %lt3A_1104 : i32 to vector<16xi32>
    %lt3A_1106 = arith.cmpi slt, %get3A_1103, %lt3A_1105 : vector<16xi32>
    %add3A_1107 = arith.constant 16 : i32
    %add3A_1108 = vector.broadcast %add3A_1107 : i32 to vector<16xi32>
    %add3A_1109 = arith.addi %get3A_1103, %add3A_1108 : vector<16xi32>
    %select_n3A_1110 = arith.select %lt3A_1106, %add3A_1109, %get3A_1103 : vector<16xi1>, vector<16xi32>
    %broadcast_in_dim3A_1111 = vector.shape_cast %select_n3A_1110 : vector<16xi32> to vector<16x1xi32>
    %gather3A_1112 = vector.shape_cast %broadcast_in_dim3A_1111 : vector<16x1xi32> to vector<16xi32>
    %gather3A_1113 = tpu.dynamic_gather %gather3A_70[%gather3A_1112] in [0] : vector<16xf32>, vector<16xi32> -> vector<16xf32>
    %mul3A_1114 = arith.mulf %gather3A_1113, %gather3A_83 : vector<16xf32>
    %add3A_1115 = arith.addf %mul3A_1114, %gather3A_96 : vector<16xf32>
    %convert_element_type3A_1116 = arith.sitofp %get3A_1103 : vector<16xi32> to vector<16xf32>
    %mul3A_1117 = arith.mulf %convert_element_type3A_1116, %gather3A_109 : vector<16xf32>
    %add3A_1118 = arith.addf %mul3A_1117, %gather3A_122 : vector<16xf32>
    %swap3A_1119 = arith.constant 496 : index
    %swap3A_1120 = tpu.vector_load %arg17[%swap3A_1119] {strides = array<i32>} : memref<1024xf32, #tpu.memory_space<vmem>>, vector<16xf32>,
    %swap3A_1121 = vector.shape_cast %swap3A_1120 : vector<16xf32> to vector<16xf32>
    %swap3A_1122 = vector.shape_cast %add3A_1115 : vector<16xf32> to vector<16xf32>
    tpu.vector_store %arg17[%swap3A_1119], %swap3A_1122 {strides = array<i32>} : memref<1024xf32, #tpu.memory_space<vmem>>, vector<16xf32>,
    %swap3A_1123 = arith.constant 496 : index
    %swap3A_1124 = tpu.vector_load %arg18[%swap3A_1123] {strides = array<i32>} : memref<1024xf32, #tpu.memory_space<vmem>>, vector<16xf32>,
    %swap3A_1125 = vector.shape_cast %swap3A_1124 : vector<16xf32> to vector<16xf32>
    %swap3A_1126 = vector.shape_cast %add3A_1118 : vector<16xf32> to vector<16xf32>
    tpu.vector_store %arg18[%swap3A_1123], %swap3A_1126 {strides = array<i32>} : memref<1024xf32, #tpu.memory_space<vmem>>, vector<16xf32>,
    %sub3A_1127 = arith.subf %add3A_1115, %add3A_1118 : vector<16xf32>
    %swap3A_1128 = arith.constant 496 : index
    %swap3A_1129 = tpu.vector_load %arg19[%swap3A_1128] {strides = array<i32>} : memref<1024xf32, #tpu.memory_space<vmem>>, vector<16xf32>,
    %swap3A_1130 = vector.shape_cast %swap3A_1129 : vector<16xf32> to vector<16xf32>
    %swap3A_1131 = vector.shape_cast %sub3A_1127 : vector<16xf32> to vector<16xf32>
    tpu.vector_store %arg19[%swap3A_1128], %swap3A_1131 {strides = array<i32>} : memref<1024xf32, #tpu.memory_space<vmem>>, vector<16xf32>,
    %add3A_1132 = arith.constant 256 : i32
    %add3A_1133 = arith.addi %mul3A_2, %add3A_1132 : i32
    %dma_start3A_1134 = arith.constant 256 : i32
    %dma_start3A_1135 = tpu.memref_slice %arg17[%dma_start3A_1134] : memref<1024xf32, #tpu.memory_space<vmem>> -> memref<256xf32, #tpu.memory_space<vmem>>
    %dma_start3A_1136 = tpu.memref_slice %arg8[%add3A_1133] : memref<16384xf32, #tpu.memory_space<hbm>> -> memref<256xf32, #tpu.memory_space<hbm>>
    %dma_start3A_1137 = tpu.memref_slice %arg8[%add3A_1133] : memref<16384xf32, #tpu.memory_space<hbm>> -> memref<256xf32, #tpu.memory_space<hbm>>
    %dma_start3A_1138 = arith.constant 256 : i32
    %dma_start3A_1139 = tpu.memref_slice %arg17[%dma_start3A_1138] : memref<1024xf32, #tpu.memory_space<vmem>> -> memref<256xf32, #tpu.memory_space<vmem>>
    tpu.enqueue_dma source(%dma_start3A_1139 : memref<256xf32, #tpu.memory_space<vmem>>) target(%dma_start3A_1137 : memref<256xf32, #tpu.memory_space<hbm>>) target_semaphore(%arg21 : memref<!tpu.dma_semaphore, #tpu.memory_space<semaphore_mem>>)
    %dma_start3A_1140 = arith.constant 256 : i32
    %dma_start3A_1141 = tpu.memref_slice %arg18[%dma_start3A_1140] : memref<1024xf32, #tpu.memory_space<vmem>> -> memref<256xf32, #tpu.memory_space<vmem>>
    %dma_start3A_1142 = tpu.memref_slice %arg9[%add3A_1133] : memref<16384xf32, #tpu.memory_space<hbm>> -> memref<256xf32, #tpu.memory_space<hbm>>
    %dma_start3A_1143 = tpu.memref_slice %arg9[%add3A_1133] : memref<16384xf32, #tpu.memory_space<hbm>> -> memref<256xf32, #tpu.memory_space<hbm>>
    %dma_start3A_1144 = arith.constant 256 : i32
    %dma_start3A_1145 = tpu.memref_slice %arg18[%dma_start3A_1144] : memref<1024xf32, #tpu.memory_space<vmem>> -> memref<256xf32, #tpu.memory_space<vmem>>
    tpu.enqueue_dma source(%dma_start3A_1145 : memref<256xf32, #tpu.memory_space<vmem>>) target(%dma_start3A_1143 : memref<256xf32, #tpu.memory_space<hbm>>) target_semaphore(%arg21 : memref<!tpu.dma_semaphore, #tpu.memory_space<semaphore_mem>>)
    %dma_start3A_1146 = arith.constant 256 : i32
    %dma_start3A_1147 = tpu.memref_slice %arg19[%dma_start3A_1146] : memref<1024xf32, #tpu.memory_space<vmem>> -> memref<256xf32, #tpu.memory_space<vmem>>
    %dma_start3A_1148 = tpu.memref_slice %arg10[%add3A_1133] : memref<16384xf32, #tpu.memory_space<hbm>> -> memref<256xf32, #tpu.memory_space<hbm>>
    %dma_start3A_1149 = tpu.memref_slice %arg10[%add3A_1133] : memref<16384xf32, #tpu.memory_space<hbm>> -> memref<256xf32, #tpu.memory_space<hbm>>
    %dma_start3A_1150 = arith.constant 256 : i32
    %dma_start3A_1151 = tpu.memref_slice %arg19[%dma_start3A_1150] : memref<1024xf32, #tpu.memory_space<vmem>> -> memref<256xf32, #tpu.memory_space<vmem>>
    tpu.enqueue_dma source(%dma_start3A_1151 : memref<256xf32, #tpu.memory_space<vmem>>) target(%dma_start3A_1149 : memref<256xf32, #tpu.memory_space<hbm>>) target_semaphore(%arg21 : memref<!tpu.dma_semaphore, #tpu.memory_space<semaphore_mem>>)
    %dma_wait3A_1152 = arith.constant 512 : i32
    %dma_wait3A_1153 = tpu.memref_slice %arg11[%dma_wait3A_1152] : memref<1024xi32, #tpu.memory_space<vmem>> -> memref<512xi32, #tpu.memory_space<vmem>>
    %dma_wait3A_1154 = tpu.memref_slice %arg2[%add3A_9] : memref<16384xi32, #tpu.memory_space<hbm>> -> memref<512xi32, #tpu.memory_space<hbm>>
    %dma_wait3A_1155 = arith.constant 512 : i32
    %dma_wait3A_1156 = tpu.memref_slice %arg11[%dma_wait3A_1155] : memref<1024xi32, #tpu.memory_space<vmem>> -> memref<512xi32, #tpu.memory_space<vmem>>
    %dma_wait3A_1157 = tpu.memref_slice %arg2[%add3A_9] : memref<16384xi32, #tpu.memory_space<hbm>> -> memref<512xi32, #tpu.memory_space<hbm>>
    tpu.wait_dma2 semaphore(%arg20 : memref<!tpu.dma_semaphore, #tpu.memory_space<semaphore_mem>>) src(%dma_wait3A_1157 : memref<512xi32, #tpu.memory_space<hbm>>) dst(%dma_wait3A_1156 : memref<512xi32, #tpu.memory_space<vmem>>)
    %get3A_1158 = arith.constant 512 : index
    %get3A_1159 = tpu.vector_load %arg11[%get3A_1158] {strides = array<i32>} : memref<1024xi32, #tpu.memory_space<vmem>>, vector<16xi32>,
    %get3A_1160 = vector.shape_cast %get3A_1159 : vector<16xi32> to vector<16xi32>
    %lt3A_1161 = arith.constant 0 : i32
    %lt3A_1162 = vector.broadcast %lt3A_1161 : i32 to vector<16xi32>
    %lt3A_1163 = arith.cmpi slt, %get3A_1160, %lt3A_1162 : vector<16xi32>
    %add3A_1164 = arith.constant 16 : i32
    %add3A_1165 = vector.broadcast %add3A_1164 : i32 to vector<16xi32>
    %add3A_1166 = arith.addi %get3A_1160, %add3A_1165 : vector<16xi32>
    %select_n3A_1167 = arith.select %lt3A_1163, %add3A_1166, %get3A_1160 : vector<16xi1>, vector<16xi32>
    %broadcast_in_dim3A_1168 = vector.shape_cast %select_n3A_1167 : vector<16xi32> to vector<16x1xi32>
    %gather3A_1169 = vector.shape_cast %broadcast_in_dim3A_1168 : vector<16x1xi32> to vector<16xi32>
    %gather3A_1170 = tpu.dynamic_gather %gather3A_70[%gather3A_1169] in [0] : vector<16xf32>, vector<16xi32> -> vector<16xf32>
    %mul3A_1171 = arith.mulf %gather3A_1170, %gather3A_83 : vector<16xf32>
    %add3A_1172 = arith.addf %mul3A_1171, %gather3A_96 : vector<16xf32>
    %convert_element_type3A_1173 = arith.sitofp %get3A_1160 : vector<16xi32> to vector<16xf32>
    %mul3A_1174 = arith.mulf %convert_element_type3A_1173, %gather3A_109 : vector<16xf32>
    %add3A_1175 = arith.addf %mul3A_1174, %gather3A_122 : vector<16xf32>
    %swap3A_1176 = arith.constant 512 : index
    %swap3A_1177 = tpu.vector_load %arg17[%swap3A_1176] {strides = array<i32>} : memref<1024xf32, #tpu.memory_space<vmem>>, vector<16xf32>,
    %swap3A_1178 = vector.shape_cast %swap3A_1177 : vector<16xf32> to vector<16xf32>
    %swap3A_1179 = vector.shape_cast %add3A_1172 : vector<16xf32> to vector<16xf32>
    tpu.vector_store %arg17[%swap3A_1176], %swap3A_1179 {strides = array<i32>} : memref<1024xf32, #tpu.memory_space<vmem>>, vector<16xf32>,
    %swap3A_1180 = arith.constant 512 : index
    %swap3A_1181 = tpu.vector_load %arg18[%swap3A_1180] {strides = array<i32>} : memref<1024xf32, #tpu.memory_space<vmem>>, vector<16xf32>,
    %swap3A_1182 = vector.shape_cast %swap3A_1181 : vector<16xf32> to vector<16xf32>
    %swap3A_1183 = vector.shape_cast %add3A_1175 : vector<16xf32> to vector<16xf32>
    tpu.vector_store %arg18[%swap3A_1180], %swap3A_1183 {strides = array<i32>} : memref<1024xf32, #tpu.memory_space<vmem>>, vector<16xf32>,
    %sub3A_1184 = arith.subf %add3A_1172, %add3A_1175 : vector<16xf32>
    %swap3A_1185 = arith.constant 512 : index
    %swap3A_1186 = tpu.vector_load %arg19[%swap3A_1185] {strides = array<i32>} : memref<1024xf32, #tpu.memory_space<vmem>>, vector<16xf32>,
    %swap3A_1187 = vector.shape_cast %swap3A_1186 : vector<16xf32> to vector<16xf32>
    %swap3A_1188 = vector.shape_cast %sub3A_1184 : vector<16xf32> to vector<16xf32>
    tpu.vector_store %arg19[%swap3A_1185], %swap3A_1188 {strides = array<i32>} : memref<1024xf32, #tpu.memory_space<vmem>>, vector<16xf32>,
    %get3A_1189 = arith.constant 528 : index
    %get3A_1190 = tpu.vector_load %arg11[%get3A_1189] {strides = array<i32>} : memref<1024xi32, #tpu.memory_space<vmem>>, vector<16xi32>,
    %get3A_1191 = vector.shape_cast %get3A_1190 : vector<16xi32> to vector<16xi32>
    %lt3A_1192 = arith.constant 0 : i32
    %lt3A_1193 = vector.broadcast %lt3A_1192 : i32 to vector<16xi32>
    %lt3A_1194 = arith.cmpi slt, %get3A_1191, %lt3A_1193 : vector<16xi32>
    %add3A_1195 = arith.constant 16 : i32
    %add3A_1196 = vector.broadcast %add3A_1195 : i32 to vector<16xi32>
    %add3A_1197 = arith.addi %get3A_1191, %add3A_1196 : vector<16xi32>
    %select_n3A_1198 = arith.select %lt3A_1194, %add3A_1197, %get3A_1191 : vector<16xi1>, vector<16xi32>
    %broadcast_in_dim3A_1199 = vector.shape_cast %select_n3A_1198 : vector<16xi32> to vector<16x1xi32>
    %gather3A_1200 = vector.shape_cast %broadcast_in_dim3A_1199 : vector<16x1xi32> to vector<16xi32>
    %gather3A_1201 = tpu.dynamic_gather %gather3A_70[%gather3A_1200] in [0] : vector<16xf32>, vector<16xi32> -> vector<16xf32>
    %mul3A_1202 = arith.mulf %gather3A_1201, %gather3A_83 : vector<16xf32>
    %add3A_1203 = arith.addf %mul3A_1202, %gather3A_96 : vector<16xf32>
    %convert_element_type3A_1204 = arith.sitofp %get3A_1191 : vector<16xi32> to vector<16xf32>
    %mul3A_1205 = arith.mulf %convert_element_type3A_1204, %gather3A_109 : vector<16xf32>
    %add3A_1206 = arith.addf %mul3A_1205, %gather3A_122 : vector<16xf32>
    %swap3A_1207 = arith.constant 528 : index
    %swap3A_1208 = tpu.vector_load %arg17[%swap3A_1207] {strides = array<i32>} : memref<1024xf32, #tpu.memory_space<vmem>>, vector<16xf32>,
    %swap3A_1209 = vector.shape_cast %swap3A_1208 : vector<16xf32> to vector<16xf32>
    %swap3A_1210 = vector.shape_cast %add3A_1203 : vector<16xf32> to vector<16xf32>
    tpu.vector_store %arg17[%swap3A_1207], %swap3A_1210 {strides = array<i32>} : memref<1024xf32, #tpu.memory_space<vmem>>, vector<16xf32>,
    %swap3A_1211 = arith.constant 528 : index
    %swap3A_1212 = tpu.vector_load %arg18[%swap3A_1211] {strides = array<i32>} : memref<1024xf32, #tpu.memory_space<vmem>>, vector<16xf32>,
    %swap3A_1213 = vector.shape_cast %swap3A_1212 : vector<16xf32> to vector<16xf32>
    %swap3A_1214 = vector.shape_cast %add3A_1206 : vector<16xf32> to vector<16xf32>
    tpu.vector_store %arg18[%swap3A_1211], %swap3A_1214 {strides = array<i32>} : memref<1024xf32, #tpu.memory_space<vmem>>, vector<16xf32>,
    %sub3A_1215 = arith.subf %add3A_1203, %add3A_1206 : vector<16xf32>
    %swap3A_1216 = arith.constant 528 : index
    %swap3A_1217 = tpu.vector_load %arg19[%swap3A_1216] {strides = array<i32>} : memref<1024xf32, #tpu.memory_space<vmem>>, vector<16xf32>,
    %swap3A_1218 = vector.shape_cast %swap3A_1217 : vector<16xf32> to vector<16xf32>
    %swap3A_1219 = vector.shape_cast %sub3A_1215 : vector<16xf32> to vector<16xf32>
    tpu.vector_store %arg19[%swap3A_1216], %swap3A_1219 {strides = array<i32>} : memref<1024xf32, #tpu.memory_space<vmem>>, vector<16xf32>,
    %get3A_1220 = arith.constant 544 : index
    %get3A_1221 = tpu.vector_load %arg11[%get3A_1220] {strides = array<i32>} : memref<1024xi32, #tpu.memory_space<vmem>>, vector<16xi32>,
    %get3A_1222 = vector.shape_cast %get3A_1221 : vector<16xi32> to vector<16xi32>
    %lt3A_1223 = arith.constant 0 : i32
    %lt3A_1224 = vector.broadcast %lt3A_1223 : i32 to vector<16xi32>
    %lt3A_1225 = arith.cmpi slt, %get3A_1222, %lt3A_1224 : vector<16xi32>
    %add3A_1226 = arith.constant 16 : i32
    %add3A_1227 = vector.broadcast %add3A_1226 : i32 to vector<16xi32>
    %add3A_1228 = arith.addi %get3A_1222, %add3A_1227 : vector<16xi32>
    %select_n3A_1229 = arith.select %lt3A_1225, %add3A_1228, %get3A_1222 : vector<16xi1>, vector<16xi32>
    %broadcast_in_dim3A_1230 = vector.shape_cast %select_n3A_1229 : vector<16xi32> to vector<16x1xi32>
    %gather3A_1231 = vector.shape_cast %broadcast_in_dim3A_1230 : vector<16x1xi32> to vector<16xi32>
    %gather3A_1232 = tpu.dynamic_gather %gather3A_70[%gather3A_1231] in [0] : vector<16xf32>, vector<16xi32> -> vector<16xf32>
    %mul3A_1233 = arith.mulf %gather3A_1232, %gather3A_83 : vector<16xf32>
    %add3A_1234 = arith.addf %mul3A_1233, %gather3A_96 : vector<16xf32>
    %convert_element_type3A_1235 = arith.sitofp %get3A_1222 : vector<16xi32> to vector<16xf32>
    %mul3A_1236 = arith.mulf %convert_element_type3A_1235, %gather3A_109 : vector<16xf32>
    %add3A_1237 = arith.addf %mul3A_1236, %gather3A_122 : vector<16xf32>
    %swap3A_1238 = arith.constant 544 : index
    %swap3A_1239 = tpu.vector_load %arg17[%swap3A_1238] {strides = array<i32>} : memref<1024xf32, #tpu.memory_space<vmem>>, vector<16xf32>,
    %swap3A_1240 = vector.shape_cast %swap3A_1239 : vector<16xf32> to vector<16xf32>
    %swap3A_1241 = vector.shape_cast %add3A_1234 : vector<16xf32> to vector<16xf32>
    tpu.vector_store %arg17[%swap3A_1238], %swap3A_1241 {strides = array<i32>} : memref<1024xf32, #tpu.memory_space<vmem>>, vector<16xf32>,
    %swap3A_1242 = arith.constant 544 : index
    %swap3A_1243 = tpu.vector_load %arg18[%swap3A_1242] {strides = array<i32>} : memref<1024xf32, #tpu.memory_space<vmem>>, vector<16xf32>,
    %swap3A_1244 = vector.shape_cast %swap3A_1243 : vector<16xf32> to vector<16xf32>
    %swap3A_1245 = vector.shape_cast %add3A_1237 : vector<16xf32> to vector<16xf32>
    tpu.vector_store %arg18[%swap3A_1242], %swap3A_1245 {strides = array<i32>} : memref<1024xf32, #tpu.memory_space<vmem>>, vector<16xf32>,
    %sub3A_1246 = arith.subf %add3A_1234, %add3A_1237 : vector<16xf32>
    %swap3A_1247 = arith.constant 544 : index
    %swap3A_1248 = tpu.vector_load %arg19[%swap3A_1247] {strides = array<i32>} : memref<1024xf32, #tpu.memory_space<vmem>>, vector<16xf32>,
    %swap3A_1249 = vector.shape_cast %swap3A_1248 : vector<16xf32> to vector<16xf32>
    %swap3A_1250 = vector.shape_cast %sub3A_1246 : vector<16xf32> to vector<16xf32>
    tpu.vector_store %arg19[%swap3A_1247], %swap3A_1250 {strides = array<i32>} : memref<1024xf32, #tpu.memory_space<vmem>>, vector<16xf32>,
    %get3A_1251 = arith.constant 560 : index
    %get3A_1252 = tpu.vector_load %arg11[%get3A_1251] {strides = array<i32>} : memref<1024xi32, #tpu.memory_space<vmem>>, vector<16xi32>,
    %get3A_1253 = vector.shape_cast %get3A_1252 : vector<16xi32> to vector<16xi32>
    %lt3A_1254 = arith.constant 0 : i32
    %lt3A_1255 = vector.broadcast %lt3A_1254 : i32 to vector<16xi32>
    %lt3A_1256 = arith.cmpi slt, %get3A_1253, %lt3A_1255 : vector<16xi32>
    %add3A_1257 = arith.constant 16 : i32
    %add3A_1258 = vector.broadcast %add3A_1257 : i32 to vector<16xi32>
    %add3A_1259 = arith.addi %get3A_1253, %add3A_1258 : vector<16xi32>
    %select_n3A_1260 = arith.select %lt3A_1256, %add3A_1259, %get3A_1253 : vector<16xi1>, vector<16xi32>
    %broadcast_in_dim3A_1261 = vector.shape_cast %select_n3A_1260 : vector<16xi32> to vector<16x1xi32>
    %gather3A_1262 = vector.shape_cast %broadcast_in_dim3A_1261 : vector<16x1xi32> to vector<16xi32>
    %gather3A_1263 = tpu.dynamic_gather %gather3A_70[%gather3A_1262] in [0] : vector<16xf32>, vector<16xi32> -> vector<16xf32>
    %mul3A_1264 = arith.mulf %gather3A_1263, %gather3A_83 : vector<16xf32>
    %add3A_1265 = arith.addf %mul3A_1264, %gather3A_96 : vector<16xf32>
    %convert_element_type3A_1266 = arith.sitofp %get3A_1253 : vector<16xi32> to vector<16xf32>
    %mul3A_1267 = arith.mulf %convert_element_type3A_1266, %gather3A_109 : vector<16xf32>
    %add3A_1268 = arith.addf %mul3A_1267, %gather3A_122 : vector<16xf32>
    %swap3A_1269 = arith.constant 560 : index
    %swap3A_1270 = tpu.vector_load %arg17[%swap3A_1269] {strides = array<i32>} : memref<1024xf32, #tpu.memory_space<vmem>>, vector<16xf32>,
    %swap3A_1271 = vector.shape_cast %swap3A_1270 : vector<16xf32> to vector<16xf32>
    %swap3A_1272 = vector.shape_cast %add3A_1265 : vector<16xf32> to vector<16xf32>
    tpu.vector_store %arg17[%swap3A_1269], %swap3A_1272 {strides = array<i32>} : memref<1024xf32, #tpu.memory_space<vmem>>, vector<16xf32>,
    %swap3A_1273 = arith.constant 560 : index
    %swap3A_1274 = tpu.vector_load %arg18[%swap3A_1273] {strides = array<i32>} : memref<1024xf32, #tpu.memory_space<vmem>>, vector<16xf32>,
    %swap3A_1275 = vector.shape_cast %swap3A_1274 : vector<16xf32> to vector<16xf32>
    %swap3A_1276 = vector.shape_cast %add3A_1268 : vector<16xf32> to vector<16xf32>
    tpu.vector_store %arg18[%swap3A_1273], %swap3A_1276 {strides = array<i32>} : memref<1024xf32, #tpu.memory_space<vmem>>, vector<16xf32>,
    %sub3A_1277 = arith.subf %add3A_1265, %add3A_1268 : vector<16xf32>
    %swap3A_1278 = arith.constant 560 : index
    %swap3A_1279 = tpu.vector_load %arg19[%swap3A_1278] {strides = array<i32>} : memref<1024xf32, #tpu.memory_space<vmem>>, vector<16xf32>,
    %swap3A_1280 = vector.shape_cast %swap3A_1279 : vector<16xf32> to vector<16xf32>
    %swap3A_1281 = vector.shape_cast %sub3A_1277 : vector<16xf32> to vector<16xf32>
    tpu.vector_store %arg19[%swap3A_1278], %swap3A_1281 {strides = array<i32>} : memref<1024xf32, #tpu.memory_space<vmem>>, vector<16xf32>,
    %get3A_1282 = arith.constant 576 : index
    %get3A_1283 = tpu.vector_load %arg11[%get3A_1282] {strides = array<i32>} : memref<1024xi32, #tpu.memory_space<vmem>>, vector<16xi32>,
    %get3A_1284 = vector.shape_cast %get3A_1283 : vector<16xi32> to vector<16xi32>
    %lt3A_1285 = arith.constant 0 : i32
    %lt3A_1286 = vector.broadcast %lt3A_1285 : i32 to vector<16xi32>
    %lt3A_1287 = arith.cmpi slt, %get3A_1284, %lt3A_1286 : vector<16xi32>
    %add3A_1288 = arith.constant 16 : i32
    %add3A_1289 = vector.broadcast %add3A_1288 : i32 to vector<16xi32>
    %add3A_1290 = arith.addi %get3A_1284, %add3A_1289 : vector<16xi32>
    %select_n3A_1291 = arith.select %lt3A_1287, %add3A_1290, %get3A_1284 : vector<16xi1>, vector<16xi32>
    %broadcast_in_dim3A_1292 = vector.shape_cast %select_n3A_1291 : vector<16xi32> to vector<16x1xi32>
    %gather3A_1293 = vector.shape_cast %broadcast_in_dim3A_1292 : vector<16x1xi32> to vector<16xi32>
    %gather3A_1294 = tpu.dynamic_gather %gather3A_70[%gather3A_1293] in [0] : vector<16xf32>, vector<16xi32> -> vector<16xf32>
    %mul3A_1295 = arith.mulf %gather3A_1294, %gather3A_83 : vector<16xf32>
    %add3A_1296 = arith.addf %mul3A_1295, %gather3A_96 : vector<16xf32>
    %convert_element_type3A_1297 = arith.sitofp %get3A_1284 : vector<16xi32> to vector<16xf32>
    %mul3A_1298 = arith.mulf %convert_element_type3A_1297, %gather3A_109 : vector<16xf32>
    %add3A_1299 = arith.addf %mul3A_1298, %gather3A_122 : vector<16xf32>
    %swap3A_1300 = arith.constant 576 : index
    %swap3A_1301 = tpu.vector_load %arg17[%swap3A_1300] {strides = array<i32>} : memref<1024xf32, #tpu.memory_space<vmem>>, vector<16xf32>,
    %swap3A_1302 = vector.shape_cast %swap3A_1301 : vector<16xf32> to vector<16xf32>
    %swap3A_1303 = vector.shape_cast %add3A_1296 : vector<16xf32> to vector<16xf32>
    tpu.vector_store %arg17[%swap3A_1300], %swap3A_1303 {strides = array<i32>} : memref<1024xf32, #tpu.memory_space<vmem>>, vector<16xf32>,
    %swap3A_1304 = arith.constant 576 : index
    %swap3A_1305 = tpu.vector_load %arg18[%swap3A_1304] {strides = array<i32>} : memref<1024xf32, #tpu.memory_space<vmem>>, vector<16xf32>,
    %swap3A_1306 = vector.shape_cast %swap3A_1305 : vector<16xf32> to vector<16xf32>
    %swap3A_1307 = vector.shape_cast %add3A_1299 : vector<16xf32> to vector<16xf32>
    tpu.vector_store %arg18[%swap3A_1304], %swap3A_1307 {strides = array<i32>} : memref<1024xf32, #tpu.memory_space<vmem>>, vector<16xf32>,
    %sub3A_1308 = arith.subf %add3A_1296, %add3A_1299 : vector<16xf32>
    %swap3A_1309 = arith.constant 576 : index
    %swap3A_1310 = tpu.vector_load %arg19[%swap3A_1309] {strides = array<i32>} : memref<1024xf32, #tpu.memory_space<vmem>>, vector<16xf32>,
    %swap3A_1311 = vector.shape_cast %swap3A_1310 : vector<16xf32> to vector<16xf32>
    %swap3A_1312 = vector.shape_cast %sub3A_1308 : vector<16xf32> to vector<16xf32>
    tpu.vector_store %arg19[%swap3A_1309], %swap3A_1312 {strides = array<i32>} : memref<1024xf32, #tpu.memory_space<vmem>>, vector<16xf32>,
    %get3A_1313 = arith.constant 592 : index
    %get3A_1314 = tpu.vector_load %arg11[%get3A_1313] {strides = array<i32>} : memref<1024xi32, #tpu.memory_space<vmem>>, vector<16xi32>,
    %get3A_1315 = vector.shape_cast %get3A_1314 : vector<16xi32> to vector<16xi32>
    %lt3A_1316 = arith.constant 0 : i32
    %lt3A_1317 = vector.broadcast %lt3A_1316 : i32 to vector<16xi32>
    %lt3A_1318 = arith.cmpi slt, %get3A_1315, %lt3A_1317 : vector<16xi32>
    %add3A_1319 = arith.constant 16 : i32
    %add3A_1320 = vector.broadcast %add3A_1319 : i32 to vector<16xi32>
    %add3A_1321 = arith.addi %get3A_1315, %add3A_1320 : vector<16xi32>
    %select_n3A_1322 = arith.select %lt3A_1318, %add3A_1321, %get3A_1315 : vector<16xi1>, vector<16xi32>
    %broadcast_in_dim3A_1323 = vector.shape_cast %select_n3A_1322 : vector<16xi32> to vector<16x1xi32>
    %gather3A_1324 = vector.shape_cast %broadcast_in_dim3A_1323 : vector<16x1xi32> to vector<16xi32>
    %gather3A_1325 = tpu.dynamic_gather %gather3A_70[%gather3A_1324] in [0] : vector<16xf32>, vector<16xi32> -> vector<16xf32>
    %mul3A_1326 = arith.mulf %gather3A_1325, %gather3A_83 : vector<16xf32>
    %add3A_1327 = arith.addf %mul3A_1326, %gather3A_96 : vector<16xf32>
    %convert_element_type3A_1328 = arith.sitofp %get3A_1315 : vector<16xi32> to vector<16xf32>
    %mul3A_1329 = arith.mulf %convert_element_type3A_1328, %gather3A_109 : vector<16xf32>
    %add3A_1330 = arith.addf %mul3A_1329, %gather3A_122 : vector<16xf32>
    %swap3A_1331 = arith.constant 592 : index
    %swap3A_1332 = tpu.vector_load %arg17[%swap3A_1331] {strides = array<i32>} : memref<1024xf32, #tpu.memory_space<vmem>>, vector<16xf32>,
    %swap3A_1333 = vector.shape_cast %swap3A_1332 : vector<16xf32> to vector<16xf32>
    %swap3A_1334 = vector.shape_cast %add3A_1327 : vector<16xf32> to vector<16xf32>
    tpu.vector_store %arg17[%swap3A_1331], %swap3A_1334 {strides = array<i32>} : memref<1024xf32, #tpu.memory_space<vmem>>, vector<16xf32>,
    %swap3A_1335 = arith.constant 592 : index
    %swap3A_1336 = tpu.vector_load %arg18[%swap3A_1335] {strides = array<i32>} : memref<1024xf32, #tpu.memory_space<vmem>>, vector<16xf32>,
    %swap3A_1337 = vector.shape_cast %swap3A_1336 : vector<16xf32> to vector<16xf32>
    %swap3A_1338 = vector.shape_cast %add3A_1330 : vector<16xf32> to vector<16xf32>
    tpu.vector_store %arg18[%swap3A_1335], %swap3A_1338 {strides = array<i32>} : memref<1024xf32, #tpu.memory_space<vmem>>, vector<16xf32>,
    %sub3A_1339 = arith.subf %add3A_1327, %add3A_1330 : vector<16xf32>
    %swap3A_1340 = arith.constant 592 : index
    %swap3A_1341 = tpu.vector_load %arg19[%swap3A_1340] {strides = array<i32>} : memref<1024xf32, #tpu.memory_space<vmem>>, vector<16xf32>,
    %swap3A_1342 = vector.shape_cast %swap3A_1341 : vector<16xf32> to vector<16xf32>
    %swap3A_1343 = vector.shape_cast %sub3A_1339 : vector<16xf32> to vector<16xf32>
    tpu.vector_store %arg19[%swap3A_1340], %swap3A_1343 {strides = array<i32>} : memref<1024xf32, #tpu.memory_space<vmem>>, vector<16xf32>,
    %get3A_1344 = arith.constant 608 : index
    %get3A_1345 = tpu.vector_load %arg11[%get3A_1344] {strides = array<i32>} : memref<1024xi32, #tpu.memory_space<vmem>>, vector<16xi32>,
    %get3A_1346 = vector.shape_cast %get3A_1345 : vector<16xi32> to vector<16xi32>
    %lt3A_1347 = arith.constant 0 : i32
    %lt3A_1348 = vector.broadcast %lt3A_1347 : i32 to vector<16xi32>
    %lt3A_1349 = arith.cmpi slt, %get3A_1346, %lt3A_1348 : vector<16xi32>
    %add3A_1350 = arith.constant 16 : i32
    %add3A_1351 = vector.broadcast %add3A_1350 : i32 to vector<16xi32>
    %add3A_1352 = arith.addi %get3A_1346, %add3A_1351 : vector<16xi32>
    %select_n3A_1353 = arith.select %lt3A_1349, %add3A_1352, %get3A_1346 : vector<16xi1>, vector<16xi32>
    %broadcast_in_dim3A_1354 = vector.shape_cast %select_n3A_1353 : vector<16xi32> to vector<16x1xi32>
    %gather3A_1355 = vector.shape_cast %broadcast_in_dim3A_1354 : vector<16x1xi32> to vector<16xi32>
    %gather3A_1356 = tpu.dynamic_gather %gather3A_70[%gather3A_1355] in [0] : vector<16xf32>, vector<16xi32> -> vector<16xf32>
    %mul3A_1357 = arith.mulf %gather3A_1356, %gather3A_83 : vector<16xf32>
    %add3A_1358 = arith.addf %mul3A_1357, %gather3A_96 : vector<16xf32>
    %convert_element_type3A_1359 = arith.sitofp %get3A_1346 : vector<16xi32> to vector<16xf32>
    %mul3A_1360 = arith.mulf %convert_element_type3A_1359, %gather3A_109 : vector<16xf32>
    %add3A_1361 = arith.addf %mul3A_1360, %gather3A_122 : vector<16xf32>
    %swap3A_1362 = arith.constant 608 : index
    %swap3A_1363 = tpu.vector_load %arg17[%swap3A_1362] {strides = array<i32>} : memref<1024xf32, #tpu.memory_space<vmem>>, vector<16xf32>,
    %swap3A_1364 = vector.shape_cast %swap3A_1363 : vector<16xf32> to vector<16xf32>
    %swap3A_1365 = vector.shape_cast %add3A_1358 : vector<16xf32> to vector<16xf32>
    tpu.vector_store %arg17[%swap3A_1362], %swap3A_1365 {strides = array<i32>} : memref<1024xf32, #tpu.memory_space<vmem>>, vector<16xf32>,
    %swap3A_1366 = arith.constant 608 : index
    %swap3A_1367 = tpu.vector_load %arg18[%swap3A_1366] {strides = array<i32>} : memref<1024xf32, #tpu.memory_space<vmem>>, vector<16xf32>,
    %swap3A_1368 = vector.shape_cast %swap3A_1367 : vector<16xf32> to vector<16xf32>
    %swap3A_1369 = vector.shape_cast %add3A_1361 : vector<16xf32> to vector<16xf32>
    tpu.vector_store %arg18[%swap3A_1366], %swap3A_1369 {strides = array<i32>} : memref<1024xf32, #tpu.memory_space<vmem>>, vector<16xf32>,
    %sub3A_1370 = arith.subf %add3A_1358, %add3A_1361 : vector<16xf32>
    %swap3A_1371 = arith.constant 608 : index
    %swap3A_1372 = tpu.vector_load %arg19[%swap3A_1371] {strides = array<i32>} : memref<1024xf32, #tpu.memory_space<vmem>>, vector<16xf32>,
    %swap3A_1373 = vector.shape_cast %swap3A_1372 : vector<16xf32> to vector<16xf32>
    %swap3A_1374 = vector.shape_cast %sub3A_1370 : vector<16xf32> to vector<16xf32>
    tpu.vector_store %arg19[%swap3A_1371], %swap3A_1374 {strides = array<i32>} : memref<1024xf32, #tpu.memory_space<vmem>>, vector<16xf32>,
    %get3A_1375 = arith.constant 624 : index
    %get3A_1376 = tpu.vector_load %arg11[%get3A_1375] {strides = array<i32>} : memref<1024xi32, #tpu.memory_space<vmem>>, vector<16xi32>,
    %get3A_1377 = vector.shape_cast %get3A_1376 : vector<16xi32> to vector<16xi32>
    %lt3A_1378 = arith.constant 0 : i32
    %lt3A_1379 = vector.broadcast %lt3A_1378 : i32 to vector<16xi32>
    %lt3A_1380 = arith.cmpi slt, %get3A_1377, %lt3A_1379 : vector<16xi32>
    %add3A_1381 = arith.constant 16 : i32
    %add3A_1382 = vector.broadcast %add3A_1381 : i32 to vector<16xi32>
    %add3A_1383 = arith.addi %get3A_1377, %add3A_1382 : vector<16xi32>
    %select_n3A_1384 = arith.select %lt3A_1380, %add3A_1383, %get3A_1377 : vector<16xi1>, vector<16xi32>
    %broadcast_in_dim3A_1385 = vector.shape_cast %select_n3A_1384 : vector<16xi32> to vector<16x1xi32>
    %gather3A_1386 = vector.shape_cast %broadcast_in_dim3A_1385 : vector<16x1xi32> to vector<16xi32>
    %gather3A_1387 = tpu.dynamic_gather %gather3A_70[%gather3A_1386] in [0] : vector<16xf32>, vector<16xi32> -> vector<16xf32>
    %mul3A_1388 = arith.mulf %gather3A_1387, %gather3A_83 : vector<16xf32>
    %add3A_1389 = arith.addf %mul3A_1388, %gather3A_96 : vector<16xf32>
    %convert_element_type3A_1390 = arith.sitofp %get3A_1377 : vector<16xi32> to vector<16xf32>
    %mul3A_1391 = arith.mulf %convert_element_type3A_1390, %gather3A_109 : vector<16xf32>
    %add3A_1392 = arith.addf %mul3A_1391, %gather3A_122 : vector<16xf32>
    %swap3A_1393 = arith.constant 624 : index
    %swap3A_1394 = tpu.vector_load %arg17[%swap3A_1393] {strides = array<i32>} : memref<1024xf32, #tpu.memory_space<vmem>>, vector<16xf32>,
    %swap3A_1395 = vector.shape_cast %swap3A_1394 : vector<16xf32> to vector<16xf32>
    %swap3A_1396 = vector.shape_cast %add3A_1389 : vector<16xf32> to vector<16xf32>
    tpu.vector_store %arg17[%swap3A_1393], %swap3A_1396 {strides = array<i32>} : memref<1024xf32, #tpu.memory_space<vmem>>, vector<16xf32>,
    %swap3A_1397 = arith.constant 624 : index
    %swap3A_1398 = tpu.vector_load %arg18[%swap3A_1397] {strides = array<i32>} : memref<1024xf32, #tpu.memory_space<vmem>>, vector<16xf32>,
    %swap3A_1399 = vector.shape_cast %swap3A_1398 : vector<16xf32> to vector<16xf32>
    %swap3A_1400 = vector.shape_cast %add3A_1392 : vector<16xf32> to vector<16xf32>
    tpu.vector_store %arg18[%swap3A_1397], %swap3A_1400 {strides = array<i32>} : memref<1024xf32, #tpu.memory_space<vmem>>, vector<16xf32>,
    %sub3A_1401 = arith.subf %add3A_1389, %add3A_1392 : vector<16xf32>
    %swap3A_1402 = arith.constant 624 : index
    %swap3A_1403 = tpu.vector_load %arg19[%swap3A_1402] {strides = array<i32>} : memref<1024xf32, #tpu.memory_space<vmem>>, vector<16xf32>,
    %swap3A_1404 = vector.shape_cast %swap3A_1403 : vector<16xf32> to vector<16xf32>
    %swap3A_1405 = vector.shape_cast %sub3A_1401 : vector<16xf32> to vector<16xf32>
    tpu.vector_store %arg19[%swap3A_1402], %swap3A_1405 {strides = array<i32>} : memref<1024xf32, #tpu.memory_space<vmem>>, vector<16xf32>,
    %get3A_1406 = arith.constant 640 : index
    %get3A_1407 = tpu.vector_load %arg11[%get3A_1406] {strides = array<i32>} : memref<1024xi32, #tpu.memory_space<vmem>>, vector<16xi32>,
    %get3A_1408 = vector.shape_cast %get3A_1407 : vector<16xi32> to vector<16xi32>
    %lt3A_1409 = arith.constant 0 : i32
    %lt3A_1410 = vector.broadcast %lt3A_1409 : i32 to vector<16xi32>
    %lt3A_1411 = arith.cmpi slt, %get3A_1408, %lt3A_1410 : vector<16xi32>
    %add3A_1412 = arith.constant 16 : i32
    %add3A_1413 = vector.broadcast %add3A_1412 : i32 to vector<16xi32>
    %add3A_1414 = arith.addi %get3A_1408, %add3A_1413 : vector<16xi32>
    %select_n3A_1415 = arith.select %lt3A_1411, %add3A_1414, %get3A_1408 : vector<16xi1>, vector<16xi32>
    %broadcast_in_dim3A_1416 = vector.shape_cast %select_n3A_1415 : vector<16xi32> to vector<16x1xi32>
    %gather3A_1417 = vector.shape_cast %broadcast_in_dim3A_1416 : vector<16x1xi32> to vector<16xi32>
    %gather3A_1418 = tpu.dynamic_gather %gather3A_70[%gather3A_1417] in [0] : vector<16xf32>, vector<16xi32> -> vector<16xf32>
    %mul3A_1419 = arith.mulf %gather3A_1418, %gather3A_83 : vector<16xf32>
    %add3A_1420 = arith.addf %mul3A_1419, %gather3A_96 : vector<16xf32>
    %convert_element_type3A_1421 = arith.sitofp %get3A_1408 : vector<16xi32> to vector<16xf32>
    %mul3A_1422 = arith.mulf %convert_element_type3A_1421, %gather3A_109 : vector<16xf32>
    %add3A_1423 = arith.addf %mul3A_1422, %gather3A_122 : vector<16xf32>
    %swap3A_1424 = arith.constant 640 : index
    %swap3A_1425 = tpu.vector_load %arg17[%swap3A_1424] {strides = array<i32>} : memref<1024xf32, #tpu.memory_space<vmem>>, vector<16xf32>,
    %swap3A_1426 = vector.shape_cast %swap3A_1425 : vector<16xf32> to vector<16xf32>
    %swap3A_1427 = vector.shape_cast %add3A_1420 : vector<16xf32> to vector<16xf32>
    tpu.vector_store %arg17[%swap3A_1424], %swap3A_1427 {strides = array<i32>} : memref<1024xf32, #tpu.memory_space<vmem>>, vector<16xf32>,
    %swap3A_1428 = arith.constant 640 : index
    %swap3A_1429 = tpu.vector_load %arg18[%swap3A_1428] {strides = array<i32>} : memref<1024xf32, #tpu.memory_space<vmem>>, vector<16xf32>,
    %swap3A_1430 = vector.shape_cast %swap3A_1429 : vector<16xf32> to vector<16xf32>
    %swap3A_1431 = vector.shape_cast %add3A_1423 : vector<16xf32> to vector<16xf32>
    tpu.vector_store %arg18[%swap3A_1428], %swap3A_1431 {strides = array<i32>} : memref<1024xf32, #tpu.memory_space<vmem>>, vector<16xf32>,
    %sub3A_1432 = arith.subf %add3A_1420, %add3A_1423 : vector<16xf32>
    %swap3A_1433 = arith.constant 640 : index
    %swap3A_1434 = tpu.vector_load %arg19[%swap3A_1433] {strides = array<i32>} : memref<1024xf32, #tpu.memory_space<vmem>>, vector<16xf32>,
    %swap3A_1435 = vector.shape_cast %swap3A_1434 : vector<16xf32> to vector<16xf32>
    %swap3A_1436 = vector.shape_cast %sub3A_1432 : vector<16xf32> to vector<16xf32>
    tpu.vector_store %arg19[%swap3A_1433], %swap3A_1436 {strides = array<i32>} : memref<1024xf32, #tpu.memory_space<vmem>>, vector<16xf32>,
    %get3A_1437 = arith.constant 656 : index
    %get3A_1438 = tpu.vector_load %arg11[%get3A_1437] {strides = array<i32>} : memref<1024xi32, #tpu.memory_space<vmem>>, vector<16xi32>,
    %get3A_1439 = vector.shape_cast %get3A_1438 : vector<16xi32> to vector<16xi32>
    %lt3A_1440 = arith.constant 0 : i32
    %lt3A_1441 = vector.broadcast %lt3A_1440 : i32 to vector<16xi32>
    %lt3A_1442 = arith.cmpi slt, %get3A_1439, %lt3A_1441 : vector<16xi32>
    %add3A_1443 = arith.constant 16 : i32
    %add3A_1444 = vector.broadcast %add3A_1443 : i32 to vector<16xi32>
    %add3A_1445 = arith.addi %get3A_1439, %add3A_1444 : vector<16xi32>
    %select_n3A_1446 = arith.select %lt3A_1442, %add3A_1445, %get3A_1439 : vector<16xi1>, vector<16xi32>
    %broadcast_in_dim3A_1447 = vector.shape_cast %select_n3A_1446 : vector<16xi32> to vector<16x1xi32>
    %gather3A_1448 = vector.shape_cast %broadcast_in_dim3A_1447 : vector<16x1xi32> to vector<16xi32>
    %gather3A_1449 = tpu.dynamic_gather %gather3A_70[%gather3A_1448] in [0] : vector<16xf32>, vector<16xi32> -> vector<16xf32>
    %mul3A_1450 = arith.mulf %gather3A_1449, %gather3A_83 : vector<16xf32>
    %add3A_1451 = arith.addf %mul3A_1450, %gather3A_96 : vector<16xf32>
    %convert_element_type3A_1452 = arith.sitofp %get3A_1439 : vector<16xi32> to vector<16xf32>
    %mul3A_1453 = arith.mulf %convert_element_type3A_1452, %gather3A_109 : vector<16xf32>
    %add3A_1454 = arith.addf %mul3A_1453, %gather3A_122 : vector<16xf32>
    %swap3A_1455 = arith.constant 656 : index
    %swap3A_1456 = tpu.vector_load %arg17[%swap3A_1455] {strides = array<i32>} : memref<1024xf32, #tpu.memory_space<vmem>>, vector<16xf32>,
    %swap3A_1457 = vector.shape_cast %swap3A_1456 : vector<16xf32> to vector<16xf32>
    %swap3A_1458 = vector.shape_cast %add3A_1451 : vector<16xf32> to vector<16xf32>
    tpu.vector_store %arg17[%swap3A_1455], %swap3A_1458 {strides = array<i32>} : memref<1024xf32, #tpu.memory_space<vmem>>, vector<16xf32>,
    %swap3A_1459 = arith.constant 656 : index
    %swap3A_1460 = tpu.vector_load %arg18[%swap3A_1459] {strides = array<i32>} : memref<1024xf32, #tpu.memory_space<vmem>>, vector<16xf32>,
    %swap3A_1461 = vector.shape_cast %swap3A_1460 : vector<16xf32> to vector<16xf32>
    %swap3A_1462 = vector.shape_cast %add3A_1454 : vector<16xf32> to vector<16xf32>
    tpu.vector_store %arg18[%swap3A_1459], %swap3A_1462 {strides = array<i32>} : memref<1024xf32, #tpu.memory_space<vmem>>, vector<16xf32>,
    %sub3A_1463 = arith.subf %add3A_1451, %add3A_1454 : vector<16xf32>
    %swap3A_1464 = arith.constant 656 : index
    %swap3A_1465 = tpu.vector_load %arg19[%swap3A_1464] {strides = array<i32>} : memref<1024xf32, #tpu.memory_space<vmem>>, vector<16xf32>,
    %swap3A_1466 = vector.shape_cast %swap3A_1465 : vector<16xf32> to vector<16xf32>
    %swap3A_1467 = vector.shape_cast %sub3A_1463 : vector<16xf32> to vector<16xf32>
    tpu.vector_store %arg19[%swap3A_1464], %swap3A_1467 {strides = array<i32>} : memref<1024xf32, #tpu.memory_space<vmem>>, vector<16xf32>,
    %get3A_1468 = arith.constant 672 : index
    %get3A_1469 = tpu.vector_load %arg11[%get3A_1468] {strides = array<i32>} : memref<1024xi32, #tpu.memory_space<vmem>>, vector<16xi32>,
    %get3A_1470 = vector.shape_cast %get3A_1469 : vector<16xi32> to vector<16xi32>
    %lt3A_1471 = arith.constant 0 : i32
    %lt3A_1472 = vector.broadcast %lt3A_1471 : i32 to vector<16xi32>
    %lt3A_1473 = arith.cmpi slt, %get3A_1470, %lt3A_1472 : vector<16xi32>
    %add3A_1474 = arith.constant 16 : i32
    %add3A_1475 = vector.broadcast %add3A_1474 : i32 to vector<16xi32>
    %add3A_1476 = arith.addi %get3A_1470, %add3A_1475 : vector<16xi32>
    %select_n3A_1477 = arith.select %lt3A_1473, %add3A_1476, %get3A_1470 : vector<16xi1>, vector<16xi32>
    %broadcast_in_dim3A_1478 = vector.shape_cast %select_n3A_1477 : vector<16xi32> to vector<16x1xi32>
    %gather3A_1479 = vector.shape_cast %broadcast_in_dim3A_1478 : vector<16x1xi32> to vector<16xi32>
    %gather3A_1480 = tpu.dynamic_gather %gather3A_70[%gather3A_1479] in [0] : vector<16xf32>, vector<16xi32> -> vector<16xf32>
    %mul3A_1481 = arith.mulf %gather3A_1480, %gather3A_83 : vector<16xf32>
    %add3A_1482 = arith.addf %mul3A_1481, %gather3A_96 : vector<16xf32>
    %convert_element_type3A_1483 = arith.sitofp %get3A_1470 : vector<16xi32> to vector<16xf32>
    %mul3A_1484 = arith.mulf %convert_element_type3A_1483, %gather3A_109 : vector<16xf32>
    %add3A_1485 = arith.addf %mul3A_1484, %gather3A_122 : vector<16xf32>
    %swap3A_1486 = arith.constant 672 : index
    %swap3A_1487 = tpu.vector_load %arg17[%swap3A_1486] {strides = array<i32>} : memref<1024xf32, #tpu.memory_space<vmem>>, vector<16xf32>,
    %swap3A_1488 = vector.shape_cast %swap3A_1487 : vector<16xf32> to vector<16xf32>
    %swap3A_1489 = vector.shape_cast %add3A_1482 : vector<16xf32> to vector<16xf32>
    tpu.vector_store %arg17[%swap3A_1486], %swap3A_1489 {strides = array<i32>} : memref<1024xf32, #tpu.memory_space<vmem>>, vector<16xf32>,
    %swap3A_1490 = arith.constant 672 : index
    %swap3A_1491 = tpu.vector_load %arg18[%swap3A_1490] {strides = array<i32>} : memref<1024xf32, #tpu.memory_space<vmem>>, vector<16xf32>,
    %swap3A_1492 = vector.shape_cast %swap3A_1491 : vector<16xf32> to vector<16xf32>
    %swap3A_1493 = vector.shape_cast %add3A_1485 : vector<16xf32> to vector<16xf32>
    tpu.vector_store %arg18[%swap3A_1490], %swap3A_1493 {strides = array<i32>} : memref<1024xf32, #tpu.memory_space<vmem>>, vector<16xf32>,
    %sub3A_1494 = arith.subf %add3A_1482, %add3A_1485 : vector<16xf32>
    %swap3A_1495 = arith.constant 672 : index
    %swap3A_1496 = tpu.vector_load %arg19[%swap3A_1495] {strides = array<i32>} : memref<1024xf32, #tpu.memory_space<vmem>>, vector<16xf32>,
    %swap3A_1497 = vector.shape_cast %swap3A_1496 : vector<16xf32> to vector<16xf32>
    %swap3A_1498 = vector.shape_cast %sub3A_1494 : vector<16xf32> to vector<16xf32>
    tpu.vector_store %arg19[%swap3A_1495], %swap3A_1498 {strides = array<i32>} : memref<1024xf32, #tpu.memory_space<vmem>>, vector<16xf32>,
    %get3A_1499 = arith.constant 688 : index
    %get3A_1500 = tpu.vector_load %arg11[%get3A_1499] {strides = array<i32>} : memref<1024xi32, #tpu.memory_space<vmem>>, vector<16xi32>,
    %get3A_1501 = vector.shape_cast %get3A_1500 : vector<16xi32> to vector<16xi32>
    %lt3A_1502 = arith.constant 0 : i32
    %lt3A_1503 = vector.broadcast %lt3A_1502 : i32 to vector<16xi32>
    %lt3A_1504 = arith.cmpi slt, %get3A_1501, %lt3A_1503 : vector<16xi32>
    %add3A_1505 = arith.constant 16 : i32
    %add3A_1506 = vector.broadcast %add3A_1505 : i32 to vector<16xi32>
    %add3A_1507 = arith.addi %get3A_1501, %add3A_1506 : vector<16xi32>
    %select_n3A_1508 = arith.select %lt3A_1504, %add3A_1507, %get3A_1501 : vector<16xi1>, vector<16xi32>
    %broadcast_in_dim3A_1509 = vector.shape_cast %select_n3A_1508 : vector<16xi32> to vector<16x1xi32>
    %gather3A_1510 = vector.shape_cast %broadcast_in_dim3A_1509 : vector<16x1xi32> to vector<16xi32>
    %gather3A_1511 = tpu.dynamic_gather %gather3A_70[%gather3A_1510] in [0] : vector<16xf32>, vector<16xi32> -> vector<16xf32>
    %mul3A_1512 = arith.mulf %gather3A_1511, %gather3A_83 : vector<16xf32>
    %add3A_1513 = arith.addf %mul3A_1512, %gather3A_96 : vector<16xf32>
    %convert_element_type3A_1514 = arith.sitofp %get3A_1501 : vector<16xi32> to vector<16xf32>
    %mul3A_1515 = arith.mulf %convert_element_type3A_1514, %gather3A_109 : vector<16xf32>
    %add3A_1516 = arith.addf %mul3A_1515, %gather3A_122 : vector<16xf32>
    %swap3A_1517 = arith.constant 688 : index
    %swap3A_1518 = tpu.vector_load %arg17[%swap3A_1517] {strides = array<i32>} : memref<1024xf32, #tpu.memory_space<vmem>>, vector<16xf32>,
    %swap3A_1519 = vector.shape_cast %swap3A_1518 : vector<16xf32> to vector<16xf32>
    %swap3A_1520 = vector.shape_cast %add3A_1513 : vector<16xf32> to vector<16xf32>
    tpu.vector_store %arg17[%swap3A_1517], %swap3A_1520 {strides = array<i32>} : memref<1024xf32, #tpu.memory_space<vmem>>, vector<16xf32>,
    %swap3A_1521 = arith.constant 688 : index
    %swap3A_1522 = tpu.vector_load %arg18[%swap3A_1521] {strides = array<i32>} : memref<1024xf32, #tpu.memory_space<vmem>>, vector<16xf32>,
    %swap3A_1523 = vector.shape_cast %swap3A_1522 : vector<16xf32> to vector<16xf32>
    %swap3A_1524 = vector.shape_cast %add3A_1516 : vector<16xf32> to vector<16xf32>
    tpu.vector_store %arg18[%swap3A_1521], %swap3A_1524 {strides = array<i32>} : memref<1024xf32, #tpu.memory_space<vmem>>, vector<16xf32>,
    %sub3A_1525 = arith.subf %add3A_1513, %add3A_1516 : vector<16xf32>
    %swap3A_1526 = arith.constant 688 : index
    %swap3A_1527 = tpu.vector_load %arg19[%swap3A_1526] {strides = array<i32>} : memref<1024xf32, #tpu.memory_space<vmem>>, vector<16xf32>,
    %swap3A_1528 = vector.shape_cast %swap3A_1527 : vector<16xf32> to vector<16xf32>
    %swap3A_1529 = vector.shape_cast %sub3A_1525 : vector<16xf32> to vector<16xf32>
    tpu.vector_store %arg19[%swap3A_1526], %swap3A_1529 {strides = array<i32>} : memref<1024xf32, #tpu.memory_space<vmem>>, vector<16xf32>,
    %get3A_1530 = arith.constant 704 : index
    %get3A_1531 = tpu.vector_load %arg11[%get3A_1530] {strides = array<i32>} : memref<1024xi32, #tpu.memory_space<vmem>>, vector<16xi32>,
    %get3A_1532 = vector.shape_cast %get3A_1531 : vector<16xi32> to vector<16xi32>
    %lt3A_1533 = arith.constant 0 : i32
    %lt3A_1534 = vector.broadcast %lt3A_1533 : i32 to vector<16xi32>
    %lt3A_1535 = arith.cmpi slt, %get3A_1532, %lt3A_1534 : vector<16xi32>
    %add3A_1536 = arith.constant 16 : i32
    %add3A_1537 = vector.broadcast %add3A_1536 : i32 to vector<16xi32>
    %add3A_1538 = arith.addi %get3A_1532, %add3A_1537 : vector<16xi32>
    %select_n3A_1539 = arith.select %lt3A_1535, %add3A_1538, %get3A_1532 : vector<16xi1>, vector<16xi32>
    %broadcast_in_dim3A_1540 = vector.shape_cast %select_n3A_1539 : vector<16xi32> to vector<16x1xi32>
    %gather3A_1541 = vector.shape_cast %broadcast_in_dim3A_1540 : vector<16x1xi32> to vector<16xi32>
    %gather3A_1542 = tpu.dynamic_gather %gather3A_70[%gather3A_1541] in [0] : vector<16xf32>, vector<16xi32> -> vector<16xf32>
    %mul3A_1543 = arith.mulf %gather3A_1542, %gather3A_83 : vector<16xf32>
    %add3A_1544 = arith.addf %mul3A_1543, %gather3A_96 : vector<16xf32>
    %convert_element_type3A_1545 = arith.sitofp %get3A_1532 : vector<16xi32> to vector<16xf32>
    %mul3A_1546 = arith.mulf %convert_element_type3A_1545, %gather3A_109 : vector<16xf32>
    %add3A_1547 = arith.addf %mul3A_1546, %gather3A_122 : vector<16xf32>
    %swap3A_1548 = arith.constant 704 : index
    %swap3A_1549 = tpu.vector_load %arg17[%swap3A_1548] {strides = array<i32>} : memref<1024xf32, #tpu.memory_space<vmem>>, vector<16xf32>,
    %swap3A_1550 = vector.shape_cast %swap3A_1549 : vector<16xf32> to vector<16xf32>
    %swap3A_1551 = vector.shape_cast %add3A_1544 : vector<16xf32> to vector<16xf32>
    tpu.vector_store %arg17[%swap3A_1548], %swap3A_1551 {strides = array<i32>} : memref<1024xf32, #tpu.memory_space<vmem>>, vector<16xf32>,
    %swap3A_1552 = arith.constant 704 : index
    %swap3A_1553 = tpu.vector_load %arg18[%swap3A_1552] {strides = array<i32>} : memref<1024xf32, #tpu.memory_space<vmem>>, vector<16xf32>,
    %swap3A_1554 = vector.shape_cast %swap3A_1553 : vector<16xf32> to vector<16xf32>
    %swap3A_1555 = vector.shape_cast %add3A_1547 : vector<16xf32> to vector<16xf32>
    tpu.vector_store %arg18[%swap3A_1552], %swap3A_1555 {strides = array<i32>} : memref<1024xf32, #tpu.memory_space<vmem>>, vector<16xf32>,
    %sub3A_1556 = arith.subf %add3A_1544, %add3A_1547 : vector<16xf32>
    %swap3A_1557 = arith.constant 704 : index
    %swap3A_1558 = tpu.vector_load %arg19[%swap3A_1557] {strides = array<i32>} : memref<1024xf32, #tpu.memory_space<vmem>>, vector<16xf32>,
    %swap3A_1559 = vector.shape_cast %swap3A_1558 : vector<16xf32> to vector<16xf32>
    %swap3A_1560 = vector.shape_cast %sub3A_1556 : vector<16xf32> to vector<16xf32>
    tpu.vector_store %arg19[%swap3A_1557], %swap3A_1560 {strides = array<i32>} : memref<1024xf32, #tpu.memory_space<vmem>>, vector<16xf32>,
    %get3A_1561 = arith.constant 720 : index
    %get3A_1562 = tpu.vector_load %arg11[%get3A_1561] {strides = array<i32>} : memref<1024xi32, #tpu.memory_space<vmem>>, vector<16xi32>,
    %get3A_1563 = vector.shape_cast %get3A_1562 : vector<16xi32> to vector<16xi32>
    %lt3A_1564 = arith.constant 0 : i32
    %lt3A_1565 = vector.broadcast %lt3A_1564 : i32 to vector<16xi32>
    %lt3A_1566 = arith.cmpi slt, %get3A_1563, %lt3A_1565 : vector<16xi32>
    %add3A_1567 = arith.constant 16 : i32
    %add3A_1568 = vector.broadcast %add3A_1567 : i32 to vector<16xi32>
    %add3A_1569 = arith.addi %get3A_1563, %add3A_1568 : vector<16xi32>
    %select_n3A_1570 = arith.select %lt3A_1566, %add3A_1569, %get3A_1563 : vector<16xi1>, vector<16xi32>
    %broadcast_in_dim3A_1571 = vector.shape_cast %select_n3A_1570 : vector<16xi32> to vector<16x1xi32>
    %gather3A_1572 = vector.shape_cast %broadcast_in_dim3A_1571 : vector<16x1xi32> to vector<16xi32>
    %gather3A_1573 = tpu.dynamic_gather %gather3A_70[%gather3A_1572] in [0] : vector<16xf32>, vector<16xi32> -> vector<16xf32>
    %mul3A_1574 = arith.mulf %gather3A_1573, %gather3A_83 : vector<16xf32>
    %add3A_1575 = arith.addf %mul3A_1574, %gather3A_96 : vector<16xf32>
    %convert_element_type3A_1576 = arith.sitofp %get3A_1563 : vector<16xi32> to vector<16xf32>
    %mul3A_1577 = arith.mulf %convert_element_type3A_1576, %gather3A_109 : vector<16xf32>
    %add3A_1578 = arith.addf %mul3A_1577, %gather3A_122 : vector<16xf32>
    %swap3A_1579 = arith.constant 720 : index
    %swap3A_1580 = tpu.vector_load %arg17[%swap3A_1579] {strides = array<i32>} : memref<1024xf32, #tpu.memory_space<vmem>>, vector<16xf32>,
    %swap3A_1581 = vector.shape_cast %swap3A_1580 : vector<16xf32> to vector<16xf32>
    %swap3A_1582 = vector.shape_cast %add3A_1575 : vector<16xf32> to vector<16xf32>
    tpu.vector_store %arg17[%swap3A_1579], %swap3A_1582 {strides = array<i32>} : memref<1024xf32, #tpu.memory_space<vmem>>, vector<16xf32>,
    %swap3A_1583 = arith.constant 720 : index
    %swap3A_1584 = tpu.vector_load %arg18[%swap3A_1583] {strides = array<i32>} : memref<1024xf32, #tpu.memory_space<vmem>>, vector<16xf32>,
    %swap3A_1585 = vector.shape_cast %swap3A_1584 : vector<16xf32> to vector<16xf32>
    %swap3A_1586 = vector.shape_cast %add3A_1578 : vector<16xf32> to vector<16xf32>
    tpu.vector_store %arg18[%swap3A_1583], %swap3A_1586 {strides = array<i32>} : memref<1024xf32, #tpu.memory_space<vmem>>, vector<16xf32>,
    %sub3A_1587 = arith.subf %add3A_1575, %add3A_1578 : vector<16xf32>
    %swap3A_1588 = arith.constant 720 : index
    %swap3A_1589 = tpu.vector_load %arg19[%swap3A_1588] {strides = array<i32>} : memref<1024xf32, #tpu.memory_space<vmem>>, vector<16xf32>,
    %swap3A_1590 = vector.shape_cast %swap3A_1589 : vector<16xf32> to vector<16xf32>
    %swap3A_1591 = vector.shape_cast %sub3A_1587 : vector<16xf32> to vector<16xf32>
    tpu.vector_store %arg19[%swap3A_1588], %swap3A_1591 {strides = array<i32>} : memref<1024xf32, #tpu.memory_space<vmem>>, vector<16xf32>,
    %get3A_1592 = arith.constant 736 : index
    %get3A_1593 = tpu.vector_load %arg11[%get3A_1592] {strides = array<i32>} : memref<1024xi32, #tpu.memory_space<vmem>>, vector<16xi32>,
    %get3A_1594 = vector.shape_cast %get3A_1593 : vector<16xi32> to vector<16xi32>
    %lt3A_1595 = arith.constant 0 : i32
    %lt3A_1596 = vector.broadcast %lt3A_1595 : i32 to vector<16xi32>
    %lt3A_1597 = arith.cmpi slt, %get3A_1594, %lt3A_1596 : vector<16xi32>
    %add3A_1598 = arith.constant 16 : i32
    %add3A_1599 = vector.broadcast %add3A_1598 : i32 to vector<16xi32>
    %add3A_1600 = arith.addi %get3A_1594, %add3A_1599 : vector<16xi32>
    %select_n3A_1601 = arith.select %lt3A_1597, %add3A_1600, %get3A_1594 : vector<16xi1>, vector<16xi32>
    %broadcast_in_dim3A_1602 = vector.shape_cast %select_n3A_1601 : vector<16xi32> to vector<16x1xi32>
    %gather3A_1603 = vector.shape_cast %broadcast_in_dim3A_1602 : vector<16x1xi32> to vector<16xi32>
    %gather3A_1604 = tpu.dynamic_gather %gather3A_70[%gather3A_1603] in [0] : vector<16xf32>, vector<16xi32> -> vector<16xf32>
    %mul3A_1605 = arith.mulf %gather3A_1604, %gather3A_83 : vector<16xf32>
    %add3A_1606 = arith.addf %mul3A_1605, %gather3A_96 : vector<16xf32>
    %convert_element_type3A_1607 = arith.sitofp %get3A_1594 : vector<16xi32> to vector<16xf32>
    %mul3A_1608 = arith.mulf %convert_element_type3A_1607, %gather3A_109 : vector<16xf32>
    %add3A_1609 = arith.addf %mul3A_1608, %gather3A_122 : vector<16xf32>
    %swap3A_1610 = arith.constant 736 : index
    %swap3A_1611 = tpu.vector_load %arg17[%swap3A_1610] {strides = array<i32>} : memref<1024xf32, #tpu.memory_space<vmem>>, vector<16xf32>,
    %swap3A_1612 = vector.shape_cast %swap3A_1611 : vector<16xf32> to vector<16xf32>
    %swap3A_1613 = vector.shape_cast %add3A_1606 : vector<16xf32> to vector<16xf32>
    tpu.vector_store %arg17[%swap3A_1610], %swap3A_1613 {strides = array<i32>} : memref<1024xf32, #tpu.memory_space<vmem>>, vector<16xf32>,
    %swap3A_1614 = arith.constant 736 : index
    %swap3A_1615 = tpu.vector_load %arg18[%swap3A_1614] {strides = array<i32>} : memref<1024xf32, #tpu.memory_space<vmem>>, vector<16xf32>,
    %swap3A_1616 = vector.shape_cast %swap3A_1615 : vector<16xf32> to vector<16xf32>
    %swap3A_1617 = vector.shape_cast %add3A_1609 : vector<16xf32> to vector<16xf32>
    tpu.vector_store %arg18[%swap3A_1614], %swap3A_1617 {strides = array<i32>} : memref<1024xf32, #tpu.memory_space<vmem>>, vector<16xf32>,
    %sub3A_1618 = arith.subf %add3A_1606, %add3A_1609 : vector<16xf32>
    %swap3A_1619 = arith.constant 736 : index
    %swap3A_1620 = tpu.vector_load %arg19[%swap3A_1619] {strides = array<i32>} : memref<1024xf32, #tpu.memory_space<vmem>>, vector<16xf32>,
    %swap3A_1621 = vector.shape_cast %swap3A_1620 : vector<16xf32> to vector<16xf32>
    %swap3A_1622 = vector.shape_cast %sub3A_1618 : vector<16xf32> to vector<16xf32>
    tpu.vector_store %arg19[%swap3A_1619], %swap3A_1622 {strides = array<i32>} : memref<1024xf32, #tpu.memory_space<vmem>>, vector<16xf32>,
    %get3A_1623 = arith.constant 752 : index
    %get3A_1624 = tpu.vector_load %arg11[%get3A_1623] {strides = array<i32>} : memref<1024xi32, #tpu.memory_space<vmem>>, vector<16xi32>,
    %get3A_1625 = vector.shape_cast %get3A_1624 : vector<16xi32> to vector<16xi32>
    %lt3A_1626 = arith.constant 0 : i32
    %lt3A_1627 = vector.broadcast %lt3A_1626 : i32 to vector<16xi32>
    %lt3A_1628 = arith.cmpi slt, %get3A_1625, %lt3A_1627 : vector<16xi32>
    %add3A_1629 = arith.constant 16 : i32
    %add3A_1630 = vector.broadcast %add3A_1629 : i32 to vector<16xi32>
    %add3A_1631 = arith.addi %get3A_1625, %add3A_1630 : vector<16xi32>
    %select_n3A_1632 = arith.select %lt3A_1628, %add3A_1631, %get3A_1625 : vector<16xi1>, vector<16xi32>
    %broadcast_in_dim3A_1633 = vector.shape_cast %select_n3A_1632 : vector<16xi32> to vector<16x1xi32>
    %gather3A_1634 = vector.shape_cast %broadcast_in_dim3A_1633 : vector<16x1xi32> to vector<16xi32>
    %gather3A_1635 = tpu.dynamic_gather %gather3A_70[%gather3A_1634] in [0] : vector<16xf32>, vector<16xi32> -> vector<16xf32>
    %mul3A_1636 = arith.mulf %gather3A_1635, %gather3A_83 : vector<16xf32>
    %add3A_1637 = arith.addf %mul3A_1636, %gather3A_96 : vector<16xf32>
    %convert_element_type3A_1638 = arith.sitofp %get3A_1625 : vector<16xi32> to vector<16xf32>
    %mul3A_1639 = arith.mulf %convert_element_type3A_1638, %gather3A_109 : vector<16xf32>
    %add3A_1640 = arith.addf %mul3A_1639, %gather3A_122 : vector<16xf32>
    %swap3A_1641 = arith.constant 752 : index
    %swap3A_1642 = tpu.vector_load %arg17[%swap3A_1641] {strides = array<i32>} : memref<1024xf32, #tpu.memory_space<vmem>>, vector<16xf32>,
    %swap3A_1643 = vector.shape_cast %swap3A_1642 : vector<16xf32> to vector<16xf32>
    %swap3A_1644 = vector.shape_cast %add3A_1637 : vector<16xf32> to vector<16xf32>
    tpu.vector_store %arg17[%swap3A_1641], %swap3A_1644 {strides = array<i32>} : memref<1024xf32, #tpu.memory_space<vmem>>, vector<16xf32>,
    %swap3A_1645 = arith.constant 752 : index
    %swap3A_1646 = tpu.vector_load %arg18[%swap3A_1645] {strides = array<i32>} : memref<1024xf32, #tpu.memory_space<vmem>>, vector<16xf32>,
    %swap3A_1647 = vector.shape_cast %swap3A_1646 : vector<16xf32> to vector<16xf32>
    %swap3A_1648 = vector.shape_cast %add3A_1640 : vector<16xf32> to vector<16xf32>
    tpu.vector_store %arg18[%swap3A_1645], %swap3A_1648 {strides = array<i32>} : memref<1024xf32, #tpu.memory_space<vmem>>, vector<16xf32>,
    %sub3A_1649 = arith.subf %add3A_1637, %add3A_1640 : vector<16xf32>
    %swap3A_1650 = arith.constant 752 : index
    %swap3A_1651 = tpu.vector_load %arg19[%swap3A_1650] {strides = array<i32>} : memref<1024xf32, #tpu.memory_space<vmem>>, vector<16xf32>,
    %swap3A_1652 = vector.shape_cast %swap3A_1651 : vector<16xf32> to vector<16xf32>
    %swap3A_1653 = vector.shape_cast %sub3A_1649 : vector<16xf32> to vector<16xf32>
    tpu.vector_store %arg19[%swap3A_1650], %swap3A_1653 {strides = array<i32>} : memref<1024xf32, #tpu.memory_space<vmem>>, vector<16xf32>,
    %add3A_1654 = arith.constant 512 : i32
    %add3A_1655 = arith.addi %mul3A_2, %add3A_1654 : i32
    %dma_start3A_1656 = arith.constant 512 : i32
    %dma_start3A_1657 = tpu.memref_slice %arg17[%dma_start3A_1656] : memref<1024xf32, #tpu.memory_space<vmem>> -> memref<256xf32, #tpu.memory_space<vmem>>
    %dma_start3A_1658 = tpu.memref_slice %arg8[%add3A_1655] : memref<16384xf32, #tpu.memory_space<hbm>> -> memref<256xf32, #tpu.memory_space<hbm>>
    %dma_start3A_1659 = tpu.memref_slice %arg8[%add3A_1655] : memref<16384xf32, #tpu.memory_space<hbm>> -> memref<256xf32, #tpu.memory_space<hbm>>
    %dma_start3A_1660 = arith.constant 512 : i32
    %dma_start3A_1661 = tpu.memref_slice %arg17[%dma_start3A_1660] : memref<1024xf32, #tpu.memory_space<vmem>> -> memref<256xf32, #tpu.memory_space<vmem>>
    tpu.enqueue_dma source(%dma_start3A_1661 : memref<256xf32, #tpu.memory_space<vmem>>) target(%dma_start3A_1659 : memref<256xf32, #tpu.memory_space<hbm>>) target_semaphore(%arg21 : memref<!tpu.dma_semaphore, #tpu.memory_space<semaphore_mem>>)
    %dma_start3A_1662 = arith.constant 512 : i32
    %dma_start3A_1663 = tpu.memref_slice %arg18[%dma_start3A_1662] : memref<1024xf32, #tpu.memory_space<vmem>> -> memref<256xf32, #tpu.memory_space<vmem>>
    %dma_start3A_1664 = tpu.memref_slice %arg9[%add3A_1655] : memref<16384xf32, #tpu.memory_space<hbm>> -> memref<256xf32, #tpu.memory_space<hbm>>
    %dma_start3A_1665 = tpu.memref_slice %arg9[%add3A_1655] : memref<16384xf32, #tpu.memory_space<hbm>> -> memref<256xf32, #tpu.memory_space<hbm>>
    %dma_start3A_1666 = arith.constant 512 : i32
    %dma_start3A_1667 = tpu.memref_slice %arg18[%dma_start3A_1666] : memref<1024xf32, #tpu.memory_space<vmem>> -> memref<256xf32, #tpu.memory_space<vmem>>
    tpu.enqueue_dma source(%dma_start3A_1667 : memref<256xf32, #tpu.memory_space<vmem>>) target(%dma_start3A_1665 : memref<256xf32, #tpu.memory_space<hbm>>) target_semaphore(%arg21 : memref<!tpu.dma_semaphore, #tpu.memory_space<semaphore_mem>>)
    %dma_start3A_1668 = arith.constant 512 : i32
    %dma_start3A_1669 = tpu.memref_slice %arg19[%dma_start3A_1668] : memref<1024xf32, #tpu.memory_space<vmem>> -> memref<256xf32, #tpu.memory_space<vmem>>
    %dma_start3A_1670 = tpu.memref_slice %arg10[%add3A_1655] : memref<16384xf32, #tpu.memory_space<hbm>> -> memref<256xf32, #tpu.memory_space<hbm>>
    %dma_start3A_1671 = tpu.memref_slice %arg10[%add3A_1655] : memref<16384xf32, #tpu.memory_space<hbm>> -> memref<256xf32, #tpu.memory_space<hbm>>
    %dma_start3A_1672 = arith.constant 512 : i32
    %dma_start3A_1673 = tpu.memref_slice %arg19[%dma_start3A_1672] : memref<1024xf32, #tpu.memory_space<vmem>> -> memref<256xf32, #tpu.memory_space<vmem>>
    tpu.enqueue_dma source(%dma_start3A_1673 : memref<256xf32, #tpu.memory_space<vmem>>) target(%dma_start3A_1671 : memref<256xf32, #tpu.memory_space<hbm>>) target_semaphore(%arg21 : memref<!tpu.dma_semaphore, #tpu.memory_space<semaphore_mem>>)
    %get3A_1674 = arith.constant 768 : index
    %get3A_1675 = tpu.vector_load %arg11[%get3A_1674] {strides = array<i32>} : memref<1024xi32, #tpu.memory_space<vmem>>, vector<16xi32>,
    %get3A_1676 = vector.shape_cast %get3A_1675 : vector<16xi32> to vector<16xi32>
    %lt3A_1677 = arith.constant 0 : i32
    %lt3A_1678 = vector.broadcast %lt3A_1677 : i32 to vector<16xi32>
    %lt3A_1679 = arith.cmpi slt, %get3A_1676, %lt3A_1678 : vector<16xi32>
    %add3A_1680 = arith.constant 16 : i32
    %add3A_1681 = vector.broadcast %add3A_1680 : i32 to vector<16xi32>
    %add3A_1682 = arith.addi %get3A_1676, %add3A_1681 : vector<16xi32>
    %select_n3A_1683 = arith.select %lt3A_1679, %add3A_1682, %get3A_1676 : vector<16xi1>, vector<16xi32>
    %broadcast_in_dim3A_1684 = vector.shape_cast %select_n3A_1683 : vector<16xi32> to vector<16x1xi32>
    %gather3A_1685 = vector.shape_cast %broadcast_in_dim3A_1684 : vector<16x1xi32> to vector<16xi32>
    %gather3A_1686 = tpu.dynamic_gather %gather3A_70[%gather3A_1685] in [0] : vector<16xf32>, vector<16xi32> -> vector<16xf32>
    %mul3A_1687 = arith.mulf %gather3A_1686, %gather3A_83 : vector<16xf32>
    %add3A_1688 = arith.addf %mul3A_1687, %gather3A_96 : vector<16xf32>
    %convert_element_type3A_1689 = arith.sitofp %get3A_1676 : vector<16xi32> to vector<16xf32>
    %mul3A_1690 = arith.mulf %convert_element_type3A_1689, %gather3A_109 : vector<16xf32>
    %add3A_1691 = arith.addf %mul3A_1690, %gather3A_122 : vector<16xf32>
    %swap3A_1692 = arith.constant 768 : index
    %swap3A_1693 = tpu.vector_load %arg17[%swap3A_1692] {strides = array<i32>} : memref<1024xf32, #tpu.memory_space<vmem>>, vector<16xf32>,
    %swap3A_1694 = vector.shape_cast %swap3A_1693 : vector<16xf32> to vector<16xf32>
    %swap3A_1695 = vector.shape_cast %add3A_1688 : vector<16xf32> to vector<16xf32>
    tpu.vector_store %arg17[%swap3A_1692], %swap3A_1695 {strides = array<i32>} : memref<1024xf32, #tpu.memory_space<vmem>>, vector<16xf32>,
    %swap3A_1696 = arith.constant 768 : index
    %swap3A_1697 = tpu.vector_load %arg18[%swap3A_1696] {strides = array<i32>} : memref<1024xf32, #tpu.memory_space<vmem>>, vector<16xf32>,
    %swap3A_1698 = vector.shape_cast %swap3A_1697 : vector<16xf32> to vector<16xf32>
    %swap3A_1699 = vector.shape_cast %add3A_1691 : vector<16xf32> to vector<16xf32>
    tpu.vector_store %arg18[%swap3A_1696], %swap3A_1699 {strides = array<i32>} : memref<1024xf32, #tpu.memory_space<vmem>>, vector<16xf32>,
    %sub3A_1700 = arith.subf %add3A_1688, %add3A_1691 : vector<16xf32>
    %swap3A_1701 = arith.constant 768 : index
    %swap3A_1702 = tpu.vector_load %arg19[%swap3A_1701] {strides = array<i32>} : memref<1024xf32, #tpu.memory_space<vmem>>, vector<16xf32>,
    %swap3A_1703 = vector.shape_cast %swap3A_1702 : vector<16xf32> to vector<16xf32>
    %swap3A_1704 = vector.shape_cast %sub3A_1700 : vector<16xf32> to vector<16xf32>
    tpu.vector_store %arg19[%swap3A_1701], %swap3A_1704 {strides = array<i32>} : memref<1024xf32, #tpu.memory_space<vmem>>, vector<16xf32>,
    %get3A_1705 = arith.constant 784 : index
    %get3A_1706 = tpu.vector_load %arg11[%get3A_1705] {strides = array<i32>} : memref<1024xi32, #tpu.memory_space<vmem>>, vector<16xi32>,
    %get3A_1707 = vector.shape_cast %get3A_1706 : vector<16xi32> to vector<16xi32>
    %lt3A_1708 = arith.constant 0 : i32
    %lt3A_1709 = vector.broadcast %lt3A_1708 : i32 to vector<16xi32>
    %lt3A_1710 = arith.cmpi slt, %get3A_1707, %lt3A_1709 : vector<16xi32>
    %add3A_1711 = arith.constant 16 : i32
    %add3A_1712 = vector.broadcast %add3A_1711 : i32 to vector<16xi32>
    %add3A_1713 = arith.addi %get3A_1707, %add3A_1712 : vector<16xi32>
    %select_n3A_1714 = arith.select %lt3A_1710, %add3A_1713, %get3A_1707 : vector<16xi1>, vector<16xi32>
    %broadcast_in_dim3A_1715 = vector.shape_cast %select_n3A_1714 : vector<16xi32> to vector<16x1xi32>
    %gather3A_1716 = vector.shape_cast %broadcast_in_dim3A_1715 : vector<16x1xi32> to vector<16xi32>
    %gather3A_1717 = tpu.dynamic_gather %gather3A_70[%gather3A_1716] in [0] : vector<16xf32>, vector<16xi32> -> vector<16xf32>
    %mul3A_1718 = arith.mulf %gather3A_1717, %gather3A_83 : vector<16xf32>
    %add3A_1719 = arith.addf %mul3A_1718, %gather3A_96 : vector<16xf32>
    %convert_element_type3A_1720 = arith.sitofp %get3A_1707 : vector<16xi32> to vector<16xf32>
    %mul3A_1721 = arith.mulf %convert_element_type3A_1720, %gather3A_109 : vector<16xf32>
    %add3A_1722 = arith.addf %mul3A_1721, %gather3A_122 : vector<16xf32>
    %swap3A_1723 = arith.constant 784 : index
    %swap3A_1724 = tpu.vector_load %arg17[%swap3A_1723] {strides = array<i32>} : memref<1024xf32, #tpu.memory_space<vmem>>, vector<16xf32>,
    %swap3A_1725 = vector.shape_cast %swap3A_1724 : vector<16xf32> to vector<16xf32>
    %swap3A_1726 = vector.shape_cast %add3A_1719 : vector<16xf32> to vector<16xf32>
    tpu.vector_store %arg17[%swap3A_1723], %swap3A_1726 {strides = array<i32>} : memref<1024xf32, #tpu.memory_space<vmem>>, vector<16xf32>,
    %swap3A_1727 = arith.constant 784 : index
    %swap3A_1728 = tpu.vector_load %arg18[%swap3A_1727] {strides = array<i32>} : memref<1024xf32, #tpu.memory_space<vmem>>, vector<16xf32>,
    %swap3A_1729 = vector.shape_cast %swap3A_1728 : vector<16xf32> to vector<16xf32>
    %swap3A_1730 = vector.shape_cast %add3A_1722 : vector<16xf32> to vector<16xf32>
    tpu.vector_store %arg18[%swap3A_1727], %swap3A_1730 {strides = array<i32>} : memref<1024xf32, #tpu.memory_space<vmem>>, vector<16xf32>,
    %sub3A_1731 = arith.subf %add3A_1719, %add3A_1722 : vector<16xf32>
    %swap3A_1732 = arith.constant 784 : index
    %swap3A_1733 = tpu.vector_load %arg19[%swap3A_1732] {strides = array<i32>} : memref<1024xf32, #tpu.memory_space<vmem>>, vector<16xf32>,
    %swap3A_1734 = vector.shape_cast %swap3A_1733 : vector<16xf32> to vector<16xf32>
    %swap3A_1735 = vector.shape_cast %sub3A_1731 : vector<16xf32> to vector<16xf32>
    tpu.vector_store %arg19[%swap3A_1732], %swap3A_1735 {strides = array<i32>} : memref<1024xf32, #tpu.memory_space<vmem>>, vector<16xf32>,
    %get3A_1736 = arith.constant 800 : index
    %get3A_1737 = tpu.vector_load %arg11[%get3A_1736] {strides = array<i32>} : memref<1024xi32, #tpu.memory_space<vmem>>, vector<16xi32>,
    %get3A_1738 = vector.shape_cast %get3A_1737 : vector<16xi32> to vector<16xi32>
    %lt3A_1739 = arith.constant 0 : i32
    %lt3A_1740 = vector.broadcast %lt3A_1739 : i32 to vector<16xi32>
    %lt3A_1741 = arith.cmpi slt, %get3A_1738, %lt3A_1740 : vector<16xi32>
    %add3A_1742 = arith.constant 16 : i32
    %add3A_1743 = vector.broadcast %add3A_1742 : i32 to vector<16xi32>
    %add3A_1744 = arith.addi %get3A_1738, %add3A_1743 : vector<16xi32>
    %select_n3A_1745 = arith.select %lt3A_1741, %add3A_1744, %get3A_1738 : vector<16xi1>, vector<16xi32>
    %broadcast_in_dim3A_1746 = vector.shape_cast %select_n3A_1745 : vector<16xi32> to vector<16x1xi32>
    %gather3A_1747 = vector.shape_cast %broadcast_in_dim3A_1746 : vector<16x1xi32> to vector<16xi32>
    %gather3A_1748 = tpu.dynamic_gather %gather3A_70[%gather3A_1747] in [0] : vector<16xf32>, vector<16xi32> -> vector<16xf32>
    %mul3A_1749 = arith.mulf %gather3A_1748, %gather3A_83 : vector<16xf32>
    %add3A_1750 = arith.addf %mul3A_1749, %gather3A_96 : vector<16xf32>
    %convert_element_type3A_1751 = arith.sitofp %get3A_1738 : vector<16xi32> to vector<16xf32>
    %mul3A_1752 = arith.mulf %convert_element_type3A_1751, %gather3A_109 : vector<16xf32>
    %add3A_1753 = arith.addf %mul3A_1752, %gather3A_122 : vector<16xf32>
    %swap3A_1754 = arith.constant 800 : index
    %swap3A_1755 = tpu.vector_load %arg17[%swap3A_1754] {strides = array<i32>} : memref<1024xf32, #tpu.memory_space<vmem>>, vector<16xf32>,
    %swap3A_1756 = vector.shape_cast %swap3A_1755 : vector<16xf32> to vector<16xf32>
    %swap3A_1757 = vector.shape_cast %add3A_1750 : vector<16xf32> to vector<16xf32>
    tpu.vector_store %arg17[%swap3A_1754], %swap3A_1757 {strides = array<i32>} : memref<1024xf32, #tpu.memory_space<vmem>>, vector<16xf32>,
    %swap3A_1758 = arith.constant 800 : index
    %swap3A_1759 = tpu.vector_load %arg18[%swap3A_1758] {strides = array<i32>} : memref<1024xf32, #tpu.memory_space<vmem>>, vector<16xf32>,
    %swap3A_1760 = vector.shape_cast %swap3A_1759 : vector<16xf32> to vector<16xf32>
    %swap3A_1761 = vector.shape_cast %add3A_1753 : vector<16xf32> to vector<16xf32>
    tpu.vector_store %arg18[%swap3A_1758], %swap3A_1761 {strides = array<i32>} : memref<1024xf32, #tpu.memory_space<vmem>>, vector<16xf32>,
    %sub3A_1762 = arith.subf %add3A_1750, %add3A_1753 : vector<16xf32>
    %swap3A_1763 = arith.constant 800 : index
    %swap3A_1764 = tpu.vector_load %arg19[%swap3A_1763] {strides = array<i32>} : memref<1024xf32, #tpu.memory_space<vmem>>, vector<16xf32>,
    %swap3A_1765 = vector.shape_cast %swap3A_1764 : vector<16xf32> to vector<16xf32>
    %swap3A_1766 = vector.shape_cast %sub3A_1762 : vector<16xf32> to vector<16xf32>
    tpu.vector_store %arg19[%swap3A_1763], %swap3A_1766 {strides = array<i32>} : memref<1024xf32, #tpu.memory_space<vmem>>, vector<16xf32>,
    %get3A_1767 = arith.constant 816 : index
    %get3A_1768 = tpu.vector_load %arg11[%get3A_1767] {strides = array<i32>} : memref<1024xi32, #tpu.memory_space<vmem>>, vector<16xi32>,
    %get3A_1769 = vector.shape_cast %get3A_1768 : vector<16xi32> to vector<16xi32>
    %lt3A_1770 = arith.constant 0 : i32
    %lt3A_1771 = vector.broadcast %lt3A_1770 : i32 to vector<16xi32>
    %lt3A_1772 = arith.cmpi slt, %get3A_1769, %lt3A_1771 : vector<16xi32>
    %add3A_1773 = arith.constant 16 : i32
    %add3A_1774 = vector.broadcast %add3A_1773 : i32 to vector<16xi32>
    %add3A_1775 = arith.addi %get3A_1769, %add3A_1774 : vector<16xi32>
    %select_n3A_1776 = arith.select %lt3A_1772, %add3A_1775, %get3A_1769 : vector<16xi1>, vector<16xi32>
    %broadcast_in_dim3A_1777 = vector.shape_cast %select_n3A_1776 : vector<16xi32> to vector<16x1xi32>
    %gather3A_1778 = vector.shape_cast %broadcast_in_dim3A_1777 : vector<16x1xi32> to vector<16xi32>
    %gather3A_1779 = tpu.dynamic_gather %gather3A_70[%gather3A_1778] in [0] : vector<16xf32>, vector<16xi32> -> vector<16xf32>
    %mul3A_1780 = arith.mulf %gather3A_1779, %gather3A_83 : vector<16xf32>
    %add3A_1781 = arith.addf %mul3A_1780, %gather3A_96 : vector<16xf32>
    %convert_element_type3A_1782 = arith.sitofp %get3A_1769 : vector<16xi32> to vector<16xf32>
    %mul3A_1783 = arith.mulf %convert_element_type3A_1782, %gather3A_109 : vector<16xf32>
    %add3A_1784 = arith.addf %mul3A_1783, %gather3A_122 : vector<16xf32>
    %swap3A_1785 = arith.constant 816 : index
    %swap3A_1786 = tpu.vector_load %arg17[%swap3A_1785] {strides = array<i32>} : memref<1024xf32, #tpu.memory_space<vmem>>, vector<16xf32>,
    %swap3A_1787 = vector.shape_cast %swap3A_1786 : vector<16xf32> to vector<16xf32>
    %swap3A_1788 = vector.shape_cast %add3A_1781 : vector<16xf32> to vector<16xf32>
    tpu.vector_store %arg17[%swap3A_1785], %swap3A_1788 {strides = array<i32>} : memref<1024xf32, #tpu.memory_space<vmem>>, vector<16xf32>,
    %swap3A_1789 = arith.constant 816 : index
    %swap3A_1790 = tpu.vector_load %arg18[%swap3A_1789] {strides = array<i32>} : memref<1024xf32, #tpu.memory_space<vmem>>, vector<16xf32>,
    %swap3A_1791 = vector.shape_cast %swap3A_1790 : vector<16xf32> to vector<16xf32>
    %swap3A_1792 = vector.shape_cast %add3A_1784 : vector<16xf32> to vector<16xf32>
    tpu.vector_store %arg18[%swap3A_1789], %swap3A_1792 {strides = array<i32>} : memref<1024xf32, #tpu.memory_space<vmem>>, vector<16xf32>,
    %sub3A_1793 = arith.subf %add3A_1781, %add3A_1784 : vector<16xf32>
    %swap3A_1794 = arith.constant 816 : index
    %swap3A_1795 = tpu.vector_load %arg19[%swap3A_1794] {strides = array<i32>} : memref<1024xf32, #tpu.memory_space<vmem>>, vector<16xf32>,
    %swap3A_1796 = vector.shape_cast %swap3A_1795 : vector<16xf32> to vector<16xf32>
    %swap3A_1797 = vector.shape_cast %sub3A_1793 : vector<16xf32> to vector<16xf32>
    tpu.vector_store %arg19[%swap3A_1794], %swap3A_1797 {strides = array<i32>} : memref<1024xf32, #tpu.memory_space<vmem>>, vector<16xf32>,
    %get3A_1798 = arith.constant 832 : index
    %get3A_1799 = tpu.vector_load %arg11[%get3A_1798] {strides = array<i32>} : memref<1024xi32, #tpu.memory_space<vmem>>, vector<16xi32>,
    %get3A_1800 = vector.shape_cast %get3A_1799 : vector<16xi32> to vector<16xi32>
    %lt3A_1801 = arith.constant 0 : i32
    %lt3A_1802 = vector.broadcast %lt3A_1801 : i32 to vector<16xi32>
    %lt3A_1803 = arith.cmpi slt, %get3A_1800, %lt3A_1802 : vector<16xi32>
    %add3A_1804 = arith.constant 16 : i32
    %add3A_1805 = vector.broadcast %add3A_1804 : i32 to vector<16xi32>
    %add3A_1806 = arith.addi %get3A_1800, %add3A_1805 : vector<16xi32>
    %select_n3A_1807 = arith.select %lt3A_1803, %add3A_1806, %get3A_1800 : vector<16xi1>, vector<16xi32>
    %broadcast_in_dim3A_1808 = vector.shape_cast %select_n3A_1807 : vector<16xi32> to vector<16x1xi32>
    %gather3A_1809 = vector.shape_cast %broadcast_in_dim3A_1808 : vector<16x1xi32> to vector<16xi32>
    %gather3A_1810 = tpu.dynamic_gather %gather3A_70[%gather3A_1809] in [0] : vector<16xf32>, vector<16xi32> -> vector<16xf32>
    %mul3A_1811 = arith.mulf %gather3A_1810, %gather3A_83 : vector<16xf32>
    %add3A_1812 = arith.addf %mul3A_1811, %gather3A_96 : vector<16xf32>
    %convert_element_type3A_1813 = arith.sitofp %get3A_1800 : vector<16xi32> to vector<16xf32>
    %mul3A_1814 = arith.mulf %convert_element_type3A_1813, %gather3A_109 : vector<16xf32>
    %add3A_1815 = arith.addf %mul3A_1814, %gather3A_122 : vector<16xf32>
    %swap3A_1816 = arith.constant 832 : index
    %swap3A_1817 = tpu.vector_load %arg17[%swap3A_1816] {strides = array<i32>} : memref<1024xf32, #tpu.memory_space<vmem>>, vector<16xf32>,
    %swap3A_1818 = vector.shape_cast %swap3A_1817 : vector<16xf32> to vector<16xf32>
    %swap3A_1819 = vector.shape_cast %add3A_1812 : vector<16xf32> to vector<16xf32>
    tpu.vector_store %arg17[%swap3A_1816], %swap3A_1819 {strides = array<i32>} : memref<1024xf32, #tpu.memory_space<vmem>>, vector<16xf32>,
    %swap3A_1820 = arith.constant 832 : index
    %swap3A_1821 = tpu.vector_load %arg18[%swap3A_1820] {strides = array<i32>} : memref<1024xf32, #tpu.memory_space<vmem>>, vector<16xf32>,
    %swap3A_1822 = vector.shape_cast %swap3A_1821 : vector<16xf32> to vector<16xf32>
    %swap3A_1823 = vector.shape_cast %add3A_1815 : vector<16xf32> to vector<16xf32>
    tpu.vector_store %arg18[%swap3A_1820], %swap3A_1823 {strides = array<i32>} : memref<1024xf32, #tpu.memory_space<vmem>>, vector<16xf32>,
    %sub3A_1824 = arith.subf %add3A_1812, %add3A_1815 : vector<16xf32>
    %swap3A_1825 = arith.constant 832 : index
    %swap3A_1826 = tpu.vector_load %arg19[%swap3A_1825] {strides = array<i32>} : memref<1024xf32, #tpu.memory_space<vmem>>, vector<16xf32>,
    %swap3A_1827 = vector.shape_cast %swap3A_1826 : vector<16xf32> to vector<16xf32>
    %swap3A_1828 = vector.shape_cast %sub3A_1824 : vector<16xf32> to vector<16xf32>
    tpu.vector_store %arg19[%swap3A_1825], %swap3A_1828 {strides = array<i32>} : memref<1024xf32, #tpu.memory_space<vmem>>, vector<16xf32>,
    %get3A_1829 = arith.constant 848 : index
    %get3A_1830 = tpu.vector_load %arg11[%get3A_1829] {strides = array<i32>} : memref<1024xi32, #tpu.memory_space<vmem>>, vector<16xi32>,
    %get3A_1831 = vector.shape_cast %get3A_1830 : vector<16xi32> to vector<16xi32>
    %lt3A_1832 = arith.constant 0 : i32
    %lt3A_1833 = vector.broadcast %lt3A_1832 : i32 to vector<16xi32>
    %lt3A_1834 = arith.cmpi slt, %get3A_1831, %lt3A_1833 : vector<16xi32>
    %add3A_1835 = arith.constant 16 : i32
    %add3A_1836 = vector.broadcast %add3A_1835 : i32 to vector<16xi32>
    %add3A_1837 = arith.addi %get3A_1831, %add3A_1836 : vector<16xi32>
    %select_n3A_1838 = arith.select %lt3A_1834, %add3A_1837, %get3A_1831 : vector<16xi1>, vector<16xi32>
    %broadcast_in_dim3A_1839 = vector.shape_cast %select_n3A_1838 : vector<16xi32> to vector<16x1xi32>
    %gather3A_1840 = vector.shape_cast %broadcast_in_dim3A_1839 : vector<16x1xi32> to vector<16xi32>
    %gather3A_1841 = tpu.dynamic_gather %gather3A_70[%gather3A_1840] in [0] : vector<16xf32>, vector<16xi32> -> vector<16xf32>
    %mul3A_1842 = arith.mulf %gather3A_1841, %gather3A_83 : vector<16xf32>
    %add3A_1843 = arith.addf %mul3A_1842, %gather3A_96 : vector<16xf32>
    %convert_element_type3A_1844 = arith.sitofp %get3A_1831 : vector<16xi32> to vector<16xf32>
    %mul3A_1845 = arith.mulf %convert_element_type3A_1844, %gather3A_109 : vector<16xf32>
    %add3A_1846 = arith.addf %mul3A_1845, %gather3A_122 : vector<16xf32>
    %swap3A_1847 = arith.constant 848 : index
    %swap3A_1848 = tpu.vector_load %arg17[%swap3A_1847] {strides = array<i32>} : memref<1024xf32, #tpu.memory_space<vmem>>, vector<16xf32>,
    %swap3A_1849 = vector.shape_cast %swap3A_1848 : vector<16xf32> to vector<16xf32>
    %swap3A_1850 = vector.shape_cast %add3A_1843 : vector<16xf32> to vector<16xf32>
    tpu.vector_store %arg17[%swap3A_1847], %swap3A_1850 {strides = array<i32>} : memref<1024xf32, #tpu.memory_space<vmem>>, vector<16xf32>,
    %swap3A_1851 = arith.constant 848 : index
    %swap3A_1852 = tpu.vector_load %arg18[%swap3A_1851] {strides = array<i32>} : memref<1024xf32, #tpu.memory_space<vmem>>, vector<16xf32>,
    %swap3A_1853 = vector.shape_cast %swap3A_1852 : vector<16xf32> to vector<16xf32>
    %swap3A_1854 = vector.shape_cast %add3A_1846 : vector<16xf32> to vector<16xf32>
    tpu.vector_store %arg18[%swap3A_1851], %swap3A_1854 {strides = array<i32>} : memref<1024xf32, #tpu.memory_space<vmem>>, vector<16xf32>,
    %sub3A_1855 = arith.subf %add3A_1843, %add3A_1846 : vector<16xf32>
    %swap3A_1856 = arith.constant 848 : index
    %swap3A_1857 = tpu.vector_load %arg19[%swap3A_1856] {strides = array<i32>} : memref<1024xf32, #tpu.memory_space<vmem>>, vector<16xf32>,
    %swap3A_1858 = vector.shape_cast %swap3A_1857 : vector<16xf32> to vector<16xf32>
    %swap3A_1859 = vector.shape_cast %sub3A_1855 : vector<16xf32> to vector<16xf32>
    tpu.vector_store %arg19[%swap3A_1856], %swap3A_1859 {strides = array<i32>} : memref<1024xf32, #tpu.memory_space<vmem>>, vector<16xf32>,
    %get3A_1860 = arith.constant 864 : index
    %get3A_1861 = tpu.vector_load %arg11[%get3A_1860] {strides = array<i32>} : memref<1024xi32, #tpu.memory_space<vmem>>, vector<16xi32>,
    %get3A_1862 = vector.shape_cast %get3A_1861 : vector<16xi32> to vector<16xi32>
    %lt3A_1863 = arith.constant 0 : i32
    %lt3A_1864 = vector.broadcast %lt3A_1863 : i32 to vector<16xi32>
    %lt3A_1865 = arith.cmpi slt, %get3A_1862, %lt3A_1864 : vector<16xi32>
    %add3A_1866 = arith.constant 16 : i32
    %add3A_1867 = vector.broadcast %add3A_1866 : i32 to vector<16xi32>
    %add3A_1868 = arith.addi %get3A_1862, %add3A_1867 : vector<16xi32>
    %select_n3A_1869 = arith.select %lt3A_1865, %add3A_1868, %get3A_1862 : vector<16xi1>, vector<16xi32>
    %broadcast_in_dim3A_1870 = vector.shape_cast %select_n3A_1869 : vector<16xi32> to vector<16x1xi32>
    %gather3A_1871 = vector.shape_cast %broadcast_in_dim3A_1870 : vector<16x1xi32> to vector<16xi32>
    %gather3A_1872 = tpu.dynamic_gather %gather3A_70[%gather3A_1871] in [0] : vector<16xf32>, vector<16xi32> -> vector<16xf32>
    %mul3A_1873 = arith.mulf %gather3A_1872, %gather3A_83 : vector<16xf32>
    %add3A_1874 = arith.addf %mul3A_1873, %gather3A_96 : vector<16xf32>
    %convert_element_type3A_1875 = arith.sitofp %get3A_1862 : vector<16xi32> to vector<16xf32>
    %mul3A_1876 = arith.mulf %convert_element_type3A_1875, %gather3A_109 : vector<16xf32>
    %add3A_1877 = arith.addf %mul3A_1876, %gather3A_122 : vector<16xf32>
    %swap3A_1878 = arith.constant 864 : index
    %swap3A_1879 = tpu.vector_load %arg17[%swap3A_1878] {strides = array<i32>} : memref<1024xf32, #tpu.memory_space<vmem>>, vector<16xf32>,
    %swap3A_1880 = vector.shape_cast %swap3A_1879 : vector<16xf32> to vector<16xf32>
    %swap3A_1881 = vector.shape_cast %add3A_1874 : vector<16xf32> to vector<16xf32>
    tpu.vector_store %arg17[%swap3A_1878], %swap3A_1881 {strides = array<i32>} : memref<1024xf32, #tpu.memory_space<vmem>>, vector<16xf32>,
    %swap3A_1882 = arith.constant 864 : index
    %swap3A_1883 = tpu.vector_load %arg18[%swap3A_1882] {strides = array<i32>} : memref<1024xf32, #tpu.memory_space<vmem>>, vector<16xf32>,
    %swap3A_1884 = vector.shape_cast %swap3A_1883 : vector<16xf32> to vector<16xf32>
    %swap3A_1885 = vector.shape_cast %add3A_1877 : vector<16xf32> to vector<16xf32>
    tpu.vector_store %arg18[%swap3A_1882], %swap3A_1885 {strides = array<i32>} : memref<1024xf32, #tpu.memory_space<vmem>>, vector<16xf32>,
    %sub3A_1886 = arith.subf %add3A_1874, %add3A_1877 : vector<16xf32>
    %swap3A_1887 = arith.constant 864 : index
    %swap3A_1888 = tpu.vector_load %arg19[%swap3A_1887] {strides = array<i32>} : memref<1024xf32, #tpu.memory_space<vmem>>, vector<16xf32>,
    %swap3A_1889 = vector.shape_cast %swap3A_1888 : vector<16xf32> to vector<16xf32>
    %swap3A_1890 = vector.shape_cast %sub3A_1886 : vector<16xf32> to vector<16xf32>
    tpu.vector_store %arg19[%swap3A_1887], %swap3A_1890 {strides = array<i32>} : memref<1024xf32, #tpu.memory_space<vmem>>, vector<16xf32>,
    %get3A_1891 = arith.constant 880 : index
    %get3A_1892 = tpu.vector_load %arg11[%get3A_1891] {strides = array<i32>} : memref<1024xi32, #tpu.memory_space<vmem>>, vector<16xi32>,
    %get3A_1893 = vector.shape_cast %get3A_1892 : vector<16xi32> to vector<16xi32>
    %lt3A_1894 = arith.constant 0 : i32
    %lt3A_1895 = vector.broadcast %lt3A_1894 : i32 to vector<16xi32>
    %lt3A_1896 = arith.cmpi slt, %get3A_1893, %lt3A_1895 : vector<16xi32>
    %add3A_1897 = arith.constant 16 : i32
    %add3A_1898 = vector.broadcast %add3A_1897 : i32 to vector<16xi32>
    %add3A_1899 = arith.addi %get3A_1893, %add3A_1898 : vector<16xi32>
    %select_n3A_1900 = arith.select %lt3A_1896, %add3A_1899, %get3A_1893 : vector<16xi1>, vector<16xi32>
    %broadcast_in_dim3A_1901 = vector.shape_cast %select_n3A_1900 : vector<16xi32> to vector<16x1xi32>
    %gather3A_1902 = vector.shape_cast %broadcast_in_dim3A_1901 : vector<16x1xi32> to vector<16xi32>
    %gather3A_1903 = tpu.dynamic_gather %gather3A_70[%gather3A_1902] in [0] : vector<16xf32>, vector<16xi32> -> vector<16xf32>
    %mul3A_1904 = arith.mulf %gather3A_1903, %gather3A_83 : vector<16xf32>
    %add3A_1905 = arith.addf %mul3A_1904, %gather3A_96 : vector<16xf32>
    %convert_element_type3A_1906 = arith.sitofp %get3A_1893 : vector<16xi32> to vector<16xf32>
    %mul3A_1907 = arith.mulf %convert_element_type3A_1906, %gather3A_109 : vector<16xf32>
    %add3A_1908 = arith.addf %mul3A_1907, %gather3A_122 : vector<16xf32>
    %swap3A_1909 = arith.constant 880 : index
    %swap3A_1910 = tpu.vector_load %arg17[%swap3A_1909] {strides = array<i32>} : memref<1024xf32, #tpu.memory_space<vmem>>, vector<16xf32>,
    %swap3A_1911 = vector.shape_cast %swap3A_1910 : vector<16xf32> to vector<16xf32>
    %swap3A_1912 = vector.shape_cast %add3A_1905 : vector<16xf32> to vector<16xf32>
    tpu.vector_store %arg17[%swap3A_1909], %swap3A_1912 {strides = array<i32>} : memref<1024xf32, #tpu.memory_space<vmem>>, vector<16xf32>,
    %swap3A_1913 = arith.constant 880 : index
    %swap3A_1914 = tpu.vector_load %arg18[%swap3A_1913] {strides = array<i32>} : memref<1024xf32, #tpu.memory_space<vmem>>, vector<16xf32>,
    %swap3A_1915 = vector.shape_cast %swap3A_1914 : vector<16xf32> to vector<16xf32>
    %swap3A_1916 = vector.shape_cast %add3A_1908 : vector<16xf32> to vector<16xf32>
    tpu.vector_store %arg18[%swap3A_1913], %swap3A_1916 {strides = array<i32>} : memref<1024xf32, #tpu.memory_space<vmem>>, vector<16xf32>,
    %sub3A_1917 = arith.subf %add3A_1905, %add3A_1908 : vector<16xf32>
    %swap3A_1918 = arith.constant 880 : index
    %swap3A_1919 = tpu.vector_load %arg19[%swap3A_1918] {strides = array<i32>} : memref<1024xf32, #tpu.memory_space<vmem>>, vector<16xf32>,
    %swap3A_1920 = vector.shape_cast %swap3A_1919 : vector<16xf32> to vector<16xf32>
    %swap3A_1921 = vector.shape_cast %sub3A_1917 : vector<16xf32> to vector<16xf32>
    tpu.vector_store %arg19[%swap3A_1918], %swap3A_1921 {strides = array<i32>} : memref<1024xf32, #tpu.memory_space<vmem>>, vector<16xf32>,
    %get3A_1922 = arith.constant 896 : index
    %get3A_1923 = tpu.vector_load %arg11[%get3A_1922] {strides = array<i32>} : memref<1024xi32, #tpu.memory_space<vmem>>, vector<16xi32>,
    %get3A_1924 = vector.shape_cast %get3A_1923 : vector<16xi32> to vector<16xi32>
    %lt3A_1925 = arith.constant 0 : i32
    %lt3A_1926 = vector.broadcast %lt3A_1925 : i32 to vector<16xi32>
    %lt3A_1927 = arith.cmpi slt, %get3A_1924, %lt3A_1926 : vector<16xi32>
    %add3A_1928 = arith.constant 16 : i32
    %add3A_1929 = vector.broadcast %add3A_1928 : i32 to vector<16xi32>
    %add3A_1930 = arith.addi %get3A_1924, %add3A_1929 : vector<16xi32>
    %select_n3A_1931 = arith.select %lt3A_1927, %add3A_1930, %get3A_1924 : vector<16xi1>, vector<16xi32>
    %broadcast_in_dim3A_1932 = vector.shape_cast %select_n3A_1931 : vector<16xi32> to vector<16x1xi32>
    %gather3A_1933 = vector.shape_cast %broadcast_in_dim3A_1932 : vector<16x1xi32> to vector<16xi32>
    %gather3A_1934 = tpu.dynamic_gather %gather3A_70[%gather3A_1933] in [0] : vector<16xf32>, vector<16xi32> -> vector<16xf32>
    %mul3A_1935 = arith.mulf %gather3A_1934, %gather3A_83 : vector<16xf32>
    %add3A_1936 = arith.addf %mul3A_1935, %gather3A_96 : vector<16xf32>
    %convert_element_type3A_1937 = arith.sitofp %get3A_1924 : vector<16xi32> to vector<16xf32>
    %mul3A_1938 = arith.mulf %convert_element_type3A_1937, %gather3A_109 : vector<16xf32>
    %add3A_1939 = arith.addf %mul3A_1938, %gather3A_122 : vector<16xf32>
    %swap3A_1940 = arith.constant 896 : index
    %swap3A_1941 = tpu.vector_load %arg17[%swap3A_1940] {strides = array<i32>} : memref<1024xf32, #tpu.memory_space<vmem>>, vector<16xf32>,
    %swap3A_1942 = vector.shape_cast %swap3A_1941 : vector<16xf32> to vector<16xf32>
    %swap3A_1943 = vector.shape_cast %add3A_1936 : vector<16xf32> to vector<16xf32>
    tpu.vector_store %arg17[%swap3A_1940], %swap3A_1943 {strides = array<i32>} : memref<1024xf32, #tpu.memory_space<vmem>>, vector<16xf32>,
    %swap3A_1944 = arith.constant 896 : index
    %swap3A_1945 = tpu.vector_load %arg18[%swap3A_1944] {strides = array<i32>} : memref<1024xf32, #tpu.memory_space<vmem>>, vector<16xf32>,
    %swap3A_1946 = vector.shape_cast %swap3A_1945 : vector<16xf32> to vector<16xf32>
    %swap3A_1947 = vector.shape_cast %add3A_1939 : vector<16xf32> to vector<16xf32>
    tpu.vector_store %arg18[%swap3A_1944], %swap3A_1947 {strides = array<i32>} : memref<1024xf32, #tpu.memory_space<vmem>>, vector<16xf32>,
    %sub3A_1948 = arith.subf %add3A_1936, %add3A_1939 : vector<16xf32>
    %swap3A_1949 = arith.constant 896 : index
    %swap3A_1950 = tpu.vector_load %arg19[%swap3A_1949] {strides = array<i32>} : memref<1024xf32, #tpu.memory_space<vmem>>, vector<16xf32>,
    %swap3A_1951 = vector.shape_cast %swap3A_1950 : vector<16xf32> to vector<16xf32>
    %swap3A_1952 = vector.shape_cast %sub3A_1948 : vector<16xf32> to vector<16xf32>
    tpu.vector_store %arg19[%swap3A_1949], %swap3A_1952 {strides = array<i32>} : memref<1024xf32, #tpu.memory_space<vmem>>, vector<16xf32>,
    %get3A_1953 = arith.constant 912 : index
    %get3A_1954 = tpu.vector_load %arg11[%get3A_1953] {strides = array<i32>} : memref<1024xi32, #tpu.memory_space<vmem>>, vector<16xi32>,
    %get3A_1955 = vector.shape_cast %get3A_1954 : vector<16xi32> to vector<16xi32>
    %lt3A_1956 = arith.constant 0 : i32
    %lt3A_1957 = vector.broadcast %lt3A_1956 : i32 to vector<16xi32>
    %lt3A_1958 = arith.cmpi slt, %get3A_1955, %lt3A_1957 : vector<16xi32>
    %add3A_1959 = arith.constant 16 : i32
    %add3A_1960 = vector.broadcast %add3A_1959 : i32 to vector<16xi32>
    %add3A_1961 = arith.addi %get3A_1955, %add3A_1960 : vector<16xi32>
    %select_n3A_1962 = arith.select %lt3A_1958, %add3A_1961, %get3A_1955 : vector<16xi1>, vector<16xi32>
    %broadcast_in_dim3A_1963 = vector.shape_cast %select_n3A_1962 : vector<16xi32> to vector<16x1xi32>
    %gather3A_1964 = vector.shape_cast %broadcast_in_dim3A_1963 : vector<16x1xi32> to vector<16xi32>
    %gather3A_1965 = tpu.dynamic_gather %gather3A_70[%gather3A_1964] in [0] : vector<16xf32>, vector<16xi32> -> vector<16xf32>
    %mul3A_1966 = arith.mulf %gather3A_1965, %gather3A_83 : vector<16xf32>
    %add3A_1967 = arith.addf %mul3A_1966, %gather3A_96 : vector<16xf32>
    %convert_element_type3A_1968 = arith.sitofp %get3A_1955 : vector<16xi32> to vector<16xf32>
    %mul3A_1969 = arith.mulf %convert_element_type3A_1968, %gather3A_109 : vector<16xf32>
    %add3A_1970 = arith.addf %mul3A_1969, %gather3A_122 : vector<16xf32>
    %swap3A_1971 = arith.constant 912 : index
    %swap3A_1972 = tpu.vector_load %arg17[%swap3A_1971] {strides = array<i32>} : memref<1024xf32, #tpu.memory_space<vmem>>, vector<16xf32>,
    %swap3A_1973 = vector.shape_cast %swap3A_1972 : vector<16xf32> to vector<16xf32>
    %swap3A_1974 = vector.shape_cast %add3A_1967 : vector<16xf32> to vector<16xf32>
    tpu.vector_store %arg17[%swap3A_1971], %swap3A_1974 {strides = array<i32>} : memref<1024xf32, #tpu.memory_space<vmem>>, vector<16xf32>,
    %swap3A_1975 = arith.constant 912 : index
    %swap3A_1976 = tpu.vector_load %arg18[%swap3A_1975] {strides = array<i32>} : memref<1024xf32, #tpu.memory_space<vmem>>, vector<16xf32>,
    %swap3A_1977 = vector.shape_cast %swap3A_1976 : vector<16xf32> to vector<16xf32>
    %swap3A_1978 = vector.shape_cast %add3A_1970 : vector<16xf32> to vector<16xf32>
    tpu.vector_store %arg18[%swap3A_1975], %swap3A_1978 {strides = array<i32>} : memref<1024xf32, #tpu.memory_space<vmem>>, vector<16xf32>,
    %sub3A_1979 = arith.subf %add3A_1967, %add3A_1970 : vector<16xf32>
    %swap3A_1980 = arith.constant 912 : index
    %swap3A_1981 = tpu.vector_load %arg19[%swap3A_1980] {strides = array<i32>} : memref<1024xf32, #tpu.memory_space<vmem>>, vector<16xf32>,
    %swap3A_1982 = vector.shape_cast %swap3A_1981 : vector<16xf32> to vector<16xf32>
    %swap3A_1983 = vector.shape_cast %sub3A_1979 : vector<16xf32> to vector<16xf32>
    tpu.vector_store %arg19[%swap3A_1980], %swap3A_1983 {strides = array<i32>} : memref<1024xf32, #tpu.memory_space<vmem>>, vector<16xf32>,
    %get3A_1984 = arith.constant 928 : index
    %get3A_1985 = tpu.vector_load %arg11[%get3A_1984] {strides = array<i32>} : memref<1024xi32, #tpu.memory_space<vmem>>, vector<16xi32>,
    %get3A_1986 = vector.shape_cast %get3A_1985 : vector<16xi32> to vector<16xi32>
    %lt3A_1987 = arith.constant 0 : i32
    %lt3A_1988 = vector.broadcast %lt3A_1987 : i32 to vector<16xi32>
    %lt3A_1989 = arith.cmpi slt, %get3A_1986, %lt3A_1988 : vector<16xi32>
    %add3A_1990 = arith.constant 16 : i32
    %add3A_1991 = vector.broadcast %add3A_1990 : i32 to vector<16xi32>
    %add3A_1992 = arith.addi %get3A_1986, %add3A_1991 : vector<16xi32>
    %select_n3A_1993 = arith.select %lt3A_1989, %add3A_1992, %get3A_1986 : vector<16xi1>, vector<16xi32>
    %broadcast_in_dim3A_1994 = vector.shape_cast %select_n3A_1993 : vector<16xi32> to vector<16x1xi32>
    %gather3A_1995 = vector.shape_cast %broadcast_in_dim3A_1994 : vector<16x1xi32> to vector<16xi32>
    %gather3A_1996 = tpu.dynamic_gather %gather3A_70[%gather3A_1995] in [0] : vector<16xf32>, vector<16xi32> -> vector<16xf32>
    %mul3A_1997 = arith.mulf %gather3A_1996, %gather3A_83 : vector<16xf32>
    %add3A_1998 = arith.addf %mul3A_1997, %gather3A_96 : vector<16xf32>
    %convert_element_type3A_1999 = arith.sitofp %get3A_1986 : vector<16xi32> to vector<16xf32>
    %mul3A_2000 = arith.mulf %convert_element_type3A_1999, %gather3A_109 : vector<16xf32>
    %add3A_2001 = arith.addf %mul3A_2000, %gather3A_122 : vector<16xf32>
    %swap3A_2002 = arith.constant 928 : index
    %swap3A_2003 = tpu.vector_load %arg17[%swap3A_2002] {strides = array<i32>} : memref<1024xf32, #tpu.memory_space<vmem>>, vector<16xf32>,
    %swap3A_2004 = vector.shape_cast %swap3A_2003 : vector<16xf32> to vector<16xf32>
    %swap3A_2005 = vector.shape_cast %add3A_1998 : vector<16xf32> to vector<16xf32>
    tpu.vector_store %arg17[%swap3A_2002], %swap3A_2005 {strides = array<i32>} : memref<1024xf32, #tpu.memory_space<vmem>>, vector<16xf32>,
    %swap3A_2006 = arith.constant 928 : index
    %swap3A_2007 = tpu.vector_load %arg18[%swap3A_2006] {strides = array<i32>} : memref<1024xf32, #tpu.memory_space<vmem>>, vector<16xf32>,
    %swap3A_2008 = vector.shape_cast %swap3A_2007 : vector<16xf32> to vector<16xf32>
    %swap3A_2009 = vector.shape_cast %add3A_2001 : vector<16xf32> to vector<16xf32>
    tpu.vector_store %arg18[%swap3A_2006], %swap3A_2009 {strides = array<i32>} : memref<1024xf32, #tpu.memory_space<vmem>>, vector<16xf32>,
    %sub3A_2010 = arith.subf %add3A_1998, %add3A_2001 : vector<16xf32>
    %swap3A_2011 = arith.constant 928 : index
    %swap3A_2012 = tpu.vector_load %arg19[%swap3A_2011] {strides = array<i32>} : memref<1024xf32, #tpu.memory_space<vmem>>, vector<16xf32>,
    %swap3A_2013 = vector.shape_cast %swap3A_2012 : vector<16xf32> to vector<16xf32>
    %swap3A_2014 = vector.shape_cast %sub3A_2010 : vector<16xf32> to vector<16xf32>
    tpu.vector_store %arg19[%swap3A_2011], %swap3A_2014 {strides = array<i32>} : memref<1024xf32, #tpu.memory_space<vmem>>, vector<16xf32>,
    %get3A_2015 = arith.constant 944 : index
    %get3A_2016 = tpu.vector_load %arg11[%get3A_2015] {strides = array<i32>} : memref<1024xi32, #tpu.memory_space<vmem>>, vector<16xi32>,
    %get3A_2017 = vector.shape_cast %get3A_2016 : vector<16xi32> to vector<16xi32>
    %lt3A_2018 = arith.constant 0 : i32
    %lt3A_2019 = vector.broadcast %lt3A_2018 : i32 to vector<16xi32>
    %lt3A_2020 = arith.cmpi slt, %get3A_2017, %lt3A_2019 : vector<16xi32>
    %add3A_2021 = arith.constant 16 : i32
    %add3A_2022 = vector.broadcast %add3A_2021 : i32 to vector<16xi32>
    %add3A_2023 = arith.addi %get3A_2017, %add3A_2022 : vector<16xi32>
    %select_n3A_2024 = arith.select %lt3A_2020, %add3A_2023, %get3A_2017 : vector<16xi1>, vector<16xi32>
    %broadcast_in_dim3A_2025 = vector.shape_cast %select_n3A_2024 : vector<16xi32> to vector<16x1xi32>
    %gather3A_2026 = vector.shape_cast %broadcast_in_dim3A_2025 : vector<16x1xi32> to vector<16xi32>
    %gather3A_2027 = tpu.dynamic_gather %gather3A_70[%gather3A_2026] in [0] : vector<16xf32>, vector<16xi32> -> vector<16xf32>
    %mul3A_2028 = arith.mulf %gather3A_2027, %gather3A_83 : vector<16xf32>
    %add3A_2029 = arith.addf %mul3A_2028, %gather3A_96 : vector<16xf32>
    %convert_element_type3A_2030 = arith.sitofp %get3A_2017 : vector<16xi32> to vector<16xf32>
    %mul3A_2031 = arith.mulf %convert_element_type3A_2030, %gather3A_109 : vector<16xf32>
    %add3A_2032 = arith.addf %mul3A_2031, %gather3A_122 : vector<16xf32>
    %swap3A_2033 = arith.constant 944 : index
    %swap3A_2034 = tpu.vector_load %arg17[%swap3A_2033] {strides = array<i32>} : memref<1024xf32, #tpu.memory_space<vmem>>, vector<16xf32>,
    %swap3A_2035 = vector.shape_cast %swap3A_2034 : vector<16xf32> to vector<16xf32>
    %swap3A_2036 = vector.shape_cast %add3A_2029 : vector<16xf32> to vector<16xf32>
    tpu.vector_store %arg17[%swap3A_2033], %swap3A_2036 {strides = array<i32>} : memref<1024xf32, #tpu.memory_space<vmem>>, vector<16xf32>,
    %swap3A_2037 = arith.constant 944 : index
    %swap3A_2038 = tpu.vector_load %arg18[%swap3A_2037] {strides = array<i32>} : memref<1024xf32, #tpu.memory_space<vmem>>, vector<16xf32>,
    %swap3A_2039 = vector.shape_cast %swap3A_2038 : vector<16xf32> to vector<16xf32>
    %swap3A_2040 = vector.shape_cast %add3A_2032 : vector<16xf32> to vector<16xf32>
    tpu.vector_store %arg18[%swap3A_2037], %swap3A_2040 {strides = array<i32>} : memref<1024xf32, #tpu.memory_space<vmem>>, vector<16xf32>,
    %sub3A_2041 = arith.subf %add3A_2029, %add3A_2032 : vector<16xf32>
    %swap3A_2042 = arith.constant 944 : index
    %swap3A_2043 = tpu.vector_load %arg19[%swap3A_2042] {strides = array<i32>} : memref<1024xf32, #tpu.memory_space<vmem>>, vector<16xf32>,
    %swap3A_2044 = vector.shape_cast %swap3A_2043 : vector<16xf32> to vector<16xf32>
    %swap3A_2045 = vector.shape_cast %sub3A_2041 : vector<16xf32> to vector<16xf32>
    tpu.vector_store %arg19[%swap3A_2042], %swap3A_2045 {strides = array<i32>} : memref<1024xf32, #tpu.memory_space<vmem>>, vector<16xf32>,
    %get3A_2046 = arith.constant 960 : index
    %get3A_2047 = tpu.vector_load %arg11[%get3A_2046] {strides = array<i32>} : memref<1024xi32, #tpu.memory_space<vmem>>, vector<16xi32>,
    %get3A_2048 = vector.shape_cast %get3A_2047 : vector<16xi32> to vector<16xi32>
    %lt3A_2049 = arith.constant 0 : i32
    %lt3A_2050 = vector.broadcast %lt3A_2049 : i32 to vector<16xi32>
    %lt3A_2051 = arith.cmpi slt, %get3A_2048, %lt3A_2050 : vector<16xi32>
    %add3A_2052 = arith.constant 16 : i32
    %add3A_2053 = vector.broadcast %add3A_2052 : i32 to vector<16xi32>
    %add3A_2054 = arith.addi %get3A_2048, %add3A_2053 : vector<16xi32>
    %select_n3A_2055 = arith.select %lt3A_2051, %add3A_2054, %get3A_2048 : vector<16xi1>, vector<16xi32>
    %broadcast_in_dim3A_2056 = vector.shape_cast %select_n3A_2055 : vector<16xi32> to vector<16x1xi32>
    %gather3A_2057 = vector.shape_cast %broadcast_in_dim3A_2056 : vector<16x1xi32> to vector<16xi32>
    %gather3A_2058 = tpu.dynamic_gather %gather3A_70[%gather3A_2057] in [0] : vector<16xf32>, vector<16xi32> -> vector<16xf32>
    %mul3A_2059 = arith.mulf %gather3A_2058, %gather3A_83 : vector<16xf32>
    %add3A_2060 = arith.addf %mul3A_2059, %gather3A_96 : vector<16xf32>
    %convert_element_type3A_2061 = arith.sitofp %get3A_2048 : vector<16xi32> to vector<16xf32>
    %mul3A_2062 = arith.mulf %convert_element_type3A_2061, %gather3A_109 : vector<16xf32>
    %add3A_2063 = arith.addf %mul3A_2062, %gather3A_122 : vector<16xf32>
    %swap3A_2064 = arith.constant 960 : index
    %swap3A_2065 = tpu.vector_load %arg17[%swap3A_2064] {strides = array<i32>} : memref<1024xf32, #tpu.memory_space<vmem>>, vector<16xf32>,
    %swap3A_2066 = vector.shape_cast %swap3A_2065 : vector<16xf32> to vector<16xf32>
    %swap3A_2067 = vector.shape_cast %add3A_2060 : vector<16xf32> to vector<16xf32>
    tpu.vector_store %arg17[%swap3A_2064], %swap3A_2067 {strides = array<i32>} : memref<1024xf32, #tpu.memory_space<vmem>>, vector<16xf32>,
    %swap3A_2068 = arith.constant 960 : index
    %swap3A_2069 = tpu.vector_load %arg18[%swap3A_2068] {strides = array<i32>} : memref<1024xf32, #tpu.memory_space<vmem>>, vector<16xf32>,
    %swap3A_2070 = vector.shape_cast %swap3A_2069 : vector<16xf32> to vector<16xf32>
    %swap3A_2071 = vector.shape_cast %add3A_2063 : vector<16xf32> to vector<16xf32>
    tpu.vector_store %arg18[%swap3A_2068], %swap3A_2071 {strides = array<i32>} : memref<1024xf32, #tpu.memory_space<vmem>>, vector<16xf32>,
    %sub3A_2072 = arith.subf %add3A_2060, %add3A_2063 : vector<16xf32>
    %swap3A_2073 = arith.constant 960 : index
    %swap3A_2074 = tpu.vector_load %arg19[%swap3A_2073] {strides = array<i32>} : memref<1024xf32, #tpu.memory_space<vmem>>, vector<16xf32>,
    %swap3A_2075 = vector.shape_cast %swap3A_2074 : vector<16xf32> to vector<16xf32>
    %swap3A_2076 = vector.shape_cast %sub3A_2072 : vector<16xf32> to vector<16xf32>
    tpu.vector_store %arg19[%swap3A_2073], %swap3A_2076 {strides = array<i32>} : memref<1024xf32, #tpu.memory_space<vmem>>, vector<16xf32>,
    %get3A_2077 = arith.constant 976 : index
    %get3A_2078 = tpu.vector_load %arg11[%get3A_2077] {strides = array<i32>} : memref<1024xi32, #tpu.memory_space<vmem>>, vector<16xi32>,
    %get3A_2079 = vector.shape_cast %get3A_2078 : vector<16xi32> to vector<16xi32>
    %lt3A_2080 = arith.constant 0 : i32
    %lt3A_2081 = vector.broadcast %lt3A_2080 : i32 to vector<16xi32>
    %lt3A_2082 = arith.cmpi slt, %get3A_2079, %lt3A_2081 : vector<16xi32>
    %add3A_2083 = arith.constant 16 : i32
    %add3A_2084 = vector.broadcast %add3A_2083 : i32 to vector<16xi32>
    %add3A_2085 = arith.addi %get3A_2079, %add3A_2084 : vector<16xi32>
    %select_n3A_2086 = arith.select %lt3A_2082, %add3A_2085, %get3A_2079 : vector<16xi1>, vector<16xi32>
    %broadcast_in_dim3A_2087 = vector.shape_cast %select_n3A_2086 : vector<16xi32> to vector<16x1xi32>
    %gather3A_2088 = vector.shape_cast %broadcast_in_dim3A_2087 : vector<16x1xi32> to vector<16xi32>
    %gather3A_2089 = tpu.dynamic_gather %gather3A_70[%gather3A_2088] in [0] : vector<16xf32>, vector<16xi32> -> vector<16xf32>
    %mul3A_2090 = arith.mulf %gather3A_2089, %gather3A_83 : vector<16xf32>
    %add3A_2091 = arith.addf %mul3A_2090, %gather3A_96 : vector<16xf32>
    %convert_element_type3A_2092 = arith.sitofp %get3A_2079 : vector<16xi32> to vector<16xf32>
    %mul3A_2093 = arith.mulf %convert_element_type3A_2092, %gather3A_109 : vector<16xf32>
    %add3A_2094 = arith.addf %mul3A_2093, %gather3A_122 : vector<16xf32>
    %swap3A_2095 = arith.constant 976 : index
    %swap3A_2096 = tpu.vector_load %arg17[%swap3A_2095] {strides = array<i32>} : memref<1024xf32, #tpu.memory_space<vmem>>, vector<16xf32>,
    %swap3A_2097 = vector.shape_cast %swap3A_2096 : vector<16xf32> to vector<16xf32>
    %swap3A_2098 = vector.shape_cast %add3A_2091 : vector<16xf32> to vector<16xf32>
    tpu.vector_store %arg17[%swap3A_2095], %swap3A_2098 {strides = array<i32>} : memref<1024xf32, #tpu.memory_space<vmem>>, vector<16xf32>,
    %swap3A_2099 = arith.constant 976 : index
    %swap3A_2100 = tpu.vector_load %arg18[%swap3A_2099] {strides = array<i32>} : memref<1024xf32, #tpu.memory_space<vmem>>, vector<16xf32>,
    %swap3A_2101 = vector.shape_cast %swap3A_2100 : vector<16xf32> to vector<16xf32>
    %swap3A_2102 = vector.shape_cast %add3A_2094 : vector<16xf32> to vector<16xf32>
    tpu.vector_store %arg18[%swap3A_2099], %swap3A_2102 {strides = array<i32>} : memref<1024xf32, #tpu.memory_space<vmem>>, vector<16xf32>,
    %sub3A_2103 = arith.subf %add3A_2091, %add3A_2094 : vector<16xf32>
    %swap3A_2104 = arith.constant 976 : index
    %swap3A_2105 = tpu.vector_load %arg19[%swap3A_2104] {strides = array<i32>} : memref<1024xf32, #tpu.memory_space<vmem>>, vector<16xf32>,
    %swap3A_2106 = vector.shape_cast %swap3A_2105 : vector<16xf32> to vector<16xf32>
    %swap3A_2107 = vector.shape_cast %sub3A_2103 : vector<16xf32> to vector<16xf32>
    tpu.vector_store %arg19[%swap3A_2104], %swap3A_2107 {strides = array<i32>} : memref<1024xf32, #tpu.memory_space<vmem>>, vector<16xf32>,
    %get3A_2108 = arith.constant 992 : index
    %get3A_2109 = tpu.vector_load %arg11[%get3A_2108] {strides = array<i32>} : memref<1024xi32, #tpu.memory_space<vmem>>, vector<16xi32>,
    %get3A_2110 = vector.shape_cast %get3A_2109 : vector<16xi32> to vector<16xi32>
    %lt3A_2111 = arith.constant 0 : i32
    %lt3A_2112 = vector.broadcast %lt3A_2111 : i32 to vector<16xi32>
    %lt3A_2113 = arith.cmpi slt, %get3A_2110, %lt3A_2112 : vector<16xi32>
    %add3A_2114 = arith.constant 16 : i32
    %add3A_2115 = vector.broadcast %add3A_2114 : i32 to vector<16xi32>
    %add3A_2116 = arith.addi %get3A_2110, %add3A_2115 : vector<16xi32>
    %select_n3A_2117 = arith.select %lt3A_2113, %add3A_2116, %get3A_2110 : vector<16xi1>, vector<16xi32>
    %broadcast_in_dim3A_2118 = vector.shape_cast %select_n3A_2117 : vector<16xi32> to vector<16x1xi32>
    %gather3A_2119 = vector.shape_cast %broadcast_in_dim3A_2118 : vector<16x1xi32> to vector<16xi32>
    %gather3A_2120 = tpu.dynamic_gather %gather3A_70[%gather3A_2119] in [0] : vector<16xf32>, vector<16xi32> -> vector<16xf32>
    %mul3A_2121 = arith.mulf %gather3A_2120, %gather3A_83 : vector<16xf32>
    %add3A_2122 = arith.addf %mul3A_2121, %gather3A_96 : vector<16xf32>
    %convert_element_type3A_2123 = arith.sitofp %get3A_2110 : vector<16xi32> to vector<16xf32>
    %mul3A_2124 = arith.mulf %convert_element_type3A_2123, %gather3A_109 : vector<16xf32>
    %add3A_2125 = arith.addf %mul3A_2124, %gather3A_122 : vector<16xf32>
    %swap3A_2126 = arith.constant 992 : index
    %swap3A_2127 = tpu.vector_load %arg17[%swap3A_2126] {strides = array<i32>} : memref<1024xf32, #tpu.memory_space<vmem>>, vector<16xf32>,
    %swap3A_2128 = vector.shape_cast %swap3A_2127 : vector<16xf32> to vector<16xf32>
    %swap3A_2129 = vector.shape_cast %add3A_2122 : vector<16xf32> to vector<16xf32>
    tpu.vector_store %arg17[%swap3A_2126], %swap3A_2129 {strides = array<i32>} : memref<1024xf32, #tpu.memory_space<vmem>>, vector<16xf32>,
    %swap3A_2130 = arith.constant 992 : index
    %swap3A_2131 = tpu.vector_load %arg18[%swap3A_2130] {strides = array<i32>} : memref<1024xf32, #tpu.memory_space<vmem>>, vector<16xf32>,
    %swap3A_2132 = vector.shape_cast %swap3A_2131 : vector<16xf32> to vector<16xf32>
    %swap3A_2133 = vector.shape_cast %add3A_2125 : vector<16xf32> to vector<16xf32>
    tpu.vector_store %arg18[%swap3A_2130], %swap3A_2133 {strides = array<i32>} : memref<1024xf32, #tpu.memory_space<vmem>>, vector<16xf32>,
    %sub3A_2134 = arith.subf %add3A_2122, %add3A_2125 : vector<16xf32>
    %swap3A_2135 = arith.constant 992 : index
    %swap3A_2136 = tpu.vector_load %arg19[%swap3A_2135] {strides = array<i32>} : memref<1024xf32, #tpu.memory_space<vmem>>, vector<16xf32>,
    %swap3A_2137 = vector.shape_cast %swap3A_2136 : vector<16xf32> to vector<16xf32>
    %swap3A_2138 = vector.shape_cast %sub3A_2134 : vector<16xf32> to vector<16xf32>
    tpu.vector_store %arg19[%swap3A_2135], %swap3A_2138 {strides = array<i32>} : memref<1024xf32, #tpu.memory_space<vmem>>, vector<16xf32>,
    %get3A_2139 = arith.constant 1008 : index
    %get3A_2140 = tpu.vector_load %arg11[%get3A_2139] {strides = array<i32>} : memref<1024xi32, #tpu.memory_space<vmem>>, vector<16xi32>,
    %get3A_2141 = vector.shape_cast %get3A_2140 : vector<16xi32> to vector<16xi32>
    %lt3A_2142 = arith.constant 0 : i32
    %lt3A_2143 = vector.broadcast %lt3A_2142 : i32 to vector<16xi32>
    %lt3A_2144 = arith.cmpi slt, %get3A_2141, %lt3A_2143 : vector<16xi32>
    %add3A_2145 = arith.constant 16 : i32
    %add3A_2146 = vector.broadcast %add3A_2145 : i32 to vector<16xi32>
    %add3A_2147 = arith.addi %get3A_2141, %add3A_2146 : vector<16xi32>
    %select_n3A_2148 = arith.select %lt3A_2144, %add3A_2147, %get3A_2141 : vector<16xi1>, vector<16xi32>
    %broadcast_in_dim3A_2149 = vector.shape_cast %select_n3A_2148 : vector<16xi32> to vector<16x1xi32>
    %gather3A_2150 = vector.shape_cast %broadcast_in_dim3A_2149 : vector<16x1xi32> to vector<16xi32>
    %gather3A_2151 = tpu.dynamic_gather %gather3A_70[%gather3A_2150] in [0] : vector<16xf32>, vector<16xi32> -> vector<16xf32>
    %mul3A_2152 = arith.mulf %gather3A_2151, %gather3A_83 : vector<16xf32>
    %add3A_2153 = arith.addf %mul3A_2152, %gather3A_96 : vector<16xf32>
    %convert_element_type3A_2154 = arith.sitofp %get3A_2141 : vector<16xi32> to vector<16xf32>
    %mul3A_2155 = arith.mulf %convert_element_type3A_2154, %gather3A_109 : vector<16xf32>
    %add3A_2156 = arith.addf %mul3A_2155, %gather3A_122 : vector<16xf32>
    %swap3A_2157 = arith.constant 1008 : index
    %swap3A_2158 = tpu.vector_load %arg17[%swap3A_2157] {strides = array<i32>} : memref<1024xf32, #tpu.memory_space<vmem>>, vector<16xf32>,
    %swap3A_2159 = vector.shape_cast %swap3A_2158 : vector<16xf32> to vector<16xf32>
    %swap3A_2160 = vector.shape_cast %add3A_2153 : vector<16xf32> to vector<16xf32>
    tpu.vector_store %arg17[%swap3A_2157], %swap3A_2160 {strides = array<i32>} : memref<1024xf32, #tpu.memory_space<vmem>>, vector<16xf32>,
    %swap3A_2161 = arith.constant 1008 : index
    %swap3A_2162 = tpu.vector_load %arg18[%swap3A_2161] {strides = array<i32>} : memref<1024xf32, #tpu.memory_space<vmem>>, vector<16xf32>,
    %swap3A_2163 = vector.shape_cast %swap3A_2162 : vector<16xf32> to vector<16xf32>
    %swap3A_2164 = vector.shape_cast %add3A_2156 : vector<16xf32> to vector<16xf32>
    tpu.vector_store %arg18[%swap3A_2161], %swap3A_2164 {strides = array<i32>} : memref<1024xf32, #tpu.memory_space<vmem>>, vector<16xf32>,
    %sub3A_2165 = arith.subf %add3A_2153, %add3A_2156 : vector<16xf32>
    %swap3A_2166 = arith.constant 1008 : index
    %swap3A_2167 = tpu.vector_load %arg19[%swap3A_2166] {strides = array<i32>} : memref<1024xf32, #tpu.memory_space<vmem>>, vector<16xf32>,
    %swap3A_2168 = vector.shape_cast %swap3A_2167 : vector<16xf32> to vector<16xf32>
    %swap3A_2169 = vector.shape_cast %sub3A_2165 : vector<16xf32> to vector<16xf32>
    tpu.vector_store %arg19[%swap3A_2166], %swap3A_2169 {strides = array<i32>} : memref<1024xf32, #tpu.memory_space<vmem>>, vector<16xf32>,
    %add3A_2170 = arith.constant 768 : i32
    %add3A_2171 = arith.addi %mul3A_2, %add3A_2170 : i32
    %dma_start3A_2172 = arith.constant 768 : i32
    %dma_start3A_2173 = tpu.memref_slice %arg17[%dma_start3A_2172] : memref<1024xf32, #tpu.memory_space<vmem>> -> memref<256xf32, #tpu.memory_space<vmem>>
    %dma_start3A_2174 = tpu.memref_slice %arg8[%add3A_2171] : memref<16384xf32, #tpu.memory_space<hbm>> -> memref<256xf32, #tpu.memory_space<hbm>>
    %dma_start3A_2175 = tpu.memref_slice %arg8[%add3A_2171] : memref<16384xf32, #tpu.memory_space<hbm>> -> memref<256xf32, #tpu.memory_space<hbm>>
    %dma_start3A_2176 = arith.constant 768 : i32
    %dma_start3A_2177 = tpu.memref_slice %arg17[%dma_start3A_2176] : memref<1024xf32, #tpu.memory_space<vmem>> -> memref<256xf32, #tpu.memory_space<vmem>>
    tpu.enqueue_dma source(%dma_start3A_2177 : memref<256xf32, #tpu.memory_space<vmem>>) target(%dma_start3A_2175 : memref<256xf32, #tpu.memory_space<hbm>>) target_semaphore(%arg21 : memref<!tpu.dma_semaphore, #tpu.memory_space<semaphore_mem>>)
    %dma_start3A_2178 = arith.constant 768 : i32
    %dma_start3A_2179 = tpu.memref_slice %arg18[%dma_start3A_2178] : memref<1024xf32, #tpu.memory_space<vmem>> -> memref<256xf32, #tpu.memory_space<vmem>>
    %dma_start3A_2180 = tpu.memref_slice %arg9[%add3A_2171] : memref<16384xf32, #tpu.memory_space<hbm>> -> memref<256xf32, #tpu.memory_space<hbm>>
    %dma_start3A_2181 = tpu.memref_slice %arg9[%add3A_2171] : memref<16384xf32, #tpu.memory_space<hbm>> -> memref<256xf32, #tpu.memory_space<hbm>>
    %dma_start3A_2182 = arith.constant 768 : i32
    %dma_start3A_2183 = tpu.memref_slice %arg18[%dma_start3A_2182] : memref<1024xf32, #tpu.memory_space<vmem>> -> memref<256xf32, #tpu.memory_space<vmem>>
    tpu.enqueue_dma source(%dma_start3A_2183 : memref<256xf32, #tpu.memory_space<vmem>>) target(%dma_start3A_2181 : memref<256xf32, #tpu.memory_space<hbm>>) target_semaphore(%arg21 : memref<!tpu.dma_semaphore, #tpu.memory_space<semaphore_mem>>)
    %dma_start3A_2184 = arith.constant 768 : i32
    %dma_start3A_2185 = tpu.memref_slice %arg19[%dma_start3A_2184] : memref<1024xf32, #tpu.memory_space<vmem>> -> memref<256xf32, #tpu.memory_space<vmem>>
    %dma_start3A_2186 = tpu.memref_slice %arg10[%add3A_2171] : memref<16384xf32, #tpu.memory_space<hbm>> -> memref<256xf32, #tpu.memory_space<hbm>>
    %dma_start3A_2187 = tpu.memref_slice %arg10[%add3A_2171] : memref<16384xf32, #tpu.memory_space<hbm>> -> memref<256xf32, #tpu.memory_space<hbm>>
    %dma_start3A_2188 = arith.constant 768 : i32
    %dma_start3A_2189 = tpu.memref_slice %arg19[%dma_start3A_2188] : memref<1024xf32, #tpu.memory_space<vmem>> -> memref<256xf32, #tpu.memory_space<vmem>>
    tpu.enqueue_dma source(%dma_start3A_2189 : memref<256xf32, #tpu.memory_space<vmem>>) target(%dma_start3A_2187 : memref<256xf32, #tpu.memory_space<hbm>>) target_semaphore(%arg21 : memref<!tpu.dma_semaphore, #tpu.memory_space<semaphore_mem>>)
    %dma_wait3A_2190 = arith.constant 0 : i32
    %dma_wait3A_2191 = tpu.memref_slice %arg17[%dma_wait3A_2190] : memref<1024xf32, #tpu.memory_space<vmem>> -> memref<256xf32, #tpu.memory_space<vmem>>
    %dma_wait3A_2192 = tpu.memref_slice %arg8[%add3A_617] : memref<16384xf32, #tpu.memory_space<hbm>> -> memref<256xf32, #tpu.memory_space<hbm>>
    %dma_wait3A_2193 = tpu.memref_slice %arg8[%add3A_617] : memref<16384xf32, #tpu.memory_space<hbm>> -> memref<256xf32, #tpu.memory_space<hbm>>
    %dma_wait3A_2194 = arith.constant 0 : i32
    %dma_wait3A_2195 = tpu.memref_slice %arg17[%dma_wait3A_2194] : memref<1024xf32, #tpu.memory_space<vmem>> -> memref<256xf32, #tpu.memory_space<vmem>>
    tpu.wait_dma2 semaphore(%arg21 : memref<!tpu.dma_semaphore, #tpu.memory_space<semaphore_mem>>) src(%dma_wait3A_2195 : memref<256xf32, #tpu.memory_space<vmem>>) dst(%dma_wait3A_2193 : memref<256xf32, #tpu.memory_space<hbm>>)
    %dma_wait3A_2196 = arith.constant 0 : i32
    %dma_wait3A_2197 = tpu.memref_slice %arg18[%dma_wait3A_2196] : memref<1024xf32, #tpu.memory_space<vmem>> -> memref<256xf32, #tpu.memory_space<vmem>>
    %dma_wait3A_2198 = tpu.memref_slice %arg9[%add3A_617] : memref<16384xf32, #tpu.memory_space<hbm>> -> memref<256xf32, #tpu.memory_space<hbm>>
    %dma_wait3A_2199 = tpu.memref_slice %arg9[%add3A_617] : memref<16384xf32, #tpu.memory_space<hbm>> -> memref<256xf32, #tpu.memory_space<hbm>>
    %dma_wait3A_2200 = arith.constant 0 : i32
    %dma_wait3A_2201 = tpu.memref_slice %arg18[%dma_wait3A_2200] : memref<1024xf32, #tpu.memory_space<vmem>> -> memref<256xf32, #tpu.memory_space<vmem>>
    tpu.wait_dma2 semaphore(%arg21 : memref<!tpu.dma_semaphore, #tpu.memory_space<semaphore_mem>>) src(%dma_wait3A_2201 : memref<256xf32, #tpu.memory_space<vmem>>) dst(%dma_wait3A_2199 : memref<256xf32, #tpu.memory_space<hbm>>)
    %dma_wait3A_2202 = arith.constant 0 : i32
    %dma_wait3A_2203 = tpu.memref_slice %arg19[%dma_wait3A_2202] : memref<1024xf32, #tpu.memory_space<vmem>> -> memref<256xf32, #tpu.memory_space<vmem>>
    %dma_wait3A_2204 = tpu.memref_slice %arg10[%add3A_617] : memref<16384xf32, #tpu.memory_space<hbm>> -> memref<256xf32, #tpu.memory_space<hbm>>
    %dma_wait3A_2205 = tpu.memref_slice %arg10[%add3A_617] : memref<16384xf32, #tpu.memory_space<hbm>> -> memref<256xf32, #tpu.memory_space<hbm>>
    %dma_wait3A_2206 = arith.constant 0 : i32
    %dma_wait3A_2207 = tpu.memref_slice %arg19[%dma_wait3A_2206] : memref<1024xf32, #tpu.memory_space<vmem>> -> memref<256xf32, #tpu.memory_space<vmem>>
    tpu.wait_dma2 semaphore(%arg21 : memref<!tpu.dma_semaphore, #tpu.memory_space<semaphore_mem>>) src(%dma_wait3A_2207 : memref<256xf32, #tpu.memory_space<vmem>>) dst(%dma_wait3A_2205 : memref<256xf32, #tpu.memory_space<hbm>>)
    %dma_wait3A_2208 = arith.constant 256 : i32
    %dma_wait3A_2209 = tpu.memref_slice %arg17[%dma_wait3A_2208] : memref<1024xf32, #tpu.memory_space<vmem>> -> memref<256xf32, #tpu.memory_space<vmem>>
    %dma_wait3A_2210 = tpu.memref_slice %arg8[%add3A_1133] : memref<16384xf32, #tpu.memory_space<hbm>> -> memref<256xf32, #tpu.memory_space<hbm>>
    %dma_wait3A_2211 = tpu.memref_slice %arg8[%add3A_1133] : memref<16384xf32, #tpu.memory_space<hbm>> -> memref<256xf32, #tpu.memory_space<hbm>>
    %dma_wait3A_2212 = arith.constant 256 : i32
    %dma_wait3A_2213 = tpu.memref_slice %arg17[%dma_wait3A_2212] : memref<1024xf32, #tpu.memory_space<vmem>> -> memref<256xf32, #tpu.memory_space<vmem>>
    tpu.wait_dma2 semaphore(%arg21 : memref<!tpu.dma_semaphore, #tpu.memory_space<semaphore_mem>>) src(%dma_wait3A_2213 : memref<256xf32, #tpu.memory_space<vmem>>) dst(%dma_wait3A_2211 : memref<256xf32, #tpu.memory_space<hbm>>)
    %dma_wait3A_2214 = arith.constant 256 : i32
    %dma_wait3A_2215 = tpu.memref_slice %arg18[%dma_wait3A_2214] : memref<1024xf32, #tpu.memory_space<vmem>> -> memref<256xf32, #tpu.memory_space<vmem>>
    %dma_wait3A_2216 = tpu.memref_slice %arg9[%add3A_1133] : memref<16384xf32, #tpu.memory_space<hbm>> -> memref<256xf32, #tpu.memory_space<hbm>>
    %dma_wait3A_2217 = tpu.memref_slice %arg9[%add3A_1133] : memref<16384xf32, #tpu.memory_space<hbm>> -> memref<256xf32, #tpu.memory_space<hbm>>
    %dma_wait3A_2218 = arith.constant 256 : i32
    %dma_wait3A_2219 = tpu.memref_slice %arg18[%dma_wait3A_2218] : memref<1024xf32, #tpu.memory_space<vmem>> -> memref<256xf32, #tpu.memory_space<vmem>>
    tpu.wait_dma2 semaphore(%arg21 : memref<!tpu.dma_semaphore, #tpu.memory_space<semaphore_mem>>) src(%dma_wait3A_2219 : memref<256xf32, #tpu.memory_space<vmem>>) dst(%dma_wait3A_2217 : memref<256xf32, #tpu.memory_space<hbm>>)
    %dma_wait3A_2220 = arith.constant 256 : i32
    %dma_wait3A_2221 = tpu.memref_slice %arg19[%dma_wait3A_2220] : memref<1024xf32, #tpu.memory_space<vmem>> -> memref<256xf32, #tpu.memory_space<vmem>>
    %dma_wait3A_2222 = tpu.memref_slice %arg10[%add3A_1133] : memref<16384xf32, #tpu.memory_space<hbm>> -> memref<256xf32, #tpu.memory_space<hbm>>
    %dma_wait3A_2223 = tpu.memref_slice %arg10[%add3A_1133] : memref<16384xf32, #tpu.memory_space<hbm>> -> memref<256xf32, #tpu.memory_space<hbm>>
    %dma_wait3A_2224 = arith.constant 256 : i32
    %dma_wait3A_2225 = tpu.memref_slice %arg19[%dma_wait3A_2224] : memref<1024xf32, #tpu.memory_space<vmem>> -> memref<256xf32, #tpu.memory_space<vmem>>
    tpu.wait_dma2 semaphore(%arg21 : memref<!tpu.dma_semaphore, #tpu.memory_space<semaphore_mem>>) src(%dma_wait3A_2225 : memref<256xf32, #tpu.memory_space<vmem>>) dst(%dma_wait3A_2223 : memref<256xf32, #tpu.memory_space<hbm>>)
    %dma_wait3A_2226 = arith.constant 512 : i32
    %dma_wait3A_2227 = tpu.memref_slice %arg17[%dma_wait3A_2226] : memref<1024xf32, #tpu.memory_space<vmem>> -> memref<256xf32, #tpu.memory_space<vmem>>
    %dma_wait3A_2228 = tpu.memref_slice %arg8[%add3A_1655] : memref<16384xf32, #tpu.memory_space<hbm>> -> memref<256xf32, #tpu.memory_space<hbm>>
    %dma_wait3A_2229 = tpu.memref_slice %arg8[%add3A_1655] : memref<16384xf32, #tpu.memory_space<hbm>> -> memref<256xf32, #tpu.memory_space<hbm>>
    %dma_wait3A_2230 = arith.constant 512 : i32
    %dma_wait3A_2231 = tpu.memref_slice %arg17[%dma_wait3A_2230] : memref<1024xf32, #tpu.memory_space<vmem>> -> memref<256xf32, #tpu.memory_space<vmem>>
    tpu.wait_dma2 semaphore(%arg21 : memref<!tpu.dma_semaphore, #tpu.memory_space<semaphore_mem>>) src(%dma_wait3A_2231 : memref<256xf32, #tpu.memory_space<vmem>>) dst(%dma_wait3A_2229 : memref<256xf32, #tpu.memory_space<hbm>>)
    %dma_wait3A_2232 = arith.constant 512 : i32
    %dma_wait3A_2233 = tpu.memref_slice %arg18[%dma_wait3A_2232] : memref<1024xf32, #tpu.memory_space<vmem>> -> memref<256xf32, #tpu.memory_space<vmem>>
    %dma_wait3A_2234 = tpu.memref_slice %arg9[%add3A_1655] : memref<16384xf32, #tpu.memory_space<hbm>> -> memref<256xf32, #tpu.memory_space<hbm>>
    %dma_wait3A_2235 = tpu.memref_slice %arg9[%add3A_1655] : memref<16384xf32, #tpu.memory_space<hbm>> -> memref<256xf32, #tpu.memory_space<hbm>>
    %dma_wait3A_2236 = arith.constant 512 : i32
    %dma_wait3A_2237 = tpu.memref_slice %arg18[%dma_wait3A_2236] : memref<1024xf32, #tpu.memory_space<vmem>> -> memref<256xf32, #tpu.memory_space<vmem>>
    tpu.wait_dma2 semaphore(%arg21 : memref<!tpu.dma_semaphore, #tpu.memory_space<semaphore_mem>>) src(%dma_wait3A_2237 : memref<256xf32, #tpu.memory_space<vmem>>) dst(%dma_wait3A_2235 : memref<256xf32, #tpu.memory_space<hbm>>)
    %dma_wait3A_2238 = arith.constant 512 : i32
    %dma_wait3A_2239 = tpu.memref_slice %arg19[%dma_wait3A_2238] : memref<1024xf32, #tpu.memory_space<vmem>> -> memref<256xf32, #tpu.memory_space<vmem>>
    %dma_wait3A_2240 = tpu.memref_slice %arg10[%add3A_1655] : memref<16384xf32, #tpu.memory_space<hbm>> -> memref<256xf32, #tpu.memory_space<hbm>>
    %dma_wait3A_2241 = tpu.memref_slice %arg10[%add3A_1655] : memref<16384xf32, #tpu.memory_space<hbm>> -> memref<256xf32, #tpu.memory_space<hbm>>
    %dma_wait3A_2242 = arith.constant 512 : i32
    %dma_wait3A_2243 = tpu.memref_slice %arg19[%dma_wait3A_2242] : memref<1024xf32, #tpu.memory_space<vmem>> -> memref<256xf32, #tpu.memory_space<vmem>>
    tpu.wait_dma2 semaphore(%arg21 : memref<!tpu.dma_semaphore, #tpu.memory_space<semaphore_mem>>) src(%dma_wait3A_2243 : memref<256xf32, #tpu.memory_space<vmem>>) dst(%dma_wait3A_2241 : memref<256xf32, #tpu.memory_space<hbm>>)
    %dma_wait3A_2244 = arith.constant 768 : i32
    %dma_wait3A_2245 = tpu.memref_slice %arg17[%dma_wait3A_2244] : memref<1024xf32, #tpu.memory_space<vmem>> -> memref<256xf32, #tpu.memory_space<vmem>>
    %dma_wait3A_2246 = tpu.memref_slice %arg8[%add3A_2171] : memref<16384xf32, #tpu.memory_space<hbm>> -> memref<256xf32, #tpu.memory_space<hbm>>
    %dma_wait3A_2247 = tpu.memref_slice %arg8[%add3A_2171] : memref<16384xf32, #tpu.memory_space<hbm>> -> memref<256xf32, #tpu.memory_space<hbm>>
    %dma_wait3A_2248 = arith.constant 768 : i32
    %dma_wait3A_2249 = tpu.memref_slice %arg17[%dma_wait3A_2248] : memref<1024xf32, #tpu.memory_space<vmem>> -> memref<256xf32, #tpu.memory_space<vmem>>
    tpu.wait_dma2 semaphore(%arg21 : memref<!tpu.dma_semaphore, #tpu.memory_space<semaphore_mem>>) src(%dma_wait3A_2249 : memref<256xf32, #tpu.memory_space<vmem>>) dst(%dma_wait3A_2247 : memref<256xf32, #tpu.memory_space<hbm>>)
    %dma_wait3A_2250 = arith.constant 768 : i32
    %dma_wait3A_2251 = tpu.memref_slice %arg18[%dma_wait3A_2250] : memref<1024xf32, #tpu.memory_space<vmem>> -> memref<256xf32, #tpu.memory_space<vmem>>
    %dma_wait3A_2252 = tpu.memref_slice %arg9[%add3A_2171] : memref<16384xf32, #tpu.memory_space<hbm>> -> memref<256xf32, #tpu.memory_space<hbm>>
    %dma_wait3A_2253 = tpu.memref_slice %arg9[%add3A_2171] : memref<16384xf32, #tpu.memory_space<hbm>> -> memref<256xf32, #tpu.memory_space<hbm>>
    %dma_wait3A_2254 = arith.constant 768 : i32
    %dma_wait3A_2255 = tpu.memref_slice %arg18[%dma_wait3A_2254] : memref<1024xf32, #tpu.memory_space<vmem>> -> memref<256xf32, #tpu.memory_space<vmem>>
    tpu.wait_dma2 semaphore(%arg21 : memref<!tpu.dma_semaphore, #tpu.memory_space<semaphore_mem>>) src(%dma_wait3A_2255 : memref<256xf32, #tpu.memory_space<vmem>>) dst(%dma_wait3A_2253 : memref<256xf32, #tpu.memory_space<hbm>>)
    %dma_wait3A_2256 = arith.constant 768 : i32
    %dma_wait3A_2257 = tpu.memref_slice %arg19[%dma_wait3A_2256] : memref<1024xf32, #tpu.memory_space<vmem>> -> memref<256xf32, #tpu.memory_space<vmem>>
    %dma_wait3A_2258 = tpu.memref_slice %arg10[%add3A_2171] : memref<16384xf32, #tpu.memory_space<hbm>> -> memref<256xf32, #tpu.memory_space<hbm>>
    %dma_wait3A_2259 = tpu.memref_slice %arg10[%add3A_2171] : memref<16384xf32, #tpu.memory_space<hbm>> -> memref<256xf32, #tpu.memory_space<hbm>>
    %dma_wait3A_2260 = arith.constant 768 : i32
    %dma_wait3A_2261 = tpu.memref_slice %arg19[%dma_wait3A_2260] : memref<1024xf32, #tpu.memory_space<vmem>> -> memref<256xf32, #tpu.memory_space<vmem>>
    tpu.wait_dma2 semaphore(%arg21 : memref<!tpu.dma_semaphore, #tpu.memory_space<semaphore_mem>>) src(%dma_wait3A_2261 : memref<256xf32, #tpu.memory_space<vmem>>) dst(%dma_wait3A_2259 : memref<256xf32, #tpu.memory_space<hbm>>)
    return
  }
}

</mosaic_0001>

<sc_bundles>
// kernel: kernel.3.cloned.1.call-start
scs
__scs_entry_jumppad:
0x0: {  	(pc) =	sbr.rel $0x88, $3  }
0x1: {  	(tag) =	ssettag $0x0;
	lr =	simm.s32 $0x1  }
0x2: {  	[smem:$0x3F9B] =	sst lr;
	_ =	strace $0xD0000000  }
0x3: {  	_ = 	snop  }
0x4: {  	_ = 	snop  }
0x5: {  	_ = 	snop  }
0x6: {  	_ = 	snop  }
0x7: {  	_ = 	snop  }
__scs_overlays_trampoline_lowered:
0x8: {  	[smem:$0x3FAA] =	sst s0  }
0x9: {  	[smem:$0x3FAB] =	sst s1  }
0xa: {  	[smem:$0x3FAC] =	sst s2  }
0xb: {  	[smem:$0x3FAD] =	sst s3  }
0xc: {  	[smem:$0x3FAE] =	sst s4  }
0xd: {  	[smem:$0x3FAF] =	sst s5  }
0xe: {  	[smem:$0x3FB0] =	sst s6  }
0xf: {  	[smem:$0x3FB1] =	sst s7  }
0x10: {  	[smem:$0x3FB2] =	sst s8  }
0x11: {  	[smem:$0x3FB3] =	sst s9;
	s0 =	simm.s32 @!p0 $0x0  }
0x12: {  	s1 =	sld [smem:$0x3F99];
	s0 =	simm.s32 @p0 $0x1  }
0x13: {  	[smem:$0x3FB4] =	sst s0;
	s0 =	simm.s32 @!p1 $0x0  }
0x14: {  	s2 =	sld [smem:$0x3F98];
	s0 =	simm.s32 @p1 $0x1  }
0x15: {  	[smem:$0x3FB5] =	sst s0;
	s0 =	simm.s32 @!p2 $0x0  }
0x16: {  	s3 =	sld [smem:$0x3FDB];
	s0 =	simm.s32 @p2 $0x1  }
0x17: {  	s4 =	simm.s32 $0x1BF5;
	[smem:$0x3FB7] =	sst s0  }
0x18: {  	s0 =	sld [smem:$0x3F9A];
	_ =	swait.ge [sflag:s4], $0x0  }
0x19: {  	s7 =	sld [smem:$0x3F9B]  }
0x1a: {  	s8 =	sadd.s32 $0xFFFFE003, lr  }
0x1b: {  	s9 =	sadd.s32 $0xFFFFFEF7, lr;
	s5 =	simm.s32 $0xFFFFFFFF;
	p2 =	slt.u32 s8, $0xFFFFF086  }
0x1c: {  	p1 =	slt.u32 s9, $0xF7A;
	s5 =	simm.s32 @!p2 $0x0  }
0x1d: {  	s5 =	simm.s32 @p1 $0x1;
	p0 =	seq.s32 s7, s2  }
0x1e: {  	s7 =	smul.u32 @!p0 $0xF7A, s2;
	p2 =	seq.s32 @!p0 s5, $0x0  }
0x1f: {  	s9 =	smul.u32 $0xF7A, s1;
	s8 =	simm.s32 @!p0 $0x1BF5;
	p2 =	por !p2, p0  }
0x20: {  	[sflag:s8] =	ssyncset.s32 @!p0 $0xFFFFF086;
	s6 =	sadd.s32 @!p0 s3, s7;
	s7 =	simm.s32 @!p0 $0x108  }
0x21: {  	s3 =	sadd.s32 s3, s9;
	s6 =	sadd.s32 @!p0 $0x88, s6;
	s7 =	simm.s32 @p2 $0x1082  }
0x22: {  	[simem:s7], [sflag:s8] =	dma.local @!p0 [hbm:s6], $0xF7A  }
0x23: {  	s9 =	sor.u32 $0xD0000000, s2;
	s6 =	simm.s32 $0x108;
	_ =	swait.ge @!p0 [sflag:s8], $0x0  }
0x24: {  	s3 =	sadd.s32 $0x88, s3;
	s6 =	simm.s32 @!p1 $0x1082;
	[sflag:s4] =	ssyncset.s32 $0xFFFFF086  }
0x25: {  	[simem:s6], [sflag:s4] =	dma.local [hbm:s3], $0xF7A  }
0x26: {  	[smem:$0x3F9B] =	sst s1;
	(tag) =	ssettag s2;
	_ =	strace s9  }
0x27: {  	s1 =	sld [smem:$0x3FAB]  }
0x28: {  	s2 =	sld [smem:$0x3FAC]  }
0x29: {  	s4 =	sld [smem:$0x3FAE]  }
0x2a: {  	p0 =	seq.s32 s5, $0x0;
	s5 =	sld [smem:$0x3FAF]  }
0x2b: {  	s6 =	sld [smem:$0x3FB0]  }
0x2c: {  	s7 =	sld [smem:$0x3FB1]  }
0x2d: {  	s3 =	simm.s32 $0x108;
	s8 =	sld [smem:$0x3FB2]  }
0x2e: {  	s3 =	simm.s32 @!p0 $0x1082;
	s9 =	sld [smem:$0x3FB3]  }
0x2f: {  	lr =	sadd.s32 s0, s3;
	s0 =	sld [smem:$0x3FAA]  }
0x30: {  	s3 =	sld [smem:$0x3FAD]  }
0x31: {  	[smem:$0x3FB6] =	sst s10  }
0x32: {  	s10 =	sld [smem:$0x3FB4];
	_ =	sdelay $0x3  }
0x33: {  	p0 =	seq.s32 s10, $0x1;
	s10 =	sld [smem:$0x3FB6];
	_ =	sdelay $0x3  }
0x34: {  	[smem:$0x3FB6] =	sst s10  }
0x35: {  	s10 =	sld [smem:$0x3FB5];
	_ =	sdelay $0x3  }
0x36: {  	p1 =	seq.s32 s10, $0x1;
	s10 =	sld [smem:$0x3FB6];
	_ =	sdelay $0x3  }
0x37: {  	[smem:$0x3FB6] =	sst s10  }
0x38: {  	s10 =	sld [smem:$0x3FB7]  }
0x39: {  	_ = 	snop;
	(pc) =	sbr.ind lr, $3  }
0x3a: {  	_ = 	snop  }
0x3b: {  	_ = 	snop  }
0x3c: {  	p2 =	seq.s32 s10, $0x1;
	s10 =	sld [smem:$0x3FB6]  }
0x3d: {  	_ =	shalt  }
0x3e: {  	_ =	shalt  }
0x3f: {  	_ =	shalt  }
0x40: {  	_ =	shalt  }
0x41: {  	_ =	shalt  }
0x42: {  	_ =	shalt  }
0x43: {  	_ =	shalt  }
0x44: {  	_ =	shalt  }
0x45: {  	_ =	shalt  }
0x46: {  	_ =	shalt  }
0x47: {  	_ =	shalt  }
0x48: {  	_ =	shalt  }
0x49: {  	_ =	shalt  }
0x4a: {  	_ =	shalt  }
0x4b: {  	_ =	shalt  }
0x4c: {  	_ =	shalt  }
0x4d: {  	_ =	shalt  }
0x4e: {  	_ =	shalt  }
0x4f: {  	_ =	shalt  }
0x50: {  	_ =	shalt  }
0x51: {  	_ =	shalt  }
0x52: {  	_ =	shalt  }
0x53: {  	_ =	shalt  }
0x54: {  	_ =	shalt  }
0x55: {  	_ =	shalt  }
0x56: {  	_ =	shalt  }
0x57: {  	_ =	shalt  }
0x58: {  	_ =	shalt  }
0x59: {  	_ =	shalt  }
0x5a: {  	_ =	shalt  }
0x5b: {  	_ =	shalt  }
0x5c: {  	_ =	shalt  }
0x5d: {  	_ =	shalt  }
0x5e: {  	_ =	shalt  }
0x5f: {  	_ =	shalt  }
0x60: {  	_ =	shalt  }
0x61: {  	_ =	shalt  }
0x62: {  	_ =	shalt  }
0x63: {  	_ =	shalt  }
0x64: {  	_ =	shalt  }
0x65: {  	_ =	shalt  }
0x66: {  	_ =	shalt  }
0x67: {  	_ =	shalt  }
0x68: {  	_ =	shalt  }
0x69: {  	_ =	shalt  }
0x6a: {  	_ =	shalt  }
0x6b: {  	_ =	shalt  }
0x6c: {  	_ =	shalt  }
0x6d: {  	_ =	shalt  }
0x6e: {  	_ =	shalt  }
0x6f: {  	_ =	shalt  }
0x70: {  	_ =	shalt  }
0x71: {  	_ =	shalt  }
0x72: {  	_ =	shalt  }
0x73: {  	_ =	shalt  }
0x74: {  	_ =	shalt  }
0x75: {  	_ =	shalt  }
0x76: {  	_ =	shalt  }
0x77: {  	_ =	shalt  }
0x78: {  	_ =	shalt  }
0x79: {  	_ =	shalt  }
0x7a: {  	_ =	shalt  }
0x7b: {  	_ =	shalt  }
0x7c: {  	_ =	shalt  }
0x7d: {  	_ =	shalt  }
0x7e: {  	_ =	shalt  }
0x7f: {  	_ =	shalt  }
0x80: {  	_ =	shalt  }
0x81: {  	_ =	shalt  }
0x82: {  	_ =	shalt  }
0x83: {  	_ =	shalt  }
0x84: {  	_ =	shalt  }
0x85: {  	_ =	shalt  }
0x86: {  	_ =	shalt  }
0x87: {  	_ =	shalt  }
.Lfunc_end0:
.L_simem_size_0:
called_computation_lowered:
.L_overlay_start_0:
0x88: {  	s0 =	sld [smem:$0x3FD9]  }
0x89: {  	s1 =	sld [smem:$0x3FFE];
	_ =	sdelay $0x3  }
0x8a: {  	s0 =	sadd.s32 s1, s0  }
0x8b: {  	[smem:$0x3FC2] =	sst s0  }
0x8c: {  	_ = 	snop  }
0x8d: {  	s0 =	sld [smem:$0x3FC9]  }
0x8e: {  	s14 =	sld [smem:$0x3FC8]  }
0x8f: {  	s2 =	sld [smem:$0x3FC7]  }
0x90: {  	s3 =	sld [smem:$0x3FD0]  }
0x91: {  	s4 =	sld [smem:$0x3FC6]  }
0x92: {  	s5 =	sld [smem:$0x3FC5]  }
0x93: {  	s7 =	simm.s32 $0xA;
	s8 =	simm.s32 $0x10;
	s6 =	sld [smem:$0x3FC4]  }
0x94: {  	[smem:s8], [sflag:s7] =	dma.local [hbm:s3], $0x1  }
0x95: {  	_ =	swait.eq [sflag:s7], $0x1  }
0x96: {  	s15 =	sld [smem:$0x10];
	[sflag:s7] =	ssyncset.done $0x0  }
0x97: {  	s16 =	sld [smem:$0x11];
	[sflag:s7] =	ssyncadd.s32 $0xFFFFFFFF  }
0x98: {  	s17 =	sld [smem:$0x12];
	(tm) =	ssettm $0x1  }
0x99: {  	s9 =	sld [smem:$0x3FFB];
	_ =	sdelay $0x3  }
0x9a: {  	_ =	strace s9  }
0x9b: {  	s9 =	sld [smem:$0x3FFC];
	_ =	sdelay $0x3  }
0x9c: {  	_ =	strace s9  }
0x9d: {  	s9 =	sld [smem:$0x3FFD];
	_ =	sdelay $0x3  }
0x9e: {  	_ =	strace s9  }
0x9f: {  	_ =	strace $0x8FFFFFFF  }
0xa0: {  	s18 =	sld [smem:$0x3FDB];
	_ =	sdelay $0x1  }
0xa1: {  	s10 =	simm.s32 $_scs_section_size  }
0xa2: {  	s11 =	simm.s32 $_size__tile_overlayer_lowered;
	s12 =	simm.s32 $_tile_overlayer_lowered  }
0xa3: {  	s21 =	simm.s32 $0x1BFF;
	s20 =	sshll.u32 s12, $0x1;
	s9 =	sadd.s32 s10, s18  }
0xa4: {  	s13 =	simm.s32 $0x0;
	s19 =	sshll.u32 s11, $0x1;
	s11 =	sadd.s32 s20, s9  }
0xa5: {  	[timem:s13], [sflag:s21] =	dma.local [hbm:s11], s19  }
0xa6: {  	_ =	swait.ge [sflag:s21], s19  }
0xa7: {  	s10 =	ssub.s32 $0x0, s19;
	[sflag:s21] =	ssyncset.done $0x0  }
0xa8: {  	[sflag:s21] =	ssyncadd.s32 s10;
	_ =	sdelay $0x1  }
0xa9: {  	s22 =	simm.s32 $0x1B8B  }
0xaa: {  	_ =	swait.ge [sflag:s22], $0x1  }
0xab: {  	[sflag:s22] =	ssyncset.done $0x0  }
0xac: {  	s23 =	simm.s32 $0x1B8E;
	[sflag:s22] =	ssyncadd.s32 $0xFFFFFFFF  }
0xad: {  	s24 =	simm.s32 $execute0_lowered;
	[smem:$0x3FD2] =	sst s23  }
0xae: {  	s10 =	sshll.u32 s24, $0x1;
	_ =	strace $0x80000046;
	[dreg:$0x1] =	wrdreg $0xFFFFFFFF  }
0xaf: {  	s25 =	simm.s32 $_size_execute0_lowered;
	s9 =	sadd.s32 s9, s10;
	[dreg:$0x0] =	wrdreg $0x0  }
0xb0: {  	s10 =	sshll.u32 s25, $0x1;
	[dreg:$0x2] =	wrdreg s9  }
0xb1: {  	[dreg:$0x3] =	wrdreg s10  }
0xb2: {  	[dreg:$0x4] =	wrdreg $0xC0  }
0xb3: {  	_ =	task [dreg:s13], $0x5FFFF  }
0xb4: {  	[dreg:$0x1] =	wrdreg $0xFFFFFFFF  }
0xb5: {  	[dreg:$0x0] =	wrdreg $0x60  }
0xb6: {  	[dreg:$0x2] =	wrdreg s0  }
0xb7: {  	[dreg:$0x3] =	wrdreg s14  }
0xb8: {  	[dreg:$0x4] =	wrdreg s2  }
0xb9: {  	[dreg:$0x5] =	wrdreg s4  }
0xba: {  	[dreg:$0x6] =	wrdreg s5  }
0xbb: {  	[dreg:$0x7] =	wrdreg s6  }
0xbc: {  	[dreg:$0x8] =	wrdreg s15  }
0xbd: {  	[dreg:$0x9] =	wrdreg s16  }
0xbe: {  	[dreg:$0xa] =	wrdreg s17  }
0xbf: {  	[dreg:$0xb] =	wrdreg $0x9  }
0xc0: {  	_ =	task.clear_ibuf [dreg:s13], $0xCFFFF;
	_ =	strace $0x90000046  }
0xc1: {  	s26 =	simm.s32 $0x9;
	_ =	strace $0x80000048  }
0xc2: {  	_ =	swait.ge [sflag:s26], $0x1  }
0xc3: {  	[sflag:s26] =	ssyncadd.s32 $0xFFFFFFFF  }
0xc4: {  	_ =	strace $0x90000048  }
0xc5: {  	_ =	sfence  }
0xc6: {  	s28 =	sld [smem:$0x0];
	_ =	sdelay $0x1  }
0xc7: {  	s29 =	srdreg.scid  }
0xc8: {  	s30 =	sshll.u32 s29, $0xD;
	s31 =	sshrl.u32 s29, $0x2  }
0xc9: {  	s1 =	sand.u32 $0x1, s29;
	s2 =	sand.u32 $0x4000, s30;
	s0 =	sadd.s32 s31, s28  }
0xca: {  	s1 =	sor.u32 s2, s1;
	s0 =	sshll.u32 s0, $0x11  }
0xcb: {  	s0 =	sor.u32 s0, s1  }
0xcc: {  	s0 =	sadd.s32 $0x8F2B, s0  }
0xcd: {  	[sflag:s0] =	ssyncadd.remote.s32 $0x1  }
0xce: {  	_ =	sfence.sel $0xFFFF  }
0xcf: {  	[dreg:$0x0] =	wrdreg $0xFFFFFFFF;
	(pc) =	sbr.abs _section_cstart, $3  }
0xd0: {  	[dreg:$0x1] =	wrdreg $0xFFFFFFFF  }
0xd1: {  	_ =	task.clear_ibuf [dreg:s13], $0x2FFFF;
	_ =	strace $0x9FFFFFFF  }
0xd2: {  	(tm) =	ssettm $0x7FFFFFFF  }
0xd3: {  	_ =	shalt  }
tec
execute0_lowered:
.L_overlay_start_1:
0x0: {  	(tag) =	ssettag $0x1  }
0x1: {  	s8 =	rddreg [dreg:$0x0]  }
0x2: {  	s9 =	rddreg [dreg:$0x1]  }
0x3: {  	s10 =	rddreg [dreg:$0x2]  }
0x4: {  	s11 =	rddreg [dreg:$0x3]  }
0x5: {  	s12 =	rddreg [dreg:$0x4]  }
0x6: {  	s13 =	rddreg [dreg:$0x5]  }
0x7: {  	s5 =	rddreg [dreg:$0x6]  }
0x8: {  	s4 =	rddreg [dreg:$0x7]  }
0x9: {  	s2 =	rddreg [dreg:$0x8]  }
0xa: {  	s0 =	rddreg [dreg:$0x9];
	s3 =	simm.s32 $0x0;
	s1 =	stileid.u32  }
0xb: {  	[smem:$0x7FF] =	sst s3;
	s6 =	sshll.u32 s1, $0x7  }
0xc: {  	_ =	strace $0x80000047;
	s14 =	sadd.s32 s8, s6;
	s7 =	sor.u32 $0x40, s6  }
0xd: {  	[tilespmem:s3], [sflag:$0x1] =	stream.linear.gather [hbm4b:s14+s3], $0x200, $0x38;
	[tilespmem:$0x1280] =	vst v63  }
0xe: {  	s24 =	simm.s32 $0x200;
	s8 =	sadd.s32 s8, s7  }
0xf: {  	[tilespmem:s24], [sflag:$0x1] =	stream.linear.gather [hbm4b:s8+s3], $0x200, $0x38;
	[tilespmem:$0x1280] =	vst v63  }
0x10: {  	s25 =	simm.s32 $0x400  }
0x11: {  	[tilespmem:s25], [sflag:$0x1] =	stream.linear.gather [hbm4b:s9+s3], $0x1, $0x38;
	[tilespmem:$0x1280] =	vst v63  }
0x12: {  	s26 =	simm.s32 $0x480  }
0x13: {  	[tilespmem:s26], [sflag:$0x1] =	stream.linear.gather [hbm4b:s10+s3], $0x1, $0x38;
	[tilespmem:$0x1280] =	vst v63  }
0x14: {  	s28 =	simm.s32 $0x500  }
0x15: {  	[tilespmem:s28], [sflag:$0x1] =	stream.linear.gather [hbm4b:s11+s3], $0x1, $0x38;
	[tilespmem:$0x1280] =	vst v63  }
0x16: {  	s29 =	simm.s32 $0x580  }
0x17: {  	[tilespmem:s29], [sflag:$0x1] =	stream.linear.gather [hbm4b:s12+s3], $0x1, $0x38;
	[tilespmem:$0x1280] =	vst v63  }
0x18: {  	s30 =	simm.s32 $0x600;
	s31 =	simm.s32 $0x1  }
0x19: {  	[tilespmem:s30], [sflag:$0x1] =	stream.linear.gather [hbm4b:s13+s3], $0x1, $0x38;
	[tilespmem:$0x1280] =	vst v63  }
0x1a: {  	_ =	swait.ge [sflag:s31], $0x1  }
0x1b: {  	[sflag:s31] =	ssyncset.done $0x0  }
0x1c: {  	[sflag:s31] =	ssyncadd.s32 $0xFFFFFFFF  }
0x1d: {  	_ =	swait.ge [sflag:s31], $0x1  }
0x1e: {  	[sflag:s31] =	ssyncset.done $0x0  }
0x1f: {  	[sflag:s31] =	ssyncadd.s32 $0xFFFFFFFF  }
0x20: {  	_ =	swait.ge [sflag:s31], $0x1  }
0x21: {  	[sflag:s31] =	ssyncset.done $0x0  }
0x22: {  	[sflag:s31] =	ssyncadd.s32 $0xFFFFFFFF  }
0x23: {  	_ =	swait.ge [sflag:s31], $0x1  }
0x24: {  	[sflag:s31] =	ssyncset.done $0x0  }
0x25: {  	[sflag:s31] =	ssyncadd.s32 $0xFFFFFFFF  }
0x26: {  	_ =	swait.ge [sflag:s31], $0x1  }
0x27: {  	[sflag:s31] =	ssyncset.done $0x0  }
0x28: {  	[sflag:s31] =	ssyncadd.s32 $0xFFFFFFFF  }
0x29: {  	_ =	swait.ge [sflag:s31], $0x200  }
0x2a: {  	[sflag:s31] =	ssyncset.done $0x0  }
0x2b: {  	[sflag:s31] =	ssyncadd.s32 $0xFFFFFE00  }
0x2c: {  	v0 =	vld [tilespmem:$0x400]  }
0x2d: {  	v1 =	vld [tilespmem:$0x480]  }
0x2e: {  	v2 =	vld [tilespmem:$0x500]  }
0x2f: {  	v3 =	vld [tilespmem:$0x580]  }
0x30: {  	v4 =	vld [tilespmem:$0x0]  }
0x31: {  	v5 =	vld [tilespmem:$0x600]  }
0x32: {  	v6 =	vimm.s32 $0x0;
	v7 =	vld [tilespmem:$0x10]  }
0x33: {  	v8 =	vperm.xlane v0, v6  }
0x34: {  	v57 =	vld [tilespmem:$0x20];
	v9 =	vperm.xlane v1, v6;
	v1 =	vperm.xlane v3, v6  }
0x35: {  	v56 =	vcvt.s32.f32 v4;
	v2 =	vperm.xlane v2, v6  }
0x36: {  	v60 =	vld [tilespmem:$0x30];
	v0 =	vperm.xlane v5, v6;
	v58 =	vmul.f32 v9, v8  }
0x37: {  	v59 =	vcvt.s32.f32 v7;
	v3 =	vmul.f32 v56, v1  }
0x38: {  	v2 =	vadd.f32 v2, v58  }
0x39: {  	v4 =	vcvt.s32.f32 v57;
	v6 =	vmul.f32 v59, v1;
	v3 =	vadd.f32 v3, v0  }
0x3a: {  	[tilespmem:$0x680] =	vst v2  }
0x3b: {  	v5 =	vcvt.s32.f32 v60;
	v4 =	vmul.f32 v4, v1;
	v62 =	vadd.f32 v6, v0;
	[tilespmem:$0xA80] =	vst v3  }
0x3c: {  	[tilespmem:$0x690] =	vst v2  }
0x3d: {  	v5 =	vmul.f32 v5, v1;
	v10 =	vadd.f32 v4, v0;
	[tilespmem:$0xA90] =	vst v62  }
0x3e: {  	[tilespmem:$0x6A0] =	vst v2  }
0x3f: {  	v13 =	vadd.f32 v5, v0;
	[tilespmem:$0xAA0] =	vst v10  }
0x40: {  	[tilespmem:$0x6B0] =	vst v2  }
0x41: {  	[tilespmem:$0xAB0] =	vst v13  }
0x42: {  	[tilespmem:$0x6C0] =	vst v2  }
0x43: {  	[tilespmem:$0x6D0] =	vst v2  }
0x44: {  	[tilespmem:$0x6E0] =	vst v2  }
0x45: {  	[tilespmem:$0x6F0] =	vst v2  }
0x46: {  	[tilespmem:$0x700] =	vst v2  }
0x47: {  	v63 =	vld [tilespmem:$0x40];
	[tilespmem:$0x710] =	vst v2  }
0x48: {  	v11 =	vld [tilespmem:$0x50];
	[tilespmem:$0x720] =	vst v2  }
0x49: {  	v14 =	vld [tilespmem:$0x60];
	[tilespmem:$0x730] =	vst v2  }
0x4a: {  	[tilespmem:$0x740] =	vst v2  }
0x4b: {  	[tilespmem:$0x750] =	vst v2  }
0x4c: {  	v6 =	vcvt.s32.f32 v63;
	v61 =	vsub.f32 v2, v3;
	[tilespmem:$0x760] =	vst v2  }
0x4d: {  	v17 =	vld [tilespmem:$0x70];
	v4 =	vcvt.s32.f32 v11;
	v9 =	vsub.f32 v2, v62;
	[tilespmem:$0x770] =	vst v2  }
0x4e: {  	v20 =	vld [tilespmem:$0x80];
	v5 =	vcvt.s32.f32 v14;
	v12 =	vsub.f32 v2, v10;
	v6 =	vmul.f32 v6, v1;
	[tilespmem:$0xE80] =	vst v61  }
0x4f: {  	v23 =	vld [tilespmem:$0x90];
	v15 =	vsub.f32 v2, v13;
	v4 =	vmul.f32 v4, v1;
	[tilespmem:$0xE90] =	vst v9  }
0x50: {  	v5 =	vmul.f32 v5, v1;
	[tilespmem:$0xEA0] =	vst v12;
	v16 =	vadd.f32 v6, v0  }
0x51: {  	[tilespmem:$0xEB0] =	vst v15;
	v19 =	vadd.f32 v4, v0  }
0x52: {  	v6 =	vcvt.s32.f32 v17;
	v22 =	vadd.f32 v5, v0;
	[tilespmem:$0xAC0] =	vst v16  }
0x53: {  	v26 =	vld [tilespmem:$0xA0];
	v4 =	vcvt.s32.f32 v20;
	v18 =	vsub.f32 v2, v16;
	[tilespmem:$0xAD0] =	vst v19  }
0x54: {  	v29 =	vld [tilespmem:$0xB0];
	v5 =	vcvt.s32.f32 v23;
	v21 =	vsub.f32 v2, v19;
	v6 =	vmul.f32 v6, v1;
	[tilespmem:$0xAE0] =	vst v22  }
0x55: {  	v32 =	vld [tilespmem:$0xC0];
	v24 =	vsub.f32 v2, v22;
	v4 =	vmul.f32 v4, v1;
	[tilespmem:$0xEC0] =	vst v18  }
0x56: {  	v5 =	vmul.f32 v5, v1;
	[tilespmem:$0xED0] =	vst v21;
	v25 =	vadd.f32 v6, v0  }
0x57: {  	[tilespmem:$0xEE0] =	vst v24;
	v28 =	vadd.f32 v4, v0  }
0x58: {  	v6 =	vcvt.s32.f32 v26;
	v31 =	vadd.f32 v5, v0;
	[tilespmem:$0xAF0] =	vst v25  }
0x59: {  	v35 =	vld [tilespmem:$0xD0];
	v4 =	vcvt.s32.f32 v29;
	v27 =	vsub.f32 v2, v25;
	[tilespmem:$0xB00] =	vst v28  }
0x5a: {  	v38 =	vld [tilespmem:$0xE0];
	v5 =	vcvt.s32.f32 v32;
	v30 =	vsub.f32 v2, v28;
	v6 =	vmul.f32 v6, v1;
	[tilespmem:$0xB10] =	vst v31  }
0x5b: {  	v41 =	vld [tilespmem:$0xF0];
	v33 =	vsub.f32 v2, v31;
	v4 =	vmul.f32 v4, v1;
	[tilespmem:$0xEF0] =	vst v27  }
0x5c: {  	v5 =	vmul.f32 v5, v1;
	[tilespmem:$0xF00] =	vst v30;
	v34 =	vadd.f32 v6, v0  }
0x5d: {  	[tilespmem:$0xF10] =	vst v33;
	v37 =	vadd.f32 v4, v0  }
0x5e: {  	v6 =	vcvt.s32.f32 v35;
	v40 =	vadd.f32 v5, v0;
	[tilespmem:$0xB20] =	vst v34  }
0x5f: {  	v4 =	vcvt.s32.f32 v38;
	v36 =	vsub.f32 v2, v34;
	[tilespmem:$0xB30] =	vst v37  }
0x60: {  	v5 =	vcvt.s32.f32 v41;
	v39 =	vsub.f32 v2, v37;
	v6 =	vmul.f32 v6, v1;
	[tilespmem:$0xB40] =	vst v40  }
0x61: {  	v42 =	vsub.f32 v2, v40;
	v4 =	vmul.f32 v4, v1;
	[tilespmem:$0xF20] =	vst v36  }
0x62: {  	v45 =	vmul.f32 v5, v1;
	[tilespmem:$0xF30] =	vst v39;
	v43 =	vadd.f32 v6, v0  }
0x63: {  	[tilespmem:$0xF40] =	vst v42;
	v44 =	vadd.f32 v4, v0  }
0x64: {  	v47 =	vadd.f32 v45, v0;
	[tilespmem:$0xB50] =	vst v43  }
0x65: {  	v6 =	vsub.f32 v2, v43;
	[tilespmem:$0xB60] =	vst v44  }
0x66: {  	v46 =	vsub.f32 v2, v44;
	[tilespmem:$0xB70] =	vst v47  }
0x67: {  	v4 =	vsub.f32 v2, v47;
	[tilespmem:$0xF50] =	vst v6  }
0x68: {  	[tilespmem:$0xF60] =	vst v46  }
0x69: {  	s10 =	sadd.s32 s5, s6;
	s11 =	simm.s32 $0x680;
	[tilespmem:$0xF70] =	vst v4  }
0x6a: {  	[hbm4b:s10+s3] =	stream.linear.scatter [tilespmem:s11], [sflag:$0x2], $0x100, $0x38;
	[tilespmem:$0x1280] =	vst v63  }
0x6b: {  	s12 =	sadd.s32 s4, s6;
	s13 =	simm.s32 $0xA80  }
0x6c: {  	[hbm4b:s12+s3] =	stream.linear.scatter [tilespmem:s13], [sflag:$0x2], $0x100, $0x38;
	[tilespmem:$0x1280] =	vst v63  }
0x6d: {  	s15 =	simm.s32 $0xE80;
	s14 =	sadd.s32 s2, s6  }
0x6e: {  	[hbm4b:s14+s3] =	stream.linear.scatter [tilespmem:s15], [sflag:$0x2], $0x100, $0x38;
	[tilespmem:$0x1280] =	vst v63  }
0x6f: {  	[tilespmem:$0x780] =	vst v2  }
0x70: {  	[tilespmem:$0x790] =	vst v2  }
0x71: {  	[tilespmem:$0x7A0] =	vst v2  }
0x72: {  	[tilespmem:$0x7B0] =	vst v2  }
0x73: {  	[tilespmem:$0x7C0] =	vst v2  }
0x74: {  	v48 =	vld [tilespmem:$0x100];
	[tilespmem:$0x7D0] =	vst v2  }
0x75: {  	v49 =	vld [tilespmem:$0x110];
	[tilespmem:$0x7E0] =	vst v2  }
0x76: {  	v50 =	vld [tilespmem:$0x120];
	[tilespmem:$0x7F0] =	vst v2  }
0x77: {  	v51 =	vld [tilespmem:$0x130];
	[tilespmem:$0x800] =	vst v2  }
0x78: {  	[tilespmem:$0x810] =	vst v2  }
0x79: {  	[tilespmem:$0x820] =	vst v2;
	v3 =	vcvt.s32.f32 v48  }
0x7a: {  	[tilespmem:$0x830] =	vst v2;
	v4 =	vcvt.s32.f32 v49  }
0x7b: {  	[tilespmem:$0x840] =	vst v2;
	v5 =	vcvt.s32.f32 v50;
	v3 =	vmul.f32 v3, v1  }
0x7c: {  	v54 =	vld [tilespmem:$0x140];
	[tilespmem:$0x850] =	vst v2;
	v6 =	vcvt.s32.f32 v51;
	v4 =	vmul.f32 v4, v1  }
0x7d: {  	v57 =	vld [tilespmem:$0x150];
	[tilespmem:$0x860] =	vst v2;
	v5 =	vmul.f32 v5, v1;
	v3 =	vadd.f32 v3, v0  }
0x7e: {  	v60 =	vld [tilespmem:$0x160];
	[tilespmem:$0x870] =	vst v2;
	v6 =	vmul.f32 v6, v1;
	v53 =	vadd.f32 v4, v0  }
0x7f: {  	v56 =	vadd.f32 v5, v0;
	[tilespmem:$0xB80] =	vst v3  }
0x80: {  	v59 =	vadd.f32 v6, v0;
	[tilespmem:$0xB90] =	vst v53  }
0x81: {  	v4 =	vcvt.s32.f32 v54;
	v52 =	vsub.f32 v2, v3;
	[tilespmem:$0xBA0] =	vst v56  }
0x82: {  	v63 =	vld [tilespmem:$0x170];
	v5 =	vcvt.s32.f32 v57;
	v55 =	vsub.f32 v2, v53;
	[tilespmem:$0xBB0] =	vst v59  }
0x83: {  	v11 =	vld [tilespmem:$0x180];
	v6 =	vcvt.s32.f32 v60;
	v58 =	vsub.f32 v2, v56;
	v4 =	vmul.f32 v4, v1;
	[tilespmem:$0xF80] =	vst v52  }
0x84: {  	v14 =	vld [tilespmem:$0x190];
	v61 =	vsub.f32 v2, v59;
	v5 =	vmul.f32 v5, v1;
	[tilespmem:$0xF90] =	vst v55  }
0x85: {  	v6 =	vmul.f32 v6, v1;
	[tilespmem:$0xFA0] =	vst v58;
	v62 =	vadd.f32 v4, v0  }
0x86: {  	[tilespmem:$0xFB0] =	vst v61;
	v10 =	vadd.f32 v5, v0  }
0x87: {  	v4 =	vcvt.s32.f32 v63;
	v13 =	vadd.f32 v6, v0;
	[tilespmem:$0xBC0] =	vst v62  }
0x88: {  	v17 =	vld [tilespmem:$0x1A0];
	v5 =	vcvt.s32.f32 v11;
	v9 =	vsub.f32 v2, v62;
	[tilespmem:$0xBD0] =	vst v10  }
0x89: {  	v20 =	vld [tilespmem:$0x1B0];
	v6 =	vcvt.s32.f32 v14;
	v12 =	vsub.f32 v2, v10;
	v4 =	vmul.f32 v4, v1;
	[tilespmem:$0xBE0] =	vst v13  }
0x8a: {  	v23 =	vld [tilespmem:$0x1C0];
	v15 =	vsub.f32 v2, v13;
	v5 =	vmul.f32 v5, v1;
	[tilespmem:$0xFC0] =	vst v9  }
0x8b: {  	v6 =	vmul.f32 v6, v1;
	[tilespmem:$0xFD0] =	vst v12;
	v16 =	vadd.f32 v4, v0  }
0x8c: {  	[tilespmem:$0xFE0] =	vst v15;
	v19 =	vadd.f32 v5, v0  }
0x8d: {  	v4 =	vcvt.s32.f32 v17;
	v22 =	vadd.f32 v6, v0;
	[tilespmem:$0xBF0] =	vst v16  }
0x8e: {  	v26 =	vld [tilespmem:$0x1D0];
	v5 =	vcvt.s32.f32 v20;
	v18 =	vsub.f32 v2, v16;
	[tilespmem:$0xC00] =	vst v19  }
0x8f: {  	v29 =	vld [tilespmem:$0x1E0];
	v6 =	vcvt.s32.f32 v23;
	v21 =	vsub.f32 v2, v19;
	v4 =	vmul.f32 v4, v1;
	[tilespmem:$0xC10] =	vst v22  }
0x90: {  	v32 =	vld [tilespmem:$0x1F0];
	v24 =	vsub.f32 v2, v22;
	v5 =	vmul.f32 v5, v1;
	[tilespmem:$0xFF0] =	vst v18  }
0x91: {  	v6 =	vmul.f32 v6, v1;
	[tilespmem:$0x1000] =	vst v21;
	v25 =	vadd.f32 v4, v0  }
0x92: {  	[tilespmem:$0x1010] =	vst v24;
	v28 =	vadd.f32 v5, v0  }
0x93: {  	v4 =	vcvt.s32.f32 v26;
	v31 =	vadd.f32 v6, v0;
	[tilespmem:$0xC20] =	vst v25  }
0x94: {  	v5 =	vcvt.s32.f32 v29;
	v27 =	vsub.f32 v2, v25;
	[tilespmem:$0xC30] =	vst v28  }
0x95: {  	v6 =	vcvt.s32.f32 v32;
	v30 =	vsub.f32 v2, v28;
	v4 =	vmul.f32 v4, v1;
	[tilespmem:$0xC40] =	vst v31  }
0x96: {  	v33 =	vsub.f32 v2, v31;
	v35 =	vmul.f32 v5, v1;
	[tilespmem:$0x1020] =	vst v27  }
0x97: {  	v38 =	vmul.f32 v6, v1;
	[tilespmem:$0x1030] =	vst v30;
	v34 =	vadd.f32 v4, v0  }
0x98: {  	[tilespmem:$0x1040] =	vst v33;
	v37 =	vadd.f32 v35, v0  }
0x99: {  	v40 =	vadd.f32 v38, v0;
	[tilespmem:$0xC50] =	vst v34  }
0x9a: {  	v36 =	vsub.f32 v2, v34;
	[tilespmem:$0xC60] =	vst v37  }
0x9b: {  	v39 =	vsub.f32 v2, v37;
	[tilespmem:$0xC70] =	vst v40  }
0x9c: {  	v4 =	vsub.f32 v2, v40;
	[tilespmem:$0x1050] =	vst v36  }
0x9d: {  	s16 =	sor.u32 $0x20, s6;
	[tilespmem:$0x1060] =	vst v39  }
0x9e: {  	s18 =	simm.s32 $0x780;
	s17 =	sadd.s32 s5, s16;
	[tilespmem:$0x1070] =	vst v4  }
0x9f: {  	[hbm4b:s17+s3] =	stream.linear.scatter [tilespmem:s18], [sflag:$0x2], $0x100, $0x38;
	[tilespmem:$0x1280] =	vst v63  }
0xa0: {  	s20 =	simm.s32 $0xB80;
	s19 =	sadd.s32 s4, s16  }
0xa1: {  	[hbm4b:s19+s3] =	stream.linear.scatter [tilespmem:s20], [sflag:$0x2], $0x100, $0x38;
	[tilespmem:$0x1280] =	vst v63  }
0xa2: {  	s21 =	simm.s32 $0xF80;
	s9 =	sadd.s32 s2, s16  }
0xa3: {  	[hbm4b:s9+s3] =	stream.linear.scatter [tilespmem:s21], [sflag:$0x2], $0x100, $0x38;
	[tilespmem:$0x1280] =	vst v63  }
0xa4: {  	_ =	swait.ge [sflag:s31], $0x200  }
0xa5: {  	[sflag:s31] =	ssyncset.done $0x0  }
0xa6: {  	[sflag:s31] =	ssyncadd.s32 $0xFFFFFE00  }
0xa7: {  	[tilespmem:$0x880] =	vst v2  }
0xa8: {  	[tilespmem:$0x890] =	vst v2  }
0xa9: {  	[tilespmem:$0x8A0] =	vst v2  }
0xaa: {  	[tilespmem:$0x8B0] =	vst v2  }
0xab: {  	[tilespmem:$0x8C0] =	vst v2  }
0xac: {  	v41 =	vld [tilespmem:$0x200];
	[tilespmem:$0x8D0] =	vst v2  }
0xad: {  	v42 =	vld [tilespmem:$0x210];
	[tilespmem:$0x8E0] =	vst v2  }
0xae: {  	v43 =	vld [tilespmem:$0x220];
	[tilespmem:$0x8F0] =	vst v2  }
0xaf: {  	v44 =	vld [tilespmem:$0x230];
	[tilespmem:$0x900] =	vst v2  }
0xb0: {  	[tilespmem:$0x910] =	vst v2  }
0xb1: {  	[tilespmem:$0x920] =	vst v2;
	v3 =	vcvt.s32.f32 v41  }
0xb2: {  	[tilespmem:$0x930] =	vst v2;
	v4 =	vcvt.s32.f32 v42  }
0xb3: {  	[tilespmem:$0x940] =	vst v2;
	v5 =	vcvt.s32.f32 v43;
	v3 =	vmul.f32 v3, v1  }
0xb4: {  	v47 =	vld [tilespmem:$0x240];
	[tilespmem:$0x950] =	vst v2;
	v6 =	vcvt.s32.f32 v44;
	v4 =	vmul.f32 v4, v1  }
0xb5: {  	v50 =	vld [tilespmem:$0x250];
	[tilespmem:$0x960] =	vst v2;
	v5 =	vmul.f32 v5, v1;
	v3 =	vadd.f32 v3, v0  }
0xb6: {  	v53 =	vld [tilespmem:$0x260];
	[tilespmem:$0x970] =	vst v2;
	v6 =	vmul.f32 v6, v1;
	v46 =	vadd.f32 v4, v0  }
0xb7: {  	v49 =	vadd.f32 v5, v0;
	[tilespmem:$0xC80] =	vst v3  }
0xb8: {  	v52 =	vadd.f32 v6, v0;
	[tilespmem:$0xC90] =	vst v46  }
0xb9: {  	v4 =	vcvt.s32.f32 v47;
	v45 =	vsub.f32 v2, v3;
	[tilespmem:$0xCA0] =	vst v49  }
0xba: {  	v56 =	vld [tilespmem:$0x270];
	v5 =	vcvt.s32.f32 v50;
	v48 =	vsub.f32 v2, v46;
	[tilespmem:$0xCB0] =	vst v52  }
0xbb: {  	v59 =	vld [tilespmem:$0x280];
	v6 =	vcvt.s32.f32 v53;
	v51 =	vsub.f32 v2, v49;
	v4 =	vmul.f32 v4, v1;
	[tilespmem:$0x1080] =	vst v45  }
0xbc: {  	v62 =	vld [tilespmem:$0x290];
	v54 =	vsub.f32 v2, v52;
	v5 =	vmul.f32 v5, v1;
	[tilespmem:$0x1090] =	vst v48  }
0xbd: {  	v6 =	vmul.f32 v6, v1;
	[tilespmem:$0x10A0] =	vst v51;
	v55 =	vadd.f32 v4, v0  }
0xbe: {  	[tilespmem:$0x10B0] =	vst v54;
	v58 =	vadd.f32 v5, v0  }
0xbf: {  	v4 =	vcvt.s32.f32 v56;
	v61 =	vadd.f32 v6, v0;
	[tilespmem:$0xCC0] =	vst v55  }
0xc0: {  	v10 =	vld [tilespmem:$0x2A0];
	v5 =	vcvt.s32.f32 v59;
	v57 =	vsub.f32 v2, v55;
	[tilespmem:$0xCD0] =	vst v58  }
0xc1: {  	v13 =	vld [tilespmem:$0x2B0];
	v6 =	vcvt.s32.f32 v62;
	v60 =	vsub.f32 v2, v58;
	v4 =	vmul.f32 v4, v1;
	[tilespmem:$0xCE0] =	vst v61  }
0xc2: {  	v16 =	vld [tilespmem:$0x2C0];
	v63 =	vsub.f32 v2, v61;
	v5 =	vmul.f32 v5, v1;
	[tilespmem:$0x10C0] =	vst v57  }
0xc3: {  	v6 =	vmul.f32 v6, v1;
	[tilespmem:$0x10D0] =	vst v60;
	v9 =	vadd.f32 v4, v0  }
0xc4: {  	[tilespmem:$0x10E0] =	vst v63;
	v12 =	vadd.f32 v5, v0  }
0xc5: {  	v4 =	vcvt.s32.f32 v10;
	v15 =	vadd.f32 v6, v0;
	[tilespmem:$0xCF0] =	vst v9  }
0xc6: {  	v19 =	vld [tilespmem:$0x2D0];
	v5 =	vcvt.s32.f32 v13;
	v11 =	vsub.f32 v2, v9;
	[tilespmem:$0xD00] =	vst v12  }
0xc7: {  	v22 =	vld [tilespmem:$0x2E0];
	v6 =	vcvt.s32.f32 v16;
	v14 =	vsub.f32 v2, v12;
	v4 =	vmul.f32 v4, v1;
	[tilespmem:$0xD10] =	vst v15  }
0xc8: {  	v25 =	vld [tilespmem:$0x2F0];
	v17 =	vsub.f32 v2, v15;
	v5 =	vmul.f32 v5, v1;
	[tilespmem:$0x10F0] =	vst v11  }
0xc9: {  	v6 =	vmul.f32 v6, v1;
	[tilespmem:$0x1100] =	vst v14;
	v18 =	vadd.f32 v4, v0  }
0xca: {  	[tilespmem:$0x1110] =	vst v17;
	v21 =	vadd.f32 v5, v0  }
0xcb: {  	v4 =	vcvt.s32.f32 v19;
	v24 =	vadd.f32 v6, v0;
	[tilespmem:$0xD20] =	vst v18  }
0xcc: {  	v5 =	vcvt.s32.f32 v22;
	v20 =	vsub.f32 v2, v18;
	[tilespmem:$0xD30] =	vst v21  }
0xcd: {  	v6 =	vcvt.s32.f32 v25;
	v23 =	vsub.f32 v2, v21;
	v4 =	vmul.f32 v4, v1;
	[tilespmem:$0xD40] =	vst v24  }
0xce: {  	v26 =	vsub.f32 v2, v24;
	v28 =	vmul.f32 v5, v1;
	[tilespmem:$0x1120] =	vst v20  }
0xcf: {  	v31 =	vmul.f32 v6, v1;
	[tilespmem:$0x1130] =	vst v23;
	v27 =	vadd.f32 v4, v0  }
0xd0: {  	[tilespmem:$0x1140] =	vst v26;
	v30 =	vadd.f32 v28, v0  }
0xd1: {  	v33 =	vadd.f32 v31, v0;
	[tilespmem:$0xD50] =	vst v27  }
0xd2: {  	v29 =	vsub.f32 v2, v27;
	[tilespmem:$0xD60] =	vst v30  }
0xd3: {  	v32 =	vsub.f32 v2, v30;
	[tilespmem:$0xD70] =	vst v33  }
0xd4: {  	v4 =	vsub.f32 v2, v33;
	[tilespmem:$0x1150] =	vst v29  }
0xd5: {  	[tilespmem:$0x1160] =	vst v32  }
0xd6: {  	s23 =	simm.s32 $0x880;
	s22 =	sadd.s32 s5, s7;
	[tilespmem:$0x1170] =	vst v4  }
0xd7: {  	[hbm4b:s22+s3] =	stream.linear.scatter [tilespmem:s23], [sflag:$0x2], $0x100, $0x38;
	[tilespmem:$0x1280] =	vst v63  }
0xd8: {  	s24 =	sadd.s32 s4, s7;
	s25 =	simm.s32 $0xC80  }
0xd9: {  	[hbm4b:s24+s3] =	stream.linear.scatter [tilespmem:s25], [sflag:$0x2], $0x100, $0x38;
	[tilespmem:$0x1280] =	vst v63  }
0xda: {  	s7 =	sadd.s32 s2, s7;
	s26 =	simm.s32 $0x1080  }
0xdb: {  	[hbm4b:s7+s3] =	stream.linear.scatter [tilespmem:s26], [sflag:$0x2], $0x100, $0x38;
	[tilespmem:$0x1280] =	vst v63  }
0xdc: {  	[tilespmem:$0x980] =	vst v2  }
0xdd: {  	[tilespmem:$0x990] =	vst v2  }
0xde: {  	[tilespmem:$0x9A0] =	vst v2  }
0xdf: {  	[tilespmem:$0x9B0] =	vst v2  }
0xe0: {  	[tilespmem:$0x9C0] =	vst v2  }
0xe1: {  	v34 =	vld [tilespmem:$0x300];
	[tilespmem:$0x9D0] =	vst v2  }
0xe2: {  	v35 =	vld [tilespmem:$0x310];
	[tilespmem:$0x9E0] =	vst v2  }
0xe3: {  	v36 =	vld [tilespmem:$0x320];
	[tilespmem:$0x9F0] =	vst v2  }
0xe4: {  	v37 =	vld [tilespmem:$0x330];
	[tilespmem:$0xA00] =	vst v2  }
0xe5: {  	v40 =	vld [tilespmem:$0x350];
	[tilespmem:$0xA10] =	vst v2  }
0xe6: {  	v42 =	vld [tilespmem:$0x360];
	[tilespmem:$0xA20] =	vst v2;
	v3 =	vcvt.s32.f32 v34  }
0xe7: {  	[tilespmem:$0xA30] =	vst v2;
	v4 =	vcvt.s32.f32 v35  }
0xe8: {  	v38 =	vld [tilespmem:$0x340];
	[tilespmem:$0xA40] =	vst v2;
	v5 =	vcvt.s32.f32 v36;
	v3 =	vmul.f32 v3, v1  }
0xe9: {  	[tilespmem:$0xA50] =	vst v2;
	v6 =	vcvt.s32.f32 v37;
	v4 =	vmul.f32 v4, v1  }
0xea: {  	v44 =	vld [tilespmem:$0x370];
	[tilespmem:$0xA60] =	vst v2;
	v9 =	vcvt.s32.f32 v40;
	v5 =	vmul.f32 v5, v1;
	v3 =	vadd.f32 v3, v0  }
0xeb: {  	v48 =	vld [tilespmem:$0x380];
	[tilespmem:$0xA70] =	vst v2;
	v7 =	vcvt.s32.f32 v42;
	v6 =	vmul.f32 v6, v1;
	v4 =	vadd.f32 v4, v0  }
0xec: {  	v47 =	vmul.f32 v9, v1;
	v5 =	vadd.f32 v5, v0;
	[tilespmem:$0xD80] =	vst v3  }
0xed: {  	v41 =	vcvt.s32.f32 v38;
	v7 =	vmul.f32 v7, v1;
	v6 =	vadd.f32 v6, v0;
	[tilespmem:$0xD90] =	vst v4  }
0xee: {  	v51 =	vld [tilespmem:$0x390];
	v50 =	vadd.f32 v47, v0;
	[tilespmem:$0xDA0] =	vst v5  }
0xef: {  	v7 =	vadd.f32 v7, v0;
	v39 =	vsub.f32 v2, v3;
	v3 =	vmul.f32 v41, v1;
	[tilespmem:$0xDB0] =	vst v6  }
0xf0: {  	v53 =	vcvt.s32.f32 v48;
	v43 =	vsub.f32 v2, v4;
	v4 =	vcvt.s32.f32 v44;
	[tilespmem:$0xDD0] =	vst v50  }
0xf1: {  	[tilespmem:$0xDE0] =	vst v7;
	v3 =	vadd.f32 v3, v0  }
0xf2: {  	v57 =	vld [tilespmem:$0x3A0];
	v45 =	vsub.f32 v2, v5;
	v5 =	vmul.f32 v53, v1;
	[tilespmem:$0x1180] =	vst v39;
	v4 =	vmul.f32 v4, v1  }
0xf3: {  	v58 =	vld [tilespmem:$0x3B0];
	v49 =	vsub.f32 v2, v3;
	[tilespmem:$0xDC0] =	vst v3;
	v3 =	vcvt.s32.f32 v51  }
0xf4: {  	[tilespmem:$0x1190] =	vst v43;
	v56 =	vadd.f32 v5, v0;
	v4 =	vadd.f32 v4, v0  }
0xf5: {  	v46 =	vsub.f32 v2, v6;
	[tilespmem:$0x11A0] =	vst v45;
	v3 =	vmul.f32 v3, v1  }
0xf6: {  	v59 =	vld [tilespmem:$0x3C0];
	v55 =	vsub.f32 v2, v4;
	[tilespmem:$0xDF0] =	vst v4;
	v4 =	vsub.f32 v2, v56  }
0xf7: {  	[tilespmem:$0x11B0] =	vst v46;
	v5 =	vcvt.s32.f32 v57;
	v3 =	vadd.f32 v3, v0  }
0xf8: {  	v52 =	vsub.f32 v2, v50;
	[tilespmem:$0x1200] =	vst v4;
	v4 =	vcvt.s32.f32 v58  }
0xf9: {  	v5 =	vmul.f32 v5, v1;
	[tilespmem:$0xE10] =	vst v3;
	v3 =	vsub.f32 v2, v3  }
0xfa: {  	v60 =	vld [tilespmem:$0x3D0];
	v54 =	vsub.f32 v2, v7;
	[tilespmem:$0x11D0] =	vst v52;
	v4 =	vmul.f32 v4, v1  }
0xfb: {  	v5 =	vadd.f32 v5, v0;
	[tilespmem:$0x1210] =	vst v3;
	v3 =	vcvt.s32.f32 v59  }
0xfc: {  	v61 =	vld [tilespmem:$0x3E0];
	[tilespmem:$0x11E0] =	vst v54;
	v4 =	vadd.f32 v4, v0  }
0xfd: {  	[tilespmem:$0xE20] =	vst v5;
	v5 =	vsub.f32 v2, v5;
	v3 =	vmul.f32 v3, v1  }
0xfe: {  	v62 =	vld [tilespmem:$0x3F0];
	[tilespmem:$0xE30] =	vst v4;
	v4 =	vsub.f32 v2, v4  }
0xff: {  	[tilespmem:$0x1220] =	vst v5;
	v5 =	vcvt.s32.f32 v60;
	v3 =	vadd.f32 v3, v0  }
0x100: {  	[tilespmem:$0x1230] =	vst v4  }
0x101: {  	v5 =	vmul.f32 v5, v1;
	v4 =	vcvt.s32.f32 v61;
	[tilespmem:$0xE40] =	vst v3;
	v3 =	vsub.f32 v2, v3  }
0x102: {  	[tilespmem:$0xE00] =	vst v56  }
0x103: {  	v5 =	vadd.f32 v5, v0;
	v4 =	vmul.f32 v4, v1;
	[tilespmem:$0x1240] =	vst v3;
	v3 =	vcvt.s32.f32 v62  }
0x104: {  	[tilespmem:$0x11C0] =	vst v49  }
0x105: {  	[tilespmem:$0xE50] =	vst v5;
	v5 =	vsub.f32 v2, v5;
	v4 =	vadd.f32 v4, v0;
	v1 =	vmul.f32 v3, v1  }
0x106: {  	[tilespmem:$0x11F0] =	vst v55  }
0x107: {  	[tilespmem:$0x1250] =	vst v5;
	v63 =	vsub.f32 v2, v4;
	v0 =	vadd.f32 v1, v0  }
0x108: {  	[tilespmem:$0xE60] =	vst v4  }
0x109: {  	[tilespmem:$0x1260] =	vst v63;
	v1 =	vsub.f32 v2, v0  }
0x10a: {  	s6 =	sor.u32 $0x60, s6;
	[tilespmem:$0xE70] =	vst v0  }
0x10b: {  	s28 =	simm.s32 $0x980;
	s5 =	sadd.s32 s5, s6;
	[tilespmem:$0x1270] =	vst v1  }
0x10c: {  	[hbm4b:s5+s3] =	stream.linear.scatter [tilespmem:s28], [sflag:$0x2], $0x100, $0x38;
	[tilespmem:$0x1280] =	vst v63  }
0x10d: {  	s29 =	simm.s32 $0xD80;
	s4 =	sadd.s32 s4, s6  }
0x10e: {  	[hbm4b:s4+s3] =	stream.linear.scatter [tilespmem:s29], [sflag:$0x2], $0x100, $0x38;
	[tilespmem:$0x1280] =	vst v63  }
0x10f: {  	s2 =	sadd.s32 s2, s6;
	s30 =	simm.s32 $0x1180;
	s31 =	simm.s32 $0x2  }
0x110: {  	[hbm4b:s2+s3] =	stream.linear.scatter [tilespmem:s30], [sflag:$0x2], $0x100, $0x38;
	[tilespmem:$0x1280] =	vst v63  }
0x111: {  	_ =	swait.ge [sflag:s31], $0x100  }
0x112: {  	[sflag:s31] =	ssyncset.done $0x0  }
0x113: {  	[sflag:s31] =	ssyncadd.s32 $0xFFFFFF00  }
0x114: {  	_ =	swait.ge [sflag:s31], $0x100  }
0x115: {  	[sflag:s31] =	ssyncset.done $0x0  }
0x116: {  	[sflag:s31] =	ssyncadd.s32 $0xFFFFFF00  }
0x117: {  	_ =	swait.ge [sflag:s31], $0x100  }
0x118: {  	[sflag:s31] =	ssyncset.done $0x0  }
0x119: {  	[sflag:s31] =	ssyncadd.s32 $0xFFFFFF00  }
0x11a: {  	_ =	swait.ge [sflag:s31], $0x100  }
0x11b: {  	[sflag:s31] =	ssyncset.done $0x0  }
0x11c: {  	[sflag:s31] =	ssyncadd.s32 $0xFFFFFF00  }
0x11d: {  	_ =	swait.ge [sflag:s31], $0x100  }
0x11e: {  	[sflag:s31] =	ssyncset.done $0x0  }
0x11f: {  	[sflag:s31] =	ssyncadd.s32 $0xFFFFFF00  }
0x120: {  	_ =	swait.ge [sflag:s31], $0x100  }
0x121: {  	[sflag:s31] =	ssyncset.done $0x0  }
0x122: {  	[sflag:s31] =	ssyncadd.s32 $0xFFFFFF00  }
0x123: {  	_ =	swait.ge [sflag:s31], $0x100  }
0x124: {  	[sflag:s31] =	ssyncset.done $0x0  }
0x125: {  	[sflag:s31] =	ssyncadd.s32 $0xFFFFFF00  }
0x126: {  	_ =	swait.ge [sflag:s31], $0x100  }
0x127: {  	[sflag:s31] =	ssyncset.done $0x0  }
0x128: {  	[sflag:s31] =	ssyncadd.s32 $0xFFFFFF00  }
0x129: {  	_ =	swait.ge [sflag:s31], $0x100  }
0x12a: {  	[sflag:s31] =	ssyncset.done $0x0  }
0x12b: {  	[sflag:s31] =	ssyncadd.s32 $0xFFFFFF00  }
0x12c: {  	_ =	swait.ge [sflag:s31], $0x100  }
0x12d: {  	[sflag:s31] =	ssyncset.done $0x0  }
0x12e: {  	[sflag:s31] =	ssyncadd.s32 $0xFFFFFF00  }
0x12f: {  	_ =	swait.ge [sflag:s31], $0x100  }
0x130: {  	[sflag:s31] =	ssyncset.done $0x0  }
0x131: {  	[sflag:s31] =	ssyncadd.s32 $0xFFFFFF00  }
0x132: {  	_ =	swait.ge [sflag:s31], $0x100  }
0x133: {  	[sflag:s31] =	ssyncset.done $0x0  }
0x134: {  	[sflag:s31] =	ssyncadd.s32 $0xFFFFFF00  }
0x135: {  	_ =	sfence.sel $0x180000  }
0x136: {  	[bflag:$0x0] =	sbarrier.arrive $0xFFFF  }
0x137: {  	p0 =	sne.s32 s1, $0x0;
	_ =	strace $0x90000047  }
0x138: {  	s0 =	sadd.s32 @!p0 $0x100000, s0;
	[bflag:$0x2] =	sbarrier.arrive $0xFFFF  }
0x139: {  	[sflag:s0] =	ssyncadd.tile.s32 @!p0 $0x1;
	_ =	shalt  }
.Lfunc_end2:
_tile_overlayer_lowered:
.L_overlay_start_2:
0x13a: {  	(tag) =	ssettag $0x2  }
0x13b: {  	s0 =	rddreg [dreg:$0x0];
	s2 =	stileid.u32  }
0x13c: {  	s1 =	rddreg [dreg:$0x1];
	p0 =	sne.s32 s2, $0x0  }
0x13d: {  	s3 =	rddreg [dreg:$0x2];
	[bflag:$0x3] =	sbarrier.arrive $0xFFFF;
	s2 =	simm.s32 @!p0 $0x1C03  }
0x13e: {  	[timem:s3], [sflag:s2] =	dma.local @!p0 [hbm:s0], s1  }
0x13f: {  	s0 =	simm.s32 @!p0 $0x3  }
0x140: {  	_ =	swait.ge @!p0 [sflag:s0], s1  }
0x141: {  	s1 =	ssub.s32 @!p0 $0x0, s1;
	[sflag:s0] =	ssyncset.done @!p0 $0x0  }
0x142: {  	[sflag:s0] =	ssyncadd.s32 @!p0 s1  }
0x143: {  	[bflag:$0x3] =	sbarrier.arrive $0xFFFF  }
0x144: {  	_ =	shalt  }

</sc_bundles>
